<compile_context>
chip_gen: v7x
topology: tpu7x:2x2x1
jax: 0.10.2.dev20260603
libtpu: 0.0.44.dev20260713+nightly
codegen_flags: <defaults>
</compile_context>

<pallas_src>
import functools

import jax
import jax.numpy as jnp
from jax import lax
from jax.experimental import pallas as pl
from jax.experimental.pallas import tpu as pltpu
from jax.experimental.pallas import tpu_sc as plsc

N_NODES = 10000
D = 128
N_EDGES = 320000
EPS = 1e-5

NC = 2
NS = 16
NW = NC * NS

CHUNK = 88
NCHUNK = 116
EDGES_PER_TILE = NCHUNK * CHUNK
E_PAD = EDGES_PER_TILE * NW
ACC_ROWS = 10240
ZROWS = ACC_ROWS // NS
OUT_PER_TILE = (N_NODES // NS) // 8 * 8
OUT_TAIL = N_NODES - NS * OUT_PER_TILE



NBUF = 4
ZCP = 80


def _sc_agg_body(h_hbm, src_hbm, dst_hbm, out_hbm, acc_sh, srcs, dst_v,
                 rows, semg):
    cid = lax.axis_index("c")
    sid = lax.axis_index("s")
    wid = cid * NS + sid

    zv = jnp.zeros((16,), jnp.float32)

    def zbuf(t, _):
        i = t // (D // 16)
        j = t % (D // 16)
        rows[0][i, pl.ds(j * 16, 16)] = zv
        return 0

    lax.fori_loop(0, CHUNK * (D // 16), zbuf, 0)

    def zcp(k, _):
        pltpu.sync_copy(rows[0].at[pl.ds(0, ZCP)],
                        acc_sh.at[pl.ds(sid * ZROWS + k * ZCP, ZCP)])
        return 0

    lax.fori_loop(0, ZROWS // ZCP, zcp, 0)
    plsc.subcore_barrier()

    base = wid * EDGES_PER_TILE

    for b in range(NBUF):
        pltpu.sync_copy(src_hbm.at[pl.ds(base + b * CHUNK, CHUNK)], srcs[b])
        pltpu.async_copy(h_hbm.at[srcs[b]], rows[b], semg[b])

    def step(i, _):
        for b in range(NBUF):
            c = i * NBUF + b
            off = base + c * CHUNK
            pltpu.make_async_copy(h_hbm.at[srcs[b]], rows[b], semg[b]).wait()
            pltpu.sync_copy(dst_hbm.at[pl.ds(off, CHUNK)], dst_v)
            pltpu.sync_copy(rows[b], acc_sh.at[dst_v], add=True)

            @pl.when(c < NCHUNK - NBUF)
            def _refill():
                pltpu.sync_copy(
                    src_hbm.at[pl.ds(off + NBUF * CHUNK, CHUNK)], srcs[b])
                pltpu.async_copy(h_hbm.at[srcs[b]], rows[b], semg[b])

        return 0

    lax.fori_loop(0, NCHUNK // NBUF, step, 0)
    plsc.subcore_barrier()

    pltpu.sync_copy(acc_sh.at[pl.ds(sid * OUT_PER_TILE, OUT_PER_TILE)],
                    out_hbm.at[cid, pl.ds(sid * OUT_PER_TILE, OUT_PER_TILE)])

    @pl.when(sid == 0)
    def _tail():
        pltpu.sync_copy(acc_sh.at[pl.ds(NS * OUT_PER_TILE, OUT_TAIL)],
                        out_hbm.at[cid, pl.ds(NS * OUT_PER_TILE, OUT_TAIL)])


@functools.cache
def _make_sc_agg():
    return pl.kernel(
        _sc_agg_body,
        out_type=jax.ShapeDtypeStruct((NC, N_NODES, D), jnp.float32),
        mesh=plsc.VectorSubcoreMesh(core_axis_name="c", subcore_axis_name="s",
                                    num_cores=NC, num_subcores=NS),
        scratch_types=[
            pltpu.VMEM_SHARED((ACC_ROWS, D), jnp.float32),
            tuple(pltpu.VMEM((CHUNK,), jnp.int32) for _ in range(NBUF)),
            pltpu.VMEM((CHUNK,), jnp.int32),
            tuple(pltpu.VMEM((CHUNK, D), jnp.float32) for _ in range(NBUF)),
            tuple(pltpu.SemaphoreType.DMA for _ in range(NBUF)),
        ],
    )



def _mm_body(x_ref, w_ref, o_ref):
    o_ref[...] = jnp.dot(x_ref[...], w_ref[...],
                         preferred_element_type=jnp.float32)


_mm = pl.pallas_call(
    _mm_body,
    out_shape=jax.ShapeDtypeStruct((N_NODES, D), jnp.float32),
)


def _bn_mm_body(a_ref, b_ref, g_ref, bt_ref, w_ref, o_ref):
    t = a_ref[0] + a_ref[1] + b_ref[...]
    mean = jnp.mean(t, axis=0, keepdims=True)
    d = t - mean
    var = jnp.mean(d * d, axis=0, keepdims=True)
    xhat = d * lax.rsqrt(var + EPS)
    y = jnp.maximum(xhat * g_ref[...] + bt_ref[...], 0.0)
    o_ref[...] = jnp.dot(y, w_ref[...], preferred_element_type=jnp.float32)


_bn_mm = pl.pallas_call(
    _bn_mm_body,
    out_shape=jax.ShapeDtypeStruct((N_NODES, D), jnp.float32),
)


def _final_body(a_ref, b_ref, o_ref):
    o_ref[...] = a_ref[0] + a_ref[1] + b_ref[...]


_final = pl.pallas_call(
    _final_body,
    out_shape=jax.ShapeDtypeStruct((N_NODES, D), jnp.float32),
)



@jax.jit
def kernel(nf_mat, conv_mat, W1, b1, g1, bt1, W2, b2, g2, bt2, W3, b3):
    src = conv_mat[0].astype(jnp.int32)
    dst = conv_mat[1].astype(jnp.int32)
    pad = E_PAD - N_EDGES
    src_p = jnp.concatenate([src, jnp.zeros((pad,), jnp.int32)])
    dst_p = jnp.concatenate([dst, jnp.full((pad,), N_NODES, jnp.int32)])
    b1r = b1.reshape(1, D)
    b3r = b3.reshape(1, D)
    b2r = b2.reshape(1, D)
    g1r = g1.reshape(1, D)
    g2r = g2.reshape(1, D)
    bt1r = bt1.reshape(1, D)
    bt2r = bt2.reshape(1, D)

    sc_agg = _make_sc_agg()
    h = _mm(nf_mat, W1)
    a = sc_agg(h, src_p, dst_p)
    h = _bn_mm(a, b1r, g1r, bt1r, W2)
    a = sc_agg(h, src_p, dst_p)
    h = _bn_mm(a, b2r, g2r, bt2r, W3)
    a = sc_agg(h, src_p, dst_p)
    return _final(a, b3r)

# --- scband reference (transcript-rebuilt; emitter-appended) ---
"""Pipeline reference for scband-standard-gcn-26551487824427 (READ-ONLY COPY).

The authoritative reference and input builder live on the scoring server;
editing this copy changes nothing except your own understanding.
"""

import jax, jax.numpy as jnp
import numpy as np

N_NODES = 10000
D = 128
N_EDGES = 320000
EPS = 1e-5


def setup_inputs(seed: int = 0) -> dict:
    key = jax.random.key(seed)
    ks = jax.random.split(key, 16)
    nf_mat = jax.random.normal(ks[0], (N_NODES, D), dtype=jnp.float32)
    conv_mat = jax.random.randint(ks[1], (2, N_EDGES), 0, N_NODES, dtype=jnp.int64)
    scale = 1.0 / np.sqrt(D)
    W1 = jax.random.normal(ks[2], (D, D), dtype=jnp.float32) * scale
    b1 = jnp.zeros((D,), dtype=jnp.float32)
    g1 = jnp.ones((D,), dtype=jnp.float32)
    bt1 = jnp.zeros((D,), dtype=jnp.float32)
    W2 = jax.random.normal(ks[3], (D, D), dtype=jnp.float32) * scale
    b2 = jnp.zeros((D,), dtype=jnp.float32)
    g2 = jnp.ones((D,), dtype=jnp.float32)
    bt2 = jnp.zeros((D,), dtype=jnp.float32)
    W3 = jax.random.normal(ks[4], (D, D), dtype=jnp.float32) * scale
    b3 = jnp.zeros((D,), dtype=jnp.float32)
    return {"nf_mat": nf_mat, "conv_mat": conv_mat, "W1": W1, "b1": b1, "g1": g1, "bt1": bt1, "W2": W2, "b2": b2, "g2": g2, "bt2": bt2, "W3": W3, "b3": b3}


def _gcn_conv(x, edge_index, W, b):
    # GCNConv with normalize=False, no edge_weight: linear transform then
    # scatter-add messages from source nodes to destination nodes, plus bias.
    h = x @ W
    src = edge_index[0]
    dst = edge_index[1]
    msgs = jnp.take(h, src, axis=0)
    out = jax.ops.segment_sum(msgs, dst, num_segments=N_NODES)
    return out + b


def _batchnorm(x, gamma, beta):
    mean = jnp.mean(x, axis=0, keepdims=True)
    var = jnp.var(x, axis=0, keepdims=True)
    xhat = (x - mean) / jnp.sqrt(var + EPS)
    return xhat * gamma + beta


def reference(nf_mat, conv_mat, W1, b1, g1, bt1, W2, b2, g2, bt2, W3, b3):
    # layer 1
    h = _gcn_conv(nf_mat, conv_mat, W1, b1)
    h = _batchnorm(h, g1, bt1)
    h = jax.nn.relu(h)
    # dropout p=0.0 -> identity
    # layer 2
    h = _gcn_conv(h, conv_mat, W2, b2)
    h = _batchnorm(h, g2, bt2)
    h = jax.nn.relu(h)
    # layer 3 (output)
    h = _gcn_conv(h, conv_mat, W3, b3)
    return h

if __name__ == "__main__":
    import jax
    _d = setup_inputs()
    print(jax.jit(kernel)(*tuple(_d.values())))

</pallas_src>

<mosaic_0001>
#map = affine_map<(d0, d1) -> (0, 0)>
#map1 = affine_map<(d0, d1) -> (0)>
#map2 = affine_map<(d0, d1) -> (0, 0, 0)>
module attributes {stable_mosaic.version = 14 : i64} {
  func.func @_sc_agg_body(%arg0: i32, %arg1: i32, %arg2: memref<10000x128xf32, #tpu.memory_space<hbm>>, %arg3: memref<326656xi32, #tpu.memory_space<hbm>>, %arg4: memref<326656xi32, #tpu.memory_space<hbm>>, %arg5: memref<2x10000x128xf32, #tpu.memory_space<hbm>>, %arg6: memref<10240x128xf32, #tpu.memory_space<vmem_shared>>, %arg7: memref<88xi32, #tpu.memory_space<vmem>>, %arg8: memref<88xi32, #tpu.memory_space<vmem>>, %arg9: memref<88xi32, #tpu.memory_space<vmem>>, %arg10: memref<88xi32, #tpu.memory_space<vmem>>, %arg11: memref<88xi32, #tpu.memory_space<vmem>>, %arg12: memref<88x128xf32, #tpu.memory_space<vmem>>, %arg13: memref<88x128xf32, #tpu.memory_space<vmem>>, %arg14: memref<88x128xf32, #tpu.memory_space<vmem>>, %arg15: memref<88x128xf32, #tpu.memory_space<vmem>>, %arg16: memref<!tpu.dma_semaphore, #tpu.memory_space<semaphore_mem>>, %arg17: memref<!tpu.dma_semaphore, #tpu.memory_space<semaphore_mem>>, %arg18: memref<!tpu.dma_semaphore, #tpu.memory_space<semaphore_mem>>, %arg19: memref<!tpu.dma_semaphore, #tpu.memory_space<semaphore_mem>>) attributes {dimension_semantics = [#tpu.dimension_semantics<core_parallel>, #tpu.dimension_semantics<subcore_parallel>], iteration_bounds = array<i64: 2, 16>, scalar_prefetch = 0 : i64, scratch_operands = 14 : i64, tpu.core_type = #tpu.core_type<sc_vector_subcore>, window_params = [{transform_indices = #map}, {transform_indices = #map1}, {transform_indices = #map1}, {transform_indices = #map2}]} {
    %mul3A = arith.constant 16 : i32
    %mul3A_0 = arith.muli %arg0, %mul3A : i32
    %add3A = arith.addi %mul3A_0, %arg1 : i32
    %broadcast_in_dim3A = arith.constant 0.000000e+00 : f32
    %broadcast_in_dim3A_1 = vector.broadcast %broadcast_in_dim3A : f32 to vector<16xf32>
    %scan3A = arith.constant 0 : i32
    %scan3A_2 = arith.constant 0 : i32
    %scan3A_3 = arith.constant 704 : i32
    %scan3A_4 = arith.addi %scan3A_2, %scan3A_3 : i32
    %scan3A_5 = arith.constant 1 : i32
    %scan3A_6 = scf.for %scan3A_50 = %scan3A_2 to %scan3A_4 step %scan3A_5 iter_args(%scan3A_51 = %scan3A) -> (i32)  : i32 {
      %jit3A = arith.constant 8 : i32
      %div3A = arith.divsi %scan3A_50, %jit3A : i32
      %sign3A = arith.constant 0 : i32
      %sign3A_52 = arith.cmpi sgt, %scan3A_50, %sign3A : i32
      %sign3A_53 = arith.extui %sign3A_52 : i1 to i32
      %sign3A_54 = arith.constant 0 : i32
      %sign3A_55 = arith.cmpi slt, %scan3A_50, %sign3A_54 : i32
      %sign3A_56 = arith.extui %sign3A_55 : i1 to i32
      %sign3A_57 = arith.subi %sign3A_53, %sign3A_56 : i32
      %sign3A_58 = arith.constant 0 : i32
      %sign3A_59 = arith.cmpi sgt, %jit3A, %sign3A_58 : i32
      %sign3A_60 = arith.extui %sign3A_59 : i1 to i32
      %sign3A_61 = arith.constant 0 : i32
      %sign3A_62 = arith.cmpi slt, %jit3A, %sign3A_61 : i32
      %sign3A_63 = arith.extui %sign3A_62 : i1 to i32
      %sign3A_64 = arith.subi %sign3A_60, %sign3A_63 : i32
      %ne3A = arith.cmpi ne, %sign3A_57, %sign3A_64 : i32
      %rem3A = arith.remsi %scan3A_50, %jit3A : i32
      %ne3A_65 = arith.constant 0 : i32
      %ne3A_66 = arith.cmpi ne, %rem3A, %ne3A_65 : i32
      %and3A = arith.andi %ne3A, %ne3A_66 : i1
      %sub3A = arith.constant 1 : i32
      %sub3A_67 = arith.subi %div3A, %sub3A : i32
      %select_n3A = arith.select %and3A, %sub3A_67, %div3A : i32
      %jit3A_68 = arith.constant 8 : i32
      %eq3A_69 = arith.constant 0 : i32
      %eq3A_70 = arith.cmpi eq, %jit3A_68, %eq3A_69 : i32
      %jit3A_71 = arith.constant 1 : i32
      %select_n3A_72 = arith.select %eq3A_70, %jit3A_71, %jit3A_68 : i32
      %rem3A_73 = arith.remsi %scan3A_50, %select_n3A_72 : i32
      %ne3A_74 = arith.constant 0 : i32
      %ne3A_75 = arith.cmpi ne, %rem3A_73, %ne3A_74 : i32
      %lt3A = arith.constant 0 : i32
      %lt3A_76 = arith.cmpi slt, %rem3A_73, %lt3A : i32
      %lt3A_77 = arith.constant 0 : i32
      %lt3A_78 = arith.cmpi slt, %select_n3A_72, %lt3A_77 : i32
      %ne3A_79 = arith.xori %lt3A_76, %lt3A_78 : i1
      %and3A_80 = arith.andi %ne3A_79, %ne3A_75 : i1
      %add3A_81 = arith.addi %rem3A_73, %select_n3A_72 : i32
      %select_n3A_82 = arith.select %and3A_80, %add3A_81, %rem3A_73 : i32
      %mul3A_83 = arith.constant 16 : i32
      %mul3A_84 = arith.muli %select_n3A_82, %mul3A_83 : i32
      %swap3A = arith.index_cast %select_n3A : i32 to index
      %swap3A_85 = arith.index_cast %mul3A_84 : i32 to index
      %swap3A_86 = tpu.vector_load %arg12[%swap3A, %swap3A_85] {strides = array<i32>} : memref<88x128xf32, #tpu.memory_space<vmem>>, vector<1x16xf32>,
      %swap3A_87 = vector.shape_cast %swap3A_86 : vector<1x16xf32> to vector<16xf32>
      %swap3A_88 = vector.shape_cast %broadcast_in_dim3A_1 : vector<16xf32> to vector<1x16xf32>
      tpu.vector_store %arg12[%swap3A, %swap3A_85], %swap3A_88 {strides = array<i32>} : memref<88x128xf32, #tpu.memory_space<vmem>>, vector<1x16xf32>,
      %scan3A_89 = arith.constant 0 : i32
      scf.yield %scan3A_89 : i32
    }
    %scan3A_7 = arith.constant 704 : i32
    %scan3A_8 = arith.constant 0 : i32
    %scan3A_9 = arith.constant 0 : i32
    %scan3A_10 = arith.constant 8 : i32
    %scan3A_11 = arith.addi %scan3A_9, %scan3A_10 : i32
    %scan3A_12 = arith.constant 1 : i32
    %scan3A_13 = scf.for %scan3A_50 = %scan3A_9 to %scan3A_11 step %scan3A_12 iter_args(%scan3A_51 = %scan3A_8) -> (i32)  : i32 {
      %mul3A_52 = arith.constant 640 : i32
      %mul3A_53 = arith.muli %arg1, %mul3A_52 : i32
      %mul3A_54 = arith.constant 80 : i32
      %mul3A_55 = arith.muli %scan3A_50, %mul3A_54 : i32
      %add3A_56 = arith.addi %mul3A_53, %mul3A_55 : i32
      "tpu.region"() ({
        %run_scoped3A = tpu.sem_alloc : memref<!tpu.dma_semaphore, #tpu.memory_space<semaphore_mem>>
        %dma_start3A_58 = arith.constant 0 : i32
        %dma_start3A_59 = arith.constant 0 : i32
        %dma_start3A_60 = tpu.memref_slice %arg12[%dma_start3A_58, %dma_start3A_59] : memref<88x128xf32, #tpu.memory_space<vmem>> -> memref<80x128xf32, #tpu.memory_space<vmem>>
        %dma_start3A_61 = arith.constant 0 : i32
        %dma_start3A_62 = tpu.memref_slice %arg6[%add3A_56, %dma_start3A_61] : memref<10240x128xf32, #tpu.memory_space<vmem_shared>> -> memref<80x128xf32, #tpu.memory_space<vmem_shared>>
        %dma_start3A_63 = arith.constant 0 : i32
        %dma_start3A_64 = tpu.memref_slice %arg6[%add3A_56, %dma_start3A_63] : memref<10240x128xf32, #tpu.memory_space<vmem_shared>> -> memref<80x128xf32, #tpu.memory_space<vmem_shared>>
        %dma_start3A_65 = arith.constant 0 : i32
        %dma_start3A_66 = arith.constant 0 : i32
        %dma_start3A_67 = tpu.memref_slice %arg12[%dma_start3A_65, %dma_start3A_66] : memref<88x128xf32, #tpu.memory_space<vmem>> -> memref<80x128xf32, #tpu.memory_space<vmem>>
        tpu.enqueue_dma source(%dma_start3A_67 : memref<80x128xf32, #tpu.memory_space<vmem>>) target(%dma_start3A_64 : memref<80x128xf32, #tpu.memory_space<vmem_shared>>) target_semaphore(%run_scoped3A : memref<!tpu.dma_semaphore, #tpu.memory_space<semaphore_mem>>)
        %dma_wait3A = arith.constant 0 : i32
        %dma_wait3A_68 = arith.constant 0 : i32
        %dma_wait3A_69 = tpu.memref_slice %arg12[%dma_wait3A, %dma_wait3A_68] : memref<88x128xf32, #tpu.memory_space<vmem>> -> memref<80x128xf32, #tpu.memory_space<vmem>>
        %dma_wait3A_70 = arith.constant 0 : i32
        %dma_wait3A_71 = tpu.memref_slice %arg6[%add3A_56, %dma_wait3A_70] : memref<10240x128xf32, #tpu.memory_space<vmem_shared>> -> memref<80x128xf32, #tpu.memory_space<vmem_shared>>
        %dma_wait3A_72 = arith.constant 0 : i32
        %dma_wait3A_73 = tpu.memref_slice %arg6[%add3A_56, %dma_wait3A_72] : memref<10240x128xf32, #tpu.memory_space<vmem_shared>> -> memref<80x128xf32, #tpu.memory_space<vmem_shared>>
        %dma_wait3A_74 = arith.constant 0 : i32
        %dma_wait3A_75 = arith.constant 0 : i32
        %dma_wait3A_76 = tpu.memref_slice %arg12[%dma_wait3A_74, %dma_wait3A_75] : memref<88x128xf32, #tpu.memory_space<vmem>> -> memref<80x128xf32, #tpu.memory_space<vmem>>
        tpu.wait_dma2 semaphore(%run_scoped3A : memref<!tpu.dma_semaphore, #tpu.memory_space<semaphore_mem>>) src(%dma_wait3A_76 : memref<80x128xf32, #tpu.memory_space<vmem>>) dst(%dma_wait3A_73 : memref<80x128xf32, #tpu.memory_space<vmem_shared>>)
        tpu.yield
      }) : () -> ()
      %scan3A_57 = arith.constant 0 : i32
      scf.yield %scan3A_57 : i32
    }
    %scan3A_14 = arith.constant 8 : i32
    %barrier3A = arith.constant 0 : index
    tpu.barrier barrier_id(%barrier3A)
    %mul3A_15 = arith.constant 10208 : i32
    %mul3A_16 = arith.muli %add3A, %mul3A_15 : i32
    %add3A_17 = arith.constant 0 : i32
    %add3A_18 = arith.addi %mul3A_16, %add3A_17 : i32
    "tpu.region"() ({
      %run_scoped3A = tpu.sem_alloc : memref<!tpu.dma_semaphore, #tpu.memory_space<semaphore_mem>>
      %dma_start3A_50 = tpu.memref_slice %arg3[%add3A_18] : memref<326656xi32, #tpu.memory_space<hbm>> -> memref<88xi32, #tpu.memory_space<hbm>>
      %dma_start3A_51 = tpu.memref_slice %arg3[%add3A_18] : memref<326656xi32, #tpu.memory_space<hbm>> -> memref<88xi32, #tpu.memory_space<hbm>>
      tpu.enqueue_dma source(%dma_start3A_51 : memref<88xi32, #tpu.memory_space<hbm>>) target(%arg7 : memref<88xi32, #tpu.memory_space<vmem>>) target_semaphore(%run_scoped3A : memref<!tpu.dma_semaphore, #tpu.memory_space<semaphore_mem>>)
      %dma_wait3A = tpu.memref_slice %arg3[%add3A_18] : memref<326656xi32, #tpu.memory_space<hbm>> -> memref<88xi32, #tpu.memory_space<hbm>>
      %dma_wait3A_52 = tpu.memref_slice %arg3[%add3A_18] : memref<326656xi32, #tpu.memory_space<hbm>> -> memref<88xi32, #tpu.memory_space<hbm>>
      tpu.wait_dma2 semaphore(%run_scoped3A : memref<!tpu.dma_semaphore, #tpu.memory_space<semaphore_mem>>) src(%dma_wait3A_52 : memref<88xi32, #tpu.memory_space<hbm>>) dst(%arg7 : memref<88xi32, #tpu.memory_space<vmem>>)
      tpu.yield
    }) : () -> ()
    %dma_start3A = arith.constant 0 : i32
    %dma_start3A_19 = arith.constant 0 : i32
    %dma_start3A_20 = tpu.memref_slice %arg2[%dma_start3A, %dma_start3A_19] : memref<10000x128xf32, #tpu.memory_space<hbm>> -> memref<10000x128xf32, #tpu.memory_space<hbm>>
    tpu.enqueue_indirect_dma source(%dma_start3A_20 : memref<10000x128xf32, #tpu.memory_space<hbm>>) target(%arg12 : memref<88x128xf32, #tpu.memory_space<vmem>>) offsets(%arg7 : memref<88xi32, #tpu.memory_space<vmem>>) semaphore(%arg16 : memref<!tpu.dma_semaphore, #tpu.memory_space<semaphore_mem>>)
    %add3A_21 = arith.constant 88 : i32
    %add3A_22 = arith.addi %mul3A_16, %add3A_21 : i32
    "tpu.region"() ({
      %run_scoped3A = tpu.sem_alloc : memref<!tpu.dma_semaphore, #tpu.memory_space<semaphore_mem>>
      %dma_start3A_50 = tpu.memref_slice %arg3[%add3A_22] : memref<326656xi32, #tpu.memory_space<hbm>> -> memref<88xi32, #tpu.memory_space<hbm>>
      %dma_start3A_51 = tpu.memref_slice %arg3[%add3A_22] : memref<326656xi32, #tpu.memory_space<hbm>> -> memref<88xi32, #tpu.memory_space<hbm>>
      tpu.enqueue_dma source(%dma_start3A_51 : memref<88xi32, #tpu.memory_space<hbm>>) target(%arg8 : memref<88xi32, #tpu.memory_space<vmem>>) target_semaphore(%run_scoped3A : memref<!tpu.dma_semaphore, #tpu.memory_space<semaphore_mem>>)
      %dma_wait3A = tpu.memref_slice %arg3[%add3A_22] : memref<326656xi32, #tpu.memory_space<hbm>> -> memref<88xi32, #tpu.memory_space<hbm>>
      %dma_wait3A_52 = tpu.memref_slice %arg3[%add3A_22] : memref<326656xi32, #tpu.memory_space<hbm>> -> memref<88xi32, #tpu.memory_space<hbm>>
      tpu.wait_dma2 semaphore(%run_scoped3A : memref<!tpu.dma_semaphore, #tpu.memory_space<semaphore_mem>>) src(%dma_wait3A_52 : memref<88xi32, #tpu.memory_space<hbm>>) dst(%arg8 : memref<88xi32, #tpu.memory_space<vmem>>)
      tpu.yield
    }) : () -> ()
    %dma_start3A_23 = arith.constant 0 : i32
    %dma_start3A_24 = arith.constant 0 : i32
    %dma_start3A_25 = tpu.memref_slice %arg2[%dma_start3A_23, %dma_start3A_24] : memref<10000x128xf32, #tpu.memory_space<hbm>> -> memref<10000x128xf32, #tpu.memory_space<hbm>>
    tpu.enqueue_indirect_dma source(%dma_start3A_25 : memref<10000x128xf32, #tpu.memory_space<hbm>>) target(%arg13 : memref<88x128xf32, #tpu.memory_space<vmem>>) offsets(%arg8 : memref<88xi32, #tpu.memory_space<vmem>>) semaphore(%arg17 : memref<!tpu.dma_semaphore, #tpu.memory_space<semaphore_mem>>)
    %add3A_26 = arith.constant 176 : i32
    %add3A_27 = arith.addi %mul3A_16, %add3A_26 : i32
    "tpu.region"() ({
      %run_scoped3A = tpu.sem_alloc : memref<!tpu.dma_semaphore, #tpu.memory_space<semaphore_mem>>
      %dma_start3A_50 = tpu.memref_slice %arg3[%add3A_27] : memref<326656xi32, #tpu.memory_space<hbm>> -> memref<88xi32, #tpu.memory_space<hbm>>
      %dma_start3A_51 = tpu.memref_slice %arg3[%add3A_27] : memref<326656xi32, #tpu.memory_space<hbm>> -> memref<88xi32, #tpu.memory_space<hbm>>
      tpu.enqueue_dma source(%dma_start3A_51 : memref<88xi32, #tpu.memory_space<hbm>>) target(%arg9 : memref<88xi32, #tpu.memory_space<vmem>>) target_semaphore(%run_scoped3A : memref<!tpu.dma_semaphore, #tpu.memory_space<semaphore_mem>>)
      %dma_wait3A = tpu.memref_slice %arg3[%add3A_27] : memref<326656xi32, #tpu.memory_space<hbm>> -> memref<88xi32, #tpu.memory_space<hbm>>
      %dma_wait3A_52 = tpu.memref_slice %arg3[%add3A_27] : memref<326656xi32, #tpu.memory_space<hbm>> -> memref<88xi32, #tpu.memory_space<hbm>>
      tpu.wait_dma2 semaphore(%run_scoped3A : memref<!tpu.dma_semaphore, #tpu.memory_space<semaphore_mem>>) src(%dma_wait3A_52 : memref<88xi32, #tpu.memory_space<hbm>>) dst(%arg9 : memref<88xi32, #tpu.memory_space<vmem>>)
      tpu.yield
    }) : () -> ()
    %dma_start3A_28 = arith.constant 0 : i32
    %dma_start3A_29 = arith.constant 0 : i32
    %dma_start3A_30 = tpu.memref_slice %arg2[%dma_start3A_28, %dma_start3A_29] : memref<10000x128xf32, #tpu.memory_space<hbm>> -> memref<10000x128xf32, #tpu.memory_space<hbm>>
    tpu.enqueue_indirect_dma source(%dma_start3A_30 : memref<10000x128xf32, #tpu.memory_space<hbm>>) target(%arg14 : memref<88x128xf32, #tpu.memory_space<vmem>>) offsets(%arg9 : memref<88xi32, #tpu.memory_space<vmem>>) semaphore(%arg18 : memref<!tpu.dma_semaphore, #tpu.memory_space<semaphore_mem>>)
    %add3A_31 = arith.constant 264 : i32
    %add3A_32 = arith.addi %mul3A_16, %add3A_31 : i32
    "tpu.region"() ({
      %run_scoped3A = tpu.sem_alloc : memref<!tpu.dma_semaphore, #tpu.memory_space<semaphore_mem>>
      %dma_start3A_50 = tpu.memref_slice %arg3[%add3A_32] : memref<326656xi32, #tpu.memory_space<hbm>> -> memref<88xi32, #tpu.memory_space<hbm>>
      %dma_start3A_51 = tpu.memref_slice %arg3[%add3A_32] : memref<326656xi32, #tpu.memory_space<hbm>> -> memref<88xi32, #tpu.memory_space<hbm>>
      tpu.enqueue_dma source(%dma_start3A_51 : memref<88xi32, #tpu.memory_space<hbm>>) target(%arg10 : memref<88xi32, #tpu.memory_space<vmem>>) target_semaphore(%run_scoped3A : memref<!tpu.dma_semaphore, #tpu.memory_space<semaphore_mem>>)
      %dma_wait3A = tpu.memref_slice %arg3[%add3A_32] : memref<326656xi32, #tpu.memory_space<hbm>> -> memref<88xi32, #tpu.memory_space<hbm>>
      %dma_wait3A_52 = tpu.memref_slice %arg3[%add3A_32] : memref<326656xi32, #tpu.memory_space<hbm>> -> memref<88xi32, #tpu.memory_space<hbm>>
      tpu.wait_dma2 semaphore(%run_scoped3A : memref<!tpu.dma_semaphore, #tpu.memory_space<semaphore_mem>>) src(%dma_wait3A_52 : memref<88xi32, #tpu.memory_space<hbm>>) dst(%arg10 : memref<88xi32, #tpu.memory_space<vmem>>)
      tpu.yield
    }) : () -> ()
    %dma_start3A_33 = arith.constant 0 : i32
    %dma_start3A_34 = arith.constant 0 : i32
    %dma_start3A_35 = tpu.memref_slice %arg2[%dma_start3A_33, %dma_start3A_34] : memref<10000x128xf32, #tpu.memory_space<hbm>> -> memref<10000x128xf32, #tpu.memory_space<hbm>>
    tpu.enqueue_indirect_dma source(%dma_start3A_35 : memref<10000x128xf32, #tpu.memory_space<hbm>>) target(%arg15 : memref<88x128xf32, #tpu.memory_space<vmem>>) offsets(%arg10 : memref<88xi32, #tpu.memory_space<vmem>>) semaphore(%arg19 : memref<!tpu.dma_semaphore, #tpu.memory_space<semaphore_mem>>)
    %scan3A_36 = arith.constant 0 : i32
    %scan3A_37 = arith.constant 0 : i32
    %scan3A_38 = arith.constant 29 : i32
    %scan3A_39 = arith.addi %scan3A_37, %scan3A_38 : i32
    %scan3A_40 = arith.constant 1 : i32
    %scan3A_41 = scf.for %scan3A_50 = %scan3A_37 to %scan3A_39 step %scan3A_40 iter_args(%scan3A_51 = %scan3A_36) -> (i32)  : i32 {
      %mul3A_52 = arith.constant 4 : i32
      %mul3A_53 = arith.muli %scan3A_50, %mul3A_52 : i32
      %add3A_54 = arith.constant 0 : i32
      %add3A_55 = arith.addi %mul3A_53, %add3A_54 : i32
      %mul3A_56 = arith.constant 88 : i32
      %mul3A_57 = arith.muli %add3A_55, %mul3A_56 : i32
      %add3A_58 = arith.addi %mul3A_16, %mul3A_57 : i32
      %dma_wait3A = arith.constant 0 : i32
      %dma_wait3A_59 = arith.constant 0 : i32
      %dma_wait3A_60 = tpu.memref_slice %arg2[%dma_wait3A, %dma_wait3A_59] : memref<10000x128xf32, #tpu.memory_space<hbm>> -> memref<10000x128xf32, #tpu.memory_space<hbm>>
      tpu.wait_indirect_dma semaphore(%arg16 : memref<!tpu.dma_semaphore, #tpu.memory_space<semaphore_mem>>) src(%dma_wait3A_60 : memref<10000x128xf32, #tpu.memory_space<hbm>>) dst(%arg12 : memref<88x128xf32, #tpu.memory_space<vmem>>)
      "tpu.region"() ({
        %run_scoped3A = tpu.sem_alloc : memref<!tpu.dma_semaphore, #tpu.memory_space<semaphore_mem>>
        %dma_start3A_111 = tpu.memref_slice %arg4[%add3A_58] : memref<326656xi32, #tpu.memory_space<hbm>> -> memref<88xi32, #tpu.memory_space<hbm>>
        %dma_start3A_112 = tpu.memref_slice %arg4[%add3A_58] : memref<326656xi32, #tpu.memory_space<hbm>> -> memref<88xi32, #tpu.memory_space<hbm>>
        tpu.enqueue_dma source(%dma_start3A_112 : memref<88xi32, #tpu.memory_space<hbm>>) target(%arg11 : memref<88xi32, #tpu.memory_space<vmem>>) target_semaphore(%run_scoped3A : memref<!tpu.dma_semaphore, #tpu.memory_space<semaphore_mem>>)
        %dma_wait3A_113 = tpu.memref_slice %arg4[%add3A_58] : memref<326656xi32, #tpu.memory_space<hbm>> -> memref<88xi32, #tpu.memory_space<hbm>>
        %dma_wait3A_114 = tpu.memref_slice %arg4[%add3A_58] : memref<326656xi32, #tpu.memory_space<hbm>> -> memref<88xi32, #tpu.memory_space<hbm>>
        tpu.wait_dma2 semaphore(%run_scoped3A : memref<!tpu.dma_semaphore, #tpu.memory_space<semaphore_mem>>) src(%dma_wait3A_114 : memref<88xi32, #tpu.memory_space<hbm>>) dst(%arg11 : memref<88xi32, #tpu.memory_space<vmem>>)
        tpu.yield
      }) : () -> ()
      "tpu.region"() ({
        %run_scoped3A = tpu.sem_alloc : memref<!tpu.dma_semaphore, #tpu.memory_space<semaphore_mem>>
        %dma_start3A_111 = arith.constant 0 : i32
        %dma_start3A_112 = arith.constant 0 : i32
        %dma_start3A_113 = tpu.memref_slice %arg6[%dma_start3A_111, %dma_start3A_112] : memref<10240x128xf32, #tpu.memory_space<vmem_shared>> -> memref<10240x128xf32, #tpu.memory_space<vmem_shared>>
        tpu.enqueue_indirect_dma source(%arg12 : memref<88x128xf32, #tpu.memory_space<vmem>>) target(%dma_start3A_113 : memref<10240x128xf32, #tpu.memory_space<vmem_shared>>) offsets(%arg11 : memref<88xi32, #tpu.memory_space<vmem>>) semaphore(%run_scoped3A : memref<!tpu.dma_semaphore, #tpu.memory_space<semaphore_mem>>) {add = true}
        %dma_wait3A_114 = arith.constant 0 : i32
        %dma_wait3A_115 = arith.constant 0 : i32
        %dma_wait3A_116 = tpu.memref_slice %arg6[%dma_wait3A_114, %dma_wait3A_115] : memref<10240x128xf32, #tpu.memory_space<vmem_shared>> -> memref<10240x128xf32, #tpu.memory_space<vmem_shared>>
        tpu.wait_indirect_dma semaphore(%run_scoped3A : memref<!tpu.dma_semaphore, #tpu.memory_space<semaphore_mem>>) src(%arg12 : memref<88x128xf32, #tpu.memory_space<vmem>>) dst(%dma_wait3A_116 : memref<10240x128xf32, #tpu.memory_space<vmem_shared>>)
        tpu.yield
      }) : () -> ()
      %lt3A = arith.constant 112 : i32
      %lt3A_61 = arith.cmpi slt, %add3A_55, %lt3A : i32
      %convert_element_type3A_62 = arith.extui %lt3A_61 : i1 to i32
      %cond3A_63 = arith.constant 0 : i32
      %cond3A_64 = arith.cmpi ne, %convert_element_type3A_62, %cond3A_63 : i32
      scf.if %cond3A_64 {
        %add3A_111 = arith.constant 352 : i32
        %add3A_112 = arith.addi %add3A_58, %add3A_111 : i32
        "tpu.region"() ({
          %run_scoped3A = tpu.sem_alloc : memref<!tpu.dma_semaphore, #tpu.memory_space<semaphore_mem>>
          %dma_start3A_116 = tpu.memref_slice %arg3[%add3A_112] : memref<326656xi32, #tpu.memory_space<hbm>> -> memref<88xi32, #tpu.memory_space<hbm>>
          %dma_start3A_117 = tpu.memref_slice %arg3[%add3A_112] : memref<326656xi32, #tpu.memory_space<hbm>> -> memref<88xi32, #tpu.memory_space<hbm>>
          tpu.enqueue_dma source(%dma_start3A_117 : memref<88xi32, #tpu.memory_space<hbm>>) target(%arg7 : memref<88xi32, #tpu.memory_space<vmem>>) target_semaphore(%run_scoped3A : memref<!tpu.dma_semaphore, #tpu.memory_space<semaphore_mem>>)
          %dma_wait3A_118 = tpu.memref_slice %arg3[%add3A_112] : memref<326656xi32, #tpu.memory_space<hbm>> -> memref<88xi32, #tpu.memory_space<hbm>>
          %dma_wait3A_119 = tpu.memref_slice %arg3[%add3A_112] : memref<326656xi32, #tpu.memory_space<hbm>> -> memref<88xi32, #tpu.memory_space<hbm>>
          tpu.wait_dma2 semaphore(%run_scoped3A : memref<!tpu.dma_semaphore, #tpu.memory_space<semaphore_mem>>) src(%dma_wait3A_119 : memref<88xi32, #tpu.memory_space<hbm>>) dst(%arg7 : memref<88xi32, #tpu.memory_space<vmem>>)
          tpu.yield
        }) : () -> ()
        %dma_start3A_113 = arith.constant 0 : i32
        %dma_start3A_114 = arith.constant 0 : i32
        %dma_start3A_115 = tpu.memref_slice %arg2[%dma_start3A_113, %dma_start3A_114] : memref<10000x128xf32, #tpu.memory_space<hbm>> -> memref<10000x128xf32, #tpu.memory_space<hbm>>
        tpu.enqueue_indirect_dma source(%dma_start3A_115 : memref<10000x128xf32, #tpu.memory_space<hbm>>) target(%arg12 : memref<88x128xf32, #tpu.memory_space<vmem>>) offsets(%arg7 : memref<88xi32, #tpu.memory_space<vmem>>) semaphore(%arg16 : memref<!tpu.dma_semaphore, #tpu.memory_space<semaphore_mem>>)
      } else {
      }
      %mul3A_65 = arith.constant 4 : i32
      %mul3A_66 = arith.muli %scan3A_50, %mul3A_65 : i32
      %add3A_67 = arith.constant 1 : i32
      %add3A_68 = arith.addi %mul3A_66, %add3A_67 : i32
      %mul3A_69 = arith.constant 88 : i32
      %mul3A_70 = arith.muli %add3A_68, %mul3A_69 : i32
      %add3A_71 = arith.addi %mul3A_16, %mul3A_70 : i32
      %dma_wait3A_72 = arith.constant 0 : i32
      %dma_wait3A_73 = arith.constant 0 : i32
      %dma_wait3A_74 = tpu.memref_slice %arg2[%dma_wait3A_72, %dma_wait3A_73] : memref<10000x128xf32, #tpu.memory_space<hbm>> -> memref<10000x128xf32, #tpu.memory_space<hbm>>
      tpu.wait_indirect_dma semaphore(%arg17 : memref<!tpu.dma_semaphore, #tpu.memory_space<semaphore_mem>>) src(%dma_wait3A_74 : memref<10000x128xf32, #tpu.memory_space<hbm>>) dst(%arg13 : memref<88x128xf32, #tpu.memory_space<vmem>>)
      "tpu.region"() ({
        %run_scoped3A = tpu.sem_alloc : memref<!tpu.dma_semaphore, #tpu.memory_space<semaphore_mem>>
        %dma_start3A_111 = tpu.memref_slice %arg4[%add3A_71] : memref<326656xi32, #tpu.memory_space<hbm>> -> memref<88xi32, #tpu.memory_space<hbm>>
        %dma_start3A_112 = tpu.memref_slice %arg4[%add3A_71] : memref<326656xi32, #tpu.memory_space<hbm>> -> memref<88xi32, #tpu.memory_space<hbm>>
        tpu.enqueue_dma source(%dma_start3A_112 : memref<88xi32, #tpu.memory_space<hbm>>) target(%arg11 : memref<88xi32, #tpu.memory_space<vmem>>) target_semaphore(%run_scoped3A : memref<!tpu.dma_semaphore, #tpu.memory_space<semaphore_mem>>)
        %dma_wait3A_113 = tpu.memref_slice %arg4[%add3A_71] : memref<326656xi32, #tpu.memory_space<hbm>> -> memref<88xi32, #tpu.memory_space<hbm>>
        %dma_wait3A_114 = tpu.memref_slice %arg4[%add3A_71] : memref<326656xi32, #tpu.memory_space<hbm>> -> memref<88xi32, #tpu.memory_space<hbm>>
        tpu.wait_dma2 semaphore(%run_scoped3A : memref<!tpu.dma_semaphore, #tpu.memory_space<semaphore_mem>>) src(%dma_wait3A_114 : memref<88xi32, #tpu.memory_space<hbm>>) dst(%arg11 : memref<88xi32, #tpu.memory_space<vmem>>)
        tpu.yield
      }) : () -> ()
      "tpu.region"() ({
        %run_scoped3A = tpu.sem_alloc : memref<!tpu.dma_semaphore, #tpu.memory_space<semaphore_mem>>
        %dma_start3A_111 = arith.constant 0 : i32
        %dma_start3A_112 = arith.constant 0 : i32
        %dma_start3A_113 = tpu.memref_slice %arg6[%dma_start3A_111, %dma_start3A_112] : memref<10240x128xf32, #tpu.memory_space<vmem_shared>> -> memref<10240x128xf32, #tpu.memory_space<vmem_shared>>
        tpu.enqueue_indirect_dma source(%arg13 : memref<88x128xf32, #tpu.memory_space<vmem>>) target(%dma_start3A_113 : memref<10240x128xf32, #tpu.memory_space<vmem_shared>>) offsets(%arg11 : memref<88xi32, #tpu.memory_space<vmem>>) semaphore(%run_scoped3A : memref<!tpu.dma_semaphore, #tpu.memory_space<semaphore_mem>>) {add = true}
        %dma_wait3A_114 = arith.constant 0 : i32
        %dma_wait3A_115 = arith.constant 0 : i32
        %dma_wait3A_116 = tpu.memref_slice %arg6[%dma_wait3A_114, %dma_wait3A_115] : memref<10240x128xf32, #tpu.memory_space<vmem_shared>> -> memref<10240x128xf32, #tpu.memory_space<vmem_shared>>
        tpu.wait_indirect_dma semaphore(%run_scoped3A : memref<!tpu.dma_semaphore, #tpu.memory_space<semaphore_mem>>) src(%arg13 : memref<88x128xf32, #tpu.memory_space<vmem>>) dst(%dma_wait3A_116 : memref<10240x128xf32, #tpu.memory_space<vmem_shared>>)
        tpu.yield
      }) : () -> ()
      %lt3A_75 = arith.constant 112 : i32
      %lt3A_76 = arith.cmpi slt, %add3A_68, %lt3A_75 : i32
      %convert_element_type3A_77 = arith.extui %lt3A_76 : i1 to i32
      %cond3A_78 = arith.constant 0 : i32
      %cond3A_79 = arith.cmpi ne, %convert_element_type3A_77, %cond3A_78 : i32
      scf.if %cond3A_79 {
        %add3A_111 = arith.constant 352 : i32
        %add3A_112 = arith.addi %add3A_71, %add3A_111 : i32
        "tpu.region"() ({
          %run_scoped3A = tpu.sem_alloc : memref<!tpu.dma_semaphore, #tpu.memory_space<semaphore_mem>>
          %dma_start3A_116 = tpu.memref_slice %arg3[%add3A_112] : memref<326656xi32, #tpu.memory_space<hbm>> -> memref<88xi32, #tpu.memory_space<hbm>>
          %dma_start3A_117 = tpu.memref_slice %arg3[%add3A_112] : memref<326656xi32, #tpu.memory_space<hbm>> -> memref<88xi32, #tpu.memory_space<hbm>>
          tpu.enqueue_dma source(%dma_start3A_117 : memref<88xi32, #tpu.memory_space<hbm>>) target(%arg8 : memref<88xi32, #tpu.memory_space<vmem>>) target_semaphore(%run_scoped3A : memref<!tpu.dma_semaphore, #tpu.memory_space<semaphore_mem>>)
          %dma_wait3A_118 = tpu.memref_slice %arg3[%add3A_112] : memref<326656xi32, #tpu.memory_space<hbm>> -> memref<88xi32, #tpu.memory_space<hbm>>
          %dma_wait3A_119 = tpu.memref_slice %arg3[%add3A_112] : memref<326656xi32, #tpu.memory_space<hbm>> -> memref<88xi32, #tpu.memory_space<hbm>>
          tpu.wait_dma2 semaphore(%run_scoped3A : memref<!tpu.dma_semaphore, #tpu.memory_space<semaphore_mem>>) src(%dma_wait3A_119 : memref<88xi32, #tpu.memory_space<hbm>>) dst(%arg8 : memref<88xi32, #tpu.memory_space<vmem>>)
          tpu.yield
        }) : () -> ()
        %dma_start3A_113 = arith.constant 0 : i32
        %dma_start3A_114 = arith.constant 0 : i32
        %dma_start3A_115 = tpu.memref_slice %arg2[%dma_start3A_113, %dma_start3A_114] : memref<10000x128xf32, #tpu.memory_space<hbm>> -> memref<10000x128xf32, #tpu.memory_space<hbm>>
        tpu.enqueue_indirect_dma source(%dma_start3A_115 : memref<10000x128xf32, #tpu.memory_space<hbm>>) target(%arg13 : memref<88x128xf32, #tpu.memory_space<vmem>>) offsets(%arg8 : memref<88xi32, #tpu.memory_space<vmem>>) semaphore(%arg17 : memref<!tpu.dma_semaphore, #tpu.memory_space<semaphore_mem>>)
      } else {
      }
      %mul3A_80 = arith.constant 4 : i32
      %mul3A_81 = arith.muli %scan3A_50, %mul3A_80 : i32
      %add3A_82 = arith.constant 2 : i32
      %add3A_83 = arith.addi %mul3A_81, %add3A_82 : i32
      %mul3A_84 = arith.constant 88 : i32
      %mul3A_85 = arith.muli %add3A_83, %mul3A_84 : i32
      %add3A_86 = arith.addi %mul3A_16, %mul3A_85 : i32
      %dma_wait3A_87 = arith.constant 0 : i32
      %dma_wait3A_88 = arith.constant 0 : i32
      %dma_wait3A_89 = tpu.memref_slice %arg2[%dma_wait3A_87, %dma_wait3A_88] : memref<10000x128xf32, #tpu.memory_space<hbm>> -> memref<10000x128xf32, #tpu.memory_space<hbm>>
      tpu.wait_indirect_dma semaphore(%arg18 : memref<!tpu.dma_semaphore, #tpu.memory_space<semaphore_mem>>) src(%dma_wait3A_89 : memref<10000x128xf32, #tpu.memory_space<hbm>>) dst(%arg14 : memref<88x128xf32, #tpu.memory_space<vmem>>)
      "tpu.region"() ({
        %run_scoped3A = tpu.sem_alloc : memref<!tpu.dma_semaphore, #tpu.memory_space<semaphore_mem>>
        %dma_start3A_111 = tpu.memref_slice %arg4[%add3A_86] : memref<326656xi32, #tpu.memory_space<hbm>> -> memref<88xi32, #tpu.memory_space<hbm>>
        %dma_start3A_112 = tpu.memref_slice %arg4[%add3A_86] : memref<326656xi32, #tpu.memory_space<hbm>> -> memref<88xi32, #tpu.memory_space<hbm>>
        tpu.enqueue_dma source(%dma_start3A_112 : memref<88xi32, #tpu.memory_space<hbm>>) target(%arg11 : memref<88xi32, #tpu.memory_space<vmem>>) target_semaphore(%run_scoped3A : memref<!tpu.dma_semaphore, #tpu.memory_space<semaphore_mem>>)
        %dma_wait3A_113 = tpu.memref_slice %arg4[%add3A_86] : memref<326656xi32, #tpu.memory_space<hbm>> -> memref<88xi32, #tpu.memory_space<hbm>>
        %dma_wait3A_114 = tpu.memref_slice %arg4[%add3A_86] : memref<326656xi32, #tpu.memory_space<hbm>> -> memref<88xi32, #tpu.memory_space<hbm>>
        tpu.wait_dma2 semaphore(%run_scoped3A : memref<!tpu.dma_semaphore, #tpu.memory_space<semaphore_mem>>) src(%dma_wait3A_114 : memref<88xi32, #tpu.memory_space<hbm>>) dst(%arg11 : memref<88xi32, #tpu.memory_space<vmem>>)
        tpu.yield
      }) : () -> ()
      "tpu.region"() ({
        %run_scoped3A = tpu.sem_alloc : memref<!tpu.dma_semaphore, #tpu.memory_space<semaphore_mem>>
        %dma_start3A_111 = arith.constant 0 : i32
        %dma_start3A_112 = arith.constant 0 : i32
        %dma_start3A_113 = tpu.memref_slice %arg6[%dma_start3A_111, %dma_start3A_112] : memref<10240x128xf32, #tpu.memory_space<vmem_shared>> -> memref<10240x128xf32, #tpu.memory_space<vmem_shared>>
        tpu.enqueue_indirect_dma source(%arg14 : memref<88x128xf32, #tpu.memory_space<vmem>>) target(%dma_start3A_113 : memref<10240x128xf32, #tpu.memory_space<vmem_shared>>) offsets(%arg11 : memref<88xi32, #tpu.memory_space<vmem>>) semaphore(%run_scoped3A : memref<!tpu.dma_semaphore, #tpu.memory_space<semaphore_mem>>) {add = true}
        %dma_wait3A_114 = arith.constant 0 : i32
        %dma_wait3A_115 = arith.constant 0 : i32
        %dma_wait3A_116 = tpu.memref_slice %arg6[%dma_wait3A_114, %dma_wait3A_115] : memref<10240x128xf32, #tpu.memory_space<vmem_shared>> -> memref<10240x128xf32, #tpu.memory_space<vmem_shared>>
        tpu.wait_indirect_dma semaphore(%run_scoped3A : memref<!tpu.dma_semaphore, #tpu.memory_space<semaphore_mem>>) src(%arg14 : memref<88x128xf32, #tpu.memory_space<vmem>>) dst(%dma_wait3A_116 : memref<10240x128xf32, #tpu.memory_space<vmem_shared>>)
        tpu.yield
      }) : () -> ()
      %lt3A_90 = arith.constant 112 : i32
      %lt3A_91 = arith.cmpi slt, %add3A_83, %lt3A_90 : i32
      %convert_element_type3A_92 = arith.extui %lt3A_91 : i1 to i32
      %cond3A_93 = arith.constant 0 : i32
      %cond3A_94 = arith.cmpi ne, %convert_element_type3A_92, %cond3A_93 : i32
      scf.if %cond3A_94 {
        %add3A_111 = arith.constant 352 : i32
        %add3A_112 = arith.addi %add3A_86, %add3A_111 : i32
        "tpu.region"() ({
          %run_scoped3A = tpu.sem_alloc : memref<!tpu.dma_semaphore, #tpu.memory_space<semaphore_mem>>
          %dma_start3A_116 = tpu.memref_slice %arg3[%add3A_112] : memref<326656xi32, #tpu.memory_space<hbm>> -> memref<88xi32, #tpu.memory_space<hbm>>
          %dma_start3A_117 = tpu.memref_slice %arg3[%add3A_112] : memref<326656xi32, #tpu.memory_space<hbm>> -> memref<88xi32, #tpu.memory_space<hbm>>
          tpu.enqueue_dma source(%dma_start3A_117 : memref<88xi32, #tpu.memory_space<hbm>>) target(%arg9 : memref<88xi32, #tpu.memory_space<vmem>>) target_semaphore(%run_scoped3A : memref<!tpu.dma_semaphore, #tpu.memory_space<semaphore_mem>>)
          %dma_wait3A_118 = tpu.memref_slice %arg3[%add3A_112] : memref<326656xi32, #tpu.memory_space<hbm>> -> memref<88xi32, #tpu.memory_space<hbm>>
          %dma_wait3A_119 = tpu.memref_slice %arg3[%add3A_112] : memref<326656xi32, #tpu.memory_space<hbm>> -> memref<88xi32, #tpu.memory_space<hbm>>
          tpu.wait_dma2 semaphore(%run_scoped3A : memref<!tpu.dma_semaphore, #tpu.memory_space<semaphore_mem>>) src(%dma_wait3A_119 : memref<88xi32, #tpu.memory_space<hbm>>) dst(%arg9 : memref<88xi32, #tpu.memory_space<vmem>>)
          tpu.yield
        }) : () -> ()
        %dma_start3A_113 = arith.constant 0 : i32
        %dma_start3A_114 = arith.constant 0 : i32
        %dma_start3A_115 = tpu.memref_slice %arg2[%dma_start3A_113, %dma_start3A_114] : memref<10000x128xf32, #tpu.memory_space<hbm>> -> memref<10000x128xf32, #tpu.memory_space<hbm>>
        tpu.enqueue_indirect_dma source(%dma_start3A_115 : memref<10000x128xf32, #tpu.memory_space<hbm>>) target(%arg14 : memref<88x128xf32, #tpu.memory_space<vmem>>) offsets(%arg9 : memref<88xi32, #tpu.memory_space<vmem>>) semaphore(%arg18 : memref<!tpu.dma_semaphore, #tpu.memory_space<semaphore_mem>>)
      } else {
      }
      %mul3A_95 = arith.constant 4 : i32
      %mul3A_96 = arith.muli %scan3A_50, %mul3A_95 : i32
      %add3A_97 = arith.constant 3 : i32
      %add3A_98 = arith.addi %mul3A_96, %add3A_97 : i32
      %mul3A_99 = arith.constant 88 : i32
      %mul3A_100 = arith.muli %add3A_98, %mul3A_99 : i32
      %add3A_101 = arith.addi %mul3A_16, %mul3A_100 : i32
      %dma_wait3A_102 = arith.constant 0 : i32
      %dma_wait3A_103 = arith.constant 0 : i32
      %dma_wait3A_104 = tpu.memref_slice %arg2[%dma_wait3A_102, %dma_wait3A_103] : memref<10000x128xf32, #tpu.memory_space<hbm>> -> memref<10000x128xf32, #tpu.memory_space<hbm>>
      tpu.wait_indirect_dma semaphore(%arg19 : memref<!tpu.dma_semaphore, #tpu.memory_space<semaphore_mem>>) src(%dma_wait3A_104 : memref<10000x128xf32, #tpu.memory_space<hbm>>) dst(%arg15 : memref<88x128xf32, #tpu.memory_space<vmem>>)
      "tpu.region"() ({
        %run_scoped3A = tpu.sem_alloc : memref<!tpu.dma_semaphore, #tpu.memory_space<semaphore_mem>>
        %dma_start3A_111 = tpu.memref_slice %arg4[%add3A_101] : memref<326656xi32, #tpu.memory_space<hbm>> -> memref<88xi32, #tpu.memory_space<hbm>>
        %dma_start3A_112 = tpu.memref_slice %arg4[%add3A_101] : memref<326656xi32, #tpu.memory_space<hbm>> -> memref<88xi32, #tpu.memory_space<hbm>>
        tpu.enqueue_dma source(%dma_start3A_112 : memref<88xi32, #tpu.memory_space<hbm>>) target(%arg11 : memref<88xi32, #tpu.memory_space<vmem>>) target_semaphore(%run_scoped3A : memref<!tpu.dma_semaphore, #tpu.memory_space<semaphore_mem>>)
        %dma_wait3A_113 = tpu.memref_slice %arg4[%add3A_101] : memref<326656xi32, #tpu.memory_space<hbm>> -> memref<88xi32, #tpu.memory_space<hbm>>
        %dma_wait3A_114 = tpu.memref_slice %arg4[%add3A_101] : memref<326656xi32, #tpu.memory_space<hbm>> -> memref<88xi32, #tpu.memory_space<hbm>>
        tpu.wait_dma2 semaphore(%run_scoped3A : memref<!tpu.dma_semaphore, #tpu.memory_space<semaphore_mem>>) src(%dma_wait3A_114 : memref<88xi32, #tpu.memory_space<hbm>>) dst(%arg11 : memref<88xi32, #tpu.memory_space<vmem>>)
        tpu.yield
      }) : () -> ()
      "tpu.region"() ({
        %run_scoped3A = tpu.sem_alloc : memref<!tpu.dma_semaphore, #tpu.memory_space<semaphore_mem>>
        %dma_start3A_111 = arith.constant 0 : i32
        %dma_start3A_112 = arith.constant 0 : i32
        %dma_start3A_113 = tpu.memref_slice %arg6[%dma_start3A_111, %dma_start3A_112] : memref<10240x128xf32, #tpu.memory_space<vmem_shared>> -> memref<10240x128xf32, #tpu.memory_space<vmem_shared>>
        tpu.enqueue_indirect_dma source(%arg15 : memref<88x128xf32, #tpu.memory_space<vmem>>) target(%dma_start3A_113 : memref<10240x128xf32, #tpu.memory_space<vmem_shared>>) offsets(%arg11 : memref<88xi32, #tpu.memory_space<vmem>>) semaphore(%run_scoped3A : memref<!tpu.dma_semaphore, #tpu.memory_space<semaphore_mem>>) {add = true}
        %dma_wait3A_114 = arith.constant 0 : i32
        %dma_wait3A_115 = arith.constant 0 : i32
        %dma_wait3A_116 = tpu.memref_slice %arg6[%dma_wait3A_114, %dma_wait3A_115] : memref<10240x128xf32, #tpu.memory_space<vmem_shared>> -> memref<10240x128xf32, #tpu.memory_space<vmem_shared>>
        tpu.wait_indirect_dma semaphore(%run_scoped3A : memref<!tpu.dma_semaphore, #tpu.memory_space<semaphore_mem>>) src(%arg15 : memref<88x128xf32, #tpu.memory_space<vmem>>) dst(%dma_wait3A_116 : memref<10240x128xf32, #tpu.memory_space<vmem_shared>>)
        tpu.yield
      }) : () -> ()
      %lt3A_105 = arith.constant 112 : i32
      %lt3A_106 = arith.cmpi slt, %add3A_98, %lt3A_105 : i32
      %convert_element_type3A_107 = arith.extui %lt3A_106 : i1 to i32
      %cond3A_108 = arith.constant 0 : i32
      %cond3A_109 = arith.cmpi ne, %convert_element_type3A_107, %cond3A_108 : i32
      scf.if %cond3A_109 {
        %add3A_111 = arith.constant 352 : i32
        %add3A_112 = arith.addi %add3A_101, %add3A_111 : i32
        "tpu.region"() ({
          %run_scoped3A = tpu.sem_alloc : memref<!tpu.dma_semaphore, #tpu.memory_space<semaphore_mem>>
          %dma_start3A_116 = tpu.memref_slice %arg3[%add3A_112] : memref<326656xi32, #tpu.memory_space<hbm>> -> memref<88xi32, #tpu.memory_space<hbm>>
          %dma_start3A_117 = tpu.memref_slice %arg3[%add3A_112] : memref<326656xi32, #tpu.memory_space<hbm>> -> memref<88xi32, #tpu.memory_space<hbm>>
          tpu.enqueue_dma source(%dma_start3A_117 : memref<88xi32, #tpu.memory_space<hbm>>) target(%arg10 : memref<88xi32, #tpu.memory_space<vmem>>) target_semaphore(%run_scoped3A : memref<!tpu.dma_semaphore, #tpu.memory_space<semaphore_mem>>)
          %dma_wait3A_118 = tpu.memref_slice %arg3[%add3A_112] : memref<326656xi32, #tpu.memory_space<hbm>> -> memref<88xi32, #tpu.memory_space<hbm>>
          %dma_wait3A_119 = tpu.memref_slice %arg3[%add3A_112] : memref<326656xi32, #tpu.memory_space<hbm>> -> memref<88xi32, #tpu.memory_space<hbm>>
          tpu.wait_dma2 semaphore(%run_scoped3A : memref<!tpu.dma_semaphore, #tpu.memory_space<semaphore_mem>>) src(%dma_wait3A_119 : memref<88xi32, #tpu.memory_space<hbm>>) dst(%arg10 : memref<88xi32, #tpu.memory_space<vmem>>)
          tpu.yield
        }) : () -> ()
        %dma_start3A_113 = arith.constant 0 : i32
        %dma_start3A_114 = arith.constant 0 : i32
        %dma_start3A_115 = tpu.memref_slice %arg2[%dma_start3A_113, %dma_start3A_114] : memref<10000x128xf32, #tpu.memory_space<hbm>> -> memref<10000x128xf32, #tpu.memory_space<hbm>>
        tpu.enqueue_indirect_dma source(%dma_start3A_115 : memref<10000x128xf32, #tpu.memory_space<hbm>>) target(%arg15 : memref<88x128xf32, #tpu.memory_space<vmem>>) offsets(%arg10 : memref<88xi32, #tpu.memory_space<vmem>>) semaphore(%arg19 : memref<!tpu.dma_semaphore, #tpu.memory_space<semaphore_mem>>)
      } else {
      }
      %scan3A_110 = arith.constant 0 : i32
      scf.yield %scan3A_110 : i32
    }
    %scan3A_42 = arith.constant 29 : i32
    %barrier3A_43 = arith.constant 0 : index
    tpu.barrier barrier_id(%barrier3A_43)
    %mul3A_44 = arith.constant 624 : i32
    %mul3A_45 = arith.muli %arg1, %mul3A_44 : i32
    %mul3A_46 = arith.constant 624 : i32
    %mul3A_47 = arith.muli %arg1, %mul3A_46 : i32
    "tpu.region"() ({
      %run_scoped3A = tpu.sem_alloc : memref<!tpu.dma_semaphore, #tpu.memory_space<semaphore_mem>>
      %dma_start3A_50 = arith.constant 0 : i32
      %dma_start3A_51 = tpu.memref_slice %arg5[%arg0, %mul3A_47, %dma_start3A_50] : memref<2x10000x128xf32, #tpu.memory_space<hbm>> -> memref<1x624x128xf32, #tpu.memory_space<hbm>>
      %dma_start3A_52 = tpu.memref_squeeze %dma_start3A_51 : memref<1x624x128xf32, #tpu.memory_space<hbm>> -> memref<624x128xf32, #tpu.memory_space<hbm>>
      %dma_start3A_53 = arith.constant 0 : i32
      %dma_start3A_54 = tpu.memref_slice %arg6[%mul3A_45, %dma_start3A_53] : memref<10240x128xf32, #tpu.memory_space<vmem_shared>> -> memref<624x128xf32, #tpu.memory_space<vmem_shared>>
      tpu.enqueue_dma source(%dma_start3A_54 : memref<624x128xf32, #tpu.memory_space<vmem_shared>>) target(%dma_start3A_52 : memref<624x128xf32, #tpu.memory_space<hbm>>) target_semaphore(%run_scoped3A : memref<!tpu.dma_semaphore, #tpu.memory_space<semaphore_mem>>)
      %dma_wait3A = arith.constant 0 : i32
      %dma_wait3A_55 = tpu.memref_slice %arg5[%arg0, %mul3A_47, %dma_wait3A] : memref<2x10000x128xf32, #tpu.memory_space<hbm>> -> memref<1x624x128xf32, #tpu.memory_space<hbm>>
      %dma_wait3A_56 = tpu.memref_squeeze %dma_wait3A_55 : memref<1x624x128xf32, #tpu.memory_space<hbm>> -> memref<624x128xf32, #tpu.memory_space<hbm>>
      %dma_wait3A_57 = arith.constant 0 : i32
      %dma_wait3A_58 = tpu.memref_slice %arg6[%mul3A_45, %dma_wait3A_57] : memref<10240x128xf32, #tpu.memory_space<vmem_shared>> -> memref<624x128xf32, #tpu.memory_space<vmem_shared>>
      tpu.wait_dma2 semaphore(%run_scoped3A : memref<!tpu.dma_semaphore, #tpu.memory_space<semaphore_mem>>) src(%dma_wait3A_58 : memref<624x128xf32, #tpu.memory_space<vmem_shared>>) dst(%dma_wait3A_56 : memref<624x128xf32, #tpu.memory_space<hbm>>)
      tpu.yield
    }) : () -> ()
    %eq3A = arith.constant 0 : i32
    %eq3A_48 = arith.cmpi eq, %arg1, %eq3A : i32
    %convert_element_type3A = arith.extui %eq3A_48 : i1 to i32
    %cond3A = arith.constant 0 : i32
    %cond3A_49 = arith.cmpi ne, %convert_element_type3A, %cond3A : i32
    scf.if %cond3A_49 {
      "tpu.region"() ({
        %run_scoped3A = tpu.sem_alloc : memref<!tpu.dma_semaphore, #tpu.memory_space<semaphore_mem>>
        %dma_start3A_50 = arith.constant 9984 : i32
        %dma_start3A_51 = arith.constant 0 : i32
        %dma_start3A_52 = tpu.memref_slice %arg5[%arg0, %dma_start3A_50, %dma_start3A_51] : memref<2x10000x128xf32, #tpu.memory_space<hbm>> -> memref<1x16x128xf32, #tpu.memory_space<hbm>>
        %dma_start3A_53 = tpu.memref_squeeze %dma_start3A_52 : memref<1x16x128xf32, #tpu.memory_space<hbm>> -> memref<16x128xf32, #tpu.memory_space<hbm>>
        %dma_start3A_54 = arith.constant 9984 : i32
        %dma_start3A_55 = arith.constant 0 : i32
        %dma_start3A_56 = tpu.memref_slice %arg6[%dma_start3A_54, %dma_start3A_55] : memref<10240x128xf32, #tpu.memory_space<vmem_shared>> -> memref<16x128xf32, #tpu.memory_space<vmem_shared>>
        tpu.enqueue_dma source(%dma_start3A_56 : memref<16x128xf32, #tpu.memory_space<vmem_shared>>) target(%dma_start3A_53 : memref<16x128xf32, #tpu.memory_space<hbm>>) target_semaphore(%run_scoped3A : memref<!tpu.dma_semaphore, #tpu.memory_space<semaphore_mem>>)
        %dma_wait3A = arith.constant 9984 : i32
        %dma_wait3A_57 = arith.constant 0 : i32
        %dma_wait3A_58 = tpu.memref_slice %arg5[%arg0, %dma_wait3A, %dma_wait3A_57] : memref<2x10000x128xf32, #tpu.memory_space<hbm>> -> memref<1x16x128xf32, #tpu.memory_space<hbm>>
        %dma_wait3A_59 = tpu.memref_squeeze %dma_wait3A_58 : memref<1x16x128xf32, #tpu.memory_space<hbm>> -> memref<16x128xf32, #tpu.memory_space<hbm>>
        %dma_wait3A_60 = arith.constant 9984 : i32
        %dma_wait3A_61 = arith.constant 0 : i32
        %dma_wait3A_62 = tpu.memref_slice %arg6[%dma_wait3A_60, %dma_wait3A_61] : memref<10240x128xf32, #tpu.memory_space<vmem_shared>> -> memref<16x128xf32, #tpu.memory_space<vmem_shared>>
        tpu.wait_dma2 semaphore(%run_scoped3A : memref<!tpu.dma_semaphore, #tpu.memory_space<semaphore_mem>>) src(%dma_wait3A_62 : memref<16x128xf32, #tpu.memory_space<vmem_shared>>) dst(%dma_wait3A_59 : memref<16x128xf32, #tpu.memory_space<hbm>>)
        tpu.yield
      }) : () -> ()
    } else {
    }
    return
  }
}

#map = affine_map<(d0, d1) -> (0, 0)>
#map1 = affine_map<(d0, d1) -> (0)>
#map2 = affine_map<(d0, d1) -> (0, 0, 0)>
module attributes {stable_mosaic.version = 14 : i64} {
  func.func @_sc_agg_body(%arg0: i32, %arg1: i32, %arg2: memref<10000x128xf32, #tpu.memory_space<hbm>>, %arg3: memref<326656xi32, #tpu.memory_space<hbm>>, %arg4: memref<326656xi32, #tpu.memory_space<hbm>>, %arg5: memref<2x10000x128xf32, #tpu.memory_space<hbm>>, %arg6: memref<10240x128xf32, #tpu.memory_space<vmem_shared>>, %arg7: memref<88xi32, #tpu.memory_space<vmem>>, %arg8: memref<88xi32, #tpu.memory_space<vmem>>, %arg9: memref<88xi32, #tpu.memory_space<vmem>>, %arg10: memref<88xi32, #tpu.memory_space<vmem>>, %arg11: memref<88xi32, #tpu.memory_space<vmem>>, %arg12: memref<88x128xf32, #tpu.memory_space<vmem>>, %arg13: memref<88x128xf32, #tpu.memory_space<vmem>>, %arg14: memref<88x128xf32, #tpu.memory_space<vmem>>, %arg15: memref<88x128xf32, #tpu.memory_space<vmem>>, %arg16: memref<!tpu.dma_semaphore, #tpu.memory_space<semaphore_mem>>, %arg17: memref<!tpu.dma_semaphore, #tpu.memory_space<semaphore_mem>>, %arg18: memref<!tpu.dma_semaphore, #tpu.memory_space<semaphore_mem>>, %arg19: memref<!tpu.dma_semaphore, #tpu.memory_space<semaphore_mem>>) attributes {dimension_semantics = [#tpu.dimension_semantics<core_parallel>, #tpu.dimension_semantics<subcore_parallel>], iteration_bounds = array<i64: 2, 16>, scalar_prefetch = 0 : i64, scratch_operands = 14 : i64, tpu.core_type = #tpu.core_type<sc_vector_subcore>, window_params = [{transform_indices = #map}, {transform_indices = #map1}, {transform_indices = #map1}, {transform_indices = #map2}]} {
    %mul3A = arith.constant 16 : i32
    %mul3A_0 = arith.muli %arg0, %mul3A : i32
    %add3A = arith.addi %mul3A_0, %arg1 : i32
    %broadcast_in_dim3A = arith.constant 0.000000e+00 : f32
    %broadcast_in_dim3A_1 = vector.broadcast %broadcast_in_dim3A : f32 to vector<16xf32>
    %scan3A = arith.constant 0 : i32
    %scan3A_2 = arith.constant 0 : i32
    %scan3A_3 = arith.constant 704 : i32
    %scan3A_4 = arith.addi %scan3A_2, %scan3A_3 : i32
    %scan3A_5 = arith.constant 1 : i32
    %scan3A_6 = scf.for %scan3A_50 = %scan3A_2 to %scan3A_4 step %scan3A_5 iter_args(%scan3A_51 = %scan3A) -> (i32)  : i32 {
      %jit3A = arith.constant 8 : i32
      %div3A = arith.divsi %scan3A_50, %jit3A : i32
      %sign3A = arith.constant 0 : i32
      %sign3A_52 = arith.cmpi sgt, %scan3A_50, %sign3A : i32
      %sign3A_53 = arith.extui %sign3A_52 : i1 to i32
      %sign3A_54 = arith.constant 0 : i32
      %sign3A_55 = arith.cmpi slt, %scan3A_50, %sign3A_54 : i32
      %sign3A_56 = arith.extui %sign3A_55 : i1 to i32
      %sign3A_57 = arith.subi %sign3A_53, %sign3A_56 : i32
      %sign3A_58 = arith.constant 0 : i32
      %sign3A_59 = arith.cmpi sgt, %jit3A, %sign3A_58 : i32
      %sign3A_60 = arith.extui %sign3A_59 : i1 to i32
      %sign3A_61 = arith.constant 0 : i32
      %sign3A_62 = arith.cmpi slt, %jit3A, %sign3A_61 : i32
      %sign3A_63 = arith.extui %sign3A_62 : i1 to i32
      %sign3A_64 = arith.subi %sign3A_60, %sign3A_63 : i32
      %ne3A = arith.cmpi ne, %sign3A_57, %sign3A_64 : i32
      %rem3A = arith.remsi %scan3A_50, %jit3A : i32
      %ne3A_65 = arith.constant 0 : i32
      %ne3A_66 = arith.cmpi ne, %rem3A, %ne3A_65 : i32
      %and3A = arith.andi %ne3A, %ne3A_66 : i1
      %sub3A = arith.constant 1 : i32
      %sub3A_67 = arith.subi %div3A, %sub3A : i32
      %select_n3A = arith.select %and3A, %sub3A_67, %div3A : i32
      %jit3A_68 = arith.constant 8 : i32
      %eq3A_69 = arith.constant 0 : i32
      %eq3A_70 = arith.cmpi eq, %jit3A_68, %eq3A_69 : i32
      %jit3A_71 = arith.constant 1 : i32
      %select_n3A_72 = arith.select %eq3A_70, %jit3A_71, %jit3A_68 : i32
      %rem3A_73 = arith.remsi %scan3A_50, %select_n3A_72 : i32
      %ne3A_74 = arith.constant 0 : i32
      %ne3A_75 = arith.cmpi ne, %rem3A_73, %ne3A_74 : i32
      %lt3A = arith.constant 0 : i32
      %lt3A_76 = arith.cmpi slt, %rem3A_73, %lt3A : i32
      %lt3A_77 = arith.constant 0 : i32
      %lt3A_78 = arith.cmpi slt, %select_n3A_72, %lt3A_77 : i32
      %ne3A_79 = arith.xori %lt3A_76, %lt3A_78 : i1
      %and3A_80 = arith.andi %ne3A_79, %ne3A_75 : i1
      %add3A_81 = arith.addi %rem3A_73, %select_n3A_72 : i32
      %select_n3A_82 = arith.select %and3A_80, %add3A_81, %rem3A_73 : i32
      %mul3A_83 = arith.constant 16 : i32
      %mul3A_84 = arith.muli %select_n3A_82, %mul3A_83 : i32
      %swap3A = arith.index_cast %select_n3A : i32 to index
      %swap3A_85 = arith.index_cast %mul3A_84 : i32 to index
      %swap3A_86 = tpu.vector_load %arg12[%swap3A, %swap3A_85] {strides = array<i32>} : memref<88x128xf32, #tpu.memory_space<vmem>>, vector<1x16xf32>,
      %swap3A_87 = vector.shape_cast %swap3A_86 : vector<1x16xf32> to vector<16xf32>
      %swap3A_88 = vector.shape_cast %broadcast_in_dim3A_1 : vector<16xf32> to vector<1x16xf32>
      tpu.vector_store %arg12[%swap3A, %swap3A_85], %swap3A_88 {strides = array<i32>} : memref<88x128xf32, #tpu.memory_space<vmem>>, vector<1x16xf32>,
      %scan3A_89 = arith.constant 0 : i32
      scf.yield %scan3A_89 : i32
    }
    %scan3A_7 = arith.constant 704 : i32
    %scan3A_8 = arith.constant 0 : i32
    %scan3A_9 = arith.constant 0 : i32
    %scan3A_10 = arith.constant 8 : i32
    %scan3A_11 = arith.addi %scan3A_9, %scan3A_10 : i32
    %scan3A_12 = arith.constant 1 : i32
    %scan3A_13 = scf.for %scan3A_50 = %scan3A_9 to %scan3A_11 step %scan3A_12 iter_args(%scan3A_51 = %scan3A_8) -> (i32)  : i32 {
      %mul3A_52 = arith.constant 640 : i32
      %mul3A_53 = arith.muli %arg1, %mul3A_52 : i32
      %mul3A_54 = arith.constant 80 : i32
      %mul3A_55 = arith.muli %scan3A_50, %mul3A_54 : i32
      %add3A_56 = arith.addi %mul3A_53, %mul3A_55 : i32
      "tpu.region"() ({
        %run_scoped3A = tpu.sem_alloc : memref<!tpu.dma_semaphore, #tpu.memory_space<semaphore_mem>>
        %dma_start3A_58 = arith.constant 0 : i32
        %dma_start3A_59 = arith.constant 0 : i32
        %dma_start3A_60 = tpu.memref_slice %arg12[%dma_start3A_58, %dma_start3A_59] : memref<88x128xf32, #tpu.memory_space<vmem>> -> memref<80x128xf32, #tpu.memory_space<vmem>>
        %dma_start3A_61 = arith.constant 0 : i32
        %dma_start3A_62 = tpu.memref_slice %arg6[%add3A_56, %dma_start3A_61] : memref<10240x128xf32, #tpu.memory_space<vmem_shared>> -> memref<80x128xf32, #tpu.memory_space<vmem_shared>>
        %dma_start3A_63 = arith.constant 0 : i32
        %dma_start3A_64 = tpu.memref_slice %arg6[%add3A_56, %dma_start3A_63] : memref<10240x128xf32, #tpu.memory_space<vmem_shared>> -> memref<80x128xf32, #tpu.memory_space<vmem_shared>>
        %dma_start3A_65 = arith.constant 0 : i32
        %dma_start3A_66 = arith.constant 0 : i32
        %dma_start3A_67 = tpu.memref_slice %arg12[%dma_start3A_65, %dma_start3A_66] : memref<88x128xf32, #tpu.memory_space<vmem>> -> memref<80x128xf32, #tpu.memory_space<vmem>>
        tpu.enqueue_dma source(%dma_start3A_67 : memref<80x128xf32, #tpu.memory_space<vmem>>) target(%dma_start3A_64 : memref<80x128xf32, #tpu.memory_space<vmem_shared>>) target_semaphore(%run_scoped3A : memref<!tpu.dma_semaphore, #tpu.memory_space<semaphore_mem>>)
        %dma_wait3A = arith.constant 0 : i32
        %dma_wait3A_68 = arith.constant 0 : i32
        %dma_wait3A_69 = tpu.memref_slice %arg12[%dma_wait3A, %dma_wait3A_68] : memref<88x128xf32, #tpu.memory_space<vmem>> -> memref<80x128xf32, #tpu.memory_space<vmem>>
        %dma_wait3A_70 = arith.constant 0 : i32
        %dma_wait3A_71 = tpu.memref_slice %arg6[%add3A_56, %dma_wait3A_70] : memref<10240x128xf32, #tpu.memory_space<vmem_shared>> -> memref<80x128xf32, #tpu.memory_space<vmem_shared>>
        %dma_wait3A_72 = arith.constant 0 : i32
        %dma_wait3A_73 = tpu.memref_slice %arg6[%add3A_56, %dma_wait3A_72] : memref<10240x128xf32, #tpu.memory_space<vmem_shared>> -> memref<80x128xf32, #tpu.memory_space<vmem_shared>>
        %dma_wait3A_74 = arith.constant 0 : i32
        %dma_wait3A_75 = arith.constant 0 : i32
        %dma_wait3A_76 = tpu.memref_slice %arg12[%dma_wait3A_74, %dma_wait3A_75] : memref<88x128xf32, #tpu.memory_space<vmem>> -> memref<80x128xf32, #tpu.memory_space<vmem>>
        tpu.wait_dma2 semaphore(%run_scoped3A : memref<!tpu.dma_semaphore, #tpu.memory_space<semaphore_mem>>) src(%dma_wait3A_76 : memref<80x128xf32, #tpu.memory_space<vmem>>) dst(%dma_wait3A_73 : memref<80x128xf32, #tpu.memory_space<vmem_shared>>)
        tpu.yield
      }) : () -> ()
      %scan3A_57 = arith.constant 0 : i32
      scf.yield %scan3A_57 : i32
    }
    %scan3A_14 = arith.constant 8 : i32
    %barrier3A = arith.constant 0 : index
    tpu.barrier barrier_id(%barrier3A)
    %mul3A_15 = arith.constant 10208 : i32
    %mul3A_16 = arith.muli %add3A, %mul3A_15 : i32
    %add3A_17 = arith.constant 0 : i32
    %add3A_18 = arith.addi %mul3A_16, %add3A_17 : i32
    "tpu.region"() ({
      %run_scoped3A = tpu.sem_alloc : memref<!tpu.dma_semaphore, #tpu.memory_space<semaphore_mem>>
      %dma_start3A_50 = tpu.memref_slice %arg3[%add3A_18] : memref<326656xi32, #tpu.memory_space<hbm>> -> memref<88xi32, #tpu.memory_space<hbm>>
      %dma_start3A_51 = tpu.memref_slice %arg3[%add3A_18] : memref<326656xi32, #tpu.memory_space<hbm>> -> memref<88xi32, #tpu.memory_space<hbm>>
      tpu.enqueue_dma source(%dma_start3A_51 : memref<88xi32, #tpu.memory_space<hbm>>) target(%arg7 : memref<88xi32, #tpu.memory_space<vmem>>) target_semaphore(%run_scoped3A : memref<!tpu.dma_semaphore, #tpu.memory_space<semaphore_mem>>)
      %dma_wait3A = tpu.memref_slice %arg3[%add3A_18] : memref<326656xi32, #tpu.memory_space<hbm>> -> memref<88xi32, #tpu.memory_space<hbm>>
      %dma_wait3A_52 = tpu.memref_slice %arg3[%add3A_18] : memref<326656xi32, #tpu.memory_space<hbm>> -> memref<88xi32, #tpu.memory_space<hbm>>
      tpu.wait_dma2 semaphore(%run_scoped3A : memref<!tpu.dma_semaphore, #tpu.memory_space<semaphore_mem>>) src(%dma_wait3A_52 : memref<88xi32, #tpu.memory_space<hbm>>) dst(%arg7 : memref<88xi32, #tpu.memory_space<vmem>>)
      tpu.yield
    }) : () -> ()
    %dma_start3A = arith.constant 0 : i32
    %dma_start3A_19 = arith.constant 0 : i32
    %dma_start3A_20 = tpu.memref_slice %arg2[%dma_start3A, %dma_start3A_19] : memref<10000x128xf32, #tpu.memory_space<hbm>> -> memref<10000x128xf32, #tpu.memory_space<hbm>>
    tpu.enqueue_indirect_dma source(%dma_start3A_20 : memref<10000x128xf32, #tpu.memory_space<hbm>>) target(%arg12 : memref<88x128xf32, #tpu.memory_space<vmem>>) offsets(%arg7 : memref<88xi32, #tpu.memory_space<vmem>>) semaphore(%arg16 : memref<!tpu.dma_semaphore, #tpu.memory_space<semaphore_mem>>)
    %add3A_21 = arith.constant 88 : i32
    %add3A_22 = arith.addi %mul3A_16, %add3A_21 : i32
    "tpu.region"() ({
      %run_scoped3A = tpu.sem_alloc : memref<!tpu.dma_semaphore, #tpu.memory_space<semaphore_mem>>
      %dma_start3A_50 = tpu.memref_slice %arg3[%add3A_22] : memref<326656xi32, #tpu.memory_space<hbm>> -> memref<88xi32, #tpu.memory_space<hbm>>
      %dma_start3A_51 = tpu.memref_slice %arg3[%add3A_22] : memref<326656xi32, #tpu.memory_space<hbm>> -> memref<88xi32, #tpu.memory_space<hbm>>
      tpu.enqueue_dma source(%dma_start3A_51 : memref<88xi32, #tpu.memory_space<hbm>>) target(%arg8 : memref<88xi32, #tpu.memory_space<vmem>>) target_semaphore(%run_scoped3A : memref<!tpu.dma_semaphore, #tpu.memory_space<semaphore_mem>>)
      %dma_wait3A = tpu.memref_slice %arg3[%add3A_22] : memref<326656xi32, #tpu.memory_space<hbm>> -> memref<88xi32, #tpu.memory_space<hbm>>
      %dma_wait3A_52 = tpu.memref_slice %arg3[%add3A_22] : memref<326656xi32, #tpu.memory_space<hbm>> -> memref<88xi32, #tpu.memory_space<hbm>>
      tpu.wait_dma2 semaphore(%run_scoped3A : memref<!tpu.dma_semaphore, #tpu.memory_space<semaphore_mem>>) src(%dma_wait3A_52 : memref<88xi32, #tpu.memory_space<hbm>>) dst(%arg8 : memref<88xi32, #tpu.memory_space<vmem>>)
      tpu.yield
    }) : () -> ()
    %dma_start3A_23 = arith.constant 0 : i32
    %dma_start3A_24 = arith.constant 0 : i32
    %dma_start3A_25 = tpu.memref_slice %arg2[%dma_start3A_23, %dma_start3A_24] : memref<10000x128xf32, #tpu.memory_space<hbm>> -> memref<10000x128xf32, #tpu.memory_space<hbm>>
    tpu.enqueue_indirect_dma source(%dma_start3A_25 : memref<10000x128xf32, #tpu.memory_space<hbm>>) target(%arg13 : memref<88x128xf32, #tpu.memory_space<vmem>>) offsets(%arg8 : memref<88xi32, #tpu.memory_space<vmem>>) semaphore(%arg17 : memref<!tpu.dma_semaphore, #tpu.memory_space<semaphore_mem>>)
    %add3A_26 = arith.constant 176 : i32
    %add3A_27 = arith.addi %mul3A_16, %add3A_26 : i32
    "tpu.region"() ({
      %run_scoped3A = tpu.sem_alloc : memref<!tpu.dma_semaphore, #tpu.memory_space<semaphore_mem>>
      %dma_start3A_50 = tpu.memref_slice %arg3[%add3A_27] : memref<326656xi32, #tpu.memory_space<hbm>> -> memref<88xi32, #tpu.memory_space<hbm>>
      %dma_start3A_51 = tpu.memref_slice %arg3[%add3A_27] : memref<326656xi32, #tpu.memory_space<hbm>> -> memref<88xi32, #tpu.memory_space<hbm>>
      tpu.enqueue_dma source(%dma_start3A_51 : memref<88xi32, #tpu.memory_space<hbm>>) target(%arg9 : memref<88xi32, #tpu.memory_space<vmem>>) target_semaphore(%run_scoped3A : memref<!tpu.dma_semaphore, #tpu.memory_space<semaphore_mem>>)
      %dma_wait3A = tpu.memref_slice %arg3[%add3A_27] : memref<326656xi32, #tpu.memory_space<hbm>> -> memref<88xi32, #tpu.memory_space<hbm>>
      %dma_wait3A_52 = tpu.memref_slice %arg3[%add3A_27] : memref<326656xi32, #tpu.memory_space<hbm>> -> memref<88xi32, #tpu.memory_space<hbm>>
      tpu.wait_dma2 semaphore(%run_scoped3A : memref<!tpu.dma_semaphore, #tpu.memory_space<semaphore_mem>>) src(%dma_wait3A_52 : memref<88xi32, #tpu.memory_space<hbm>>) dst(%arg9 : memref<88xi32, #tpu.memory_space<vmem>>)
      tpu.yield
    }) : () -> ()
    %dma_start3A_28 = arith.constant 0 : i32
    %dma_start3A_29 = arith.constant 0 : i32
    %dma_start3A_30 = tpu.memref_slice %arg2[%dma_start3A_28, %dma_start3A_29] : memref<10000x128xf32, #tpu.memory_space<hbm>> -> memref<10000x128xf32, #tpu.memory_space<hbm>>
    tpu.enqueue_indirect_dma source(%dma_start3A_30 : memref<10000x128xf32, #tpu.memory_space<hbm>>) target(%arg14 : memref<88x128xf32, #tpu.memory_space<vmem>>) offsets(%arg9 : memref<88xi32, #tpu.memory_space<vmem>>) semaphore(%arg18 : memref<!tpu.dma_semaphore, #tpu.memory_space<semaphore_mem>>)
    %add3A_31 = arith.constant 264 : i32
    %add3A_32 = arith.addi %mul3A_16, %add3A_31 : i32
    "tpu.region"() ({
      %run_scoped3A = tpu.sem_alloc : memref<!tpu.dma_semaphore, #tpu.memory_space<semaphore_mem>>
      %dma_start3A_50 = tpu.memref_slice %arg3[%add3A_32] : memref<326656xi32, #tpu.memory_space<hbm>> -> memref<88xi32, #tpu.memory_space<hbm>>
      %dma_start3A_51 = tpu.memref_slice %arg3[%add3A_32] : memref<326656xi32, #tpu.memory_space<hbm>> -> memref<88xi32, #tpu.memory_space<hbm>>
      tpu.enqueue_dma source(%dma_start3A_51 : memref<88xi32, #tpu.memory_space<hbm>>) target(%arg10 : memref<88xi32, #tpu.memory_space<vmem>>) target_semaphore(%run_scoped3A : memref<!tpu.dma_semaphore, #tpu.memory_space<semaphore_mem>>)
      %dma_wait3A = tpu.memref_slice %arg3[%add3A_32] : memref<326656xi32, #tpu.memory_space<hbm>> -> memref<88xi32, #tpu.memory_space<hbm>>
      %dma_wait3A_52 = tpu.memref_slice %arg3[%add3A_32] : memref<326656xi32, #tpu.memory_space<hbm>> -> memref<88xi32, #tpu.memory_space<hbm>>
      tpu.wait_dma2 semaphore(%run_scoped3A : memref<!tpu.dma_semaphore, #tpu.memory_space<semaphore_mem>>) src(%dma_wait3A_52 : memref<88xi32, #tpu.memory_space<hbm>>) dst(%arg10 : memref<88xi32, #tpu.memory_space<vmem>>)
      tpu.yield
    }) : () -> ()
    %dma_start3A_33 = arith.constant 0 : i32
    %dma_start3A_34 = arith.constant 0 : i32
    %dma_start3A_35 = tpu.memref_slice %arg2[%dma_start3A_33, %dma_start3A_34] : memref<10000x128xf32, #tpu.memory_space<hbm>> -> memref<10000x128xf32, #tpu.memory_space<hbm>>
    tpu.enqueue_indirect_dma source(%dma_start3A_35 : memref<10000x128xf32, #tpu.memory_space<hbm>>) target(%arg15 : memref<88x128xf32, #tpu.memory_space<vmem>>) offsets(%arg10 : memref<88xi32, #tpu.memory_space<vmem>>) semaphore(%arg19 : memref<!tpu.dma_semaphore, #tpu.memory_space<semaphore_mem>>)
    %scan3A_36 = arith.constant 0 : i32
    %scan3A_37 = arith.constant 0 : i32
    %scan3A_38 = arith.constant 29 : i32
    %scan3A_39 = arith.addi %scan3A_37, %scan3A_38 : i32
    %scan3A_40 = arith.constant 1 : i32
    %scan3A_41 = scf.for %scan3A_50 = %scan3A_37 to %scan3A_39 step %scan3A_40 iter_args(%scan3A_51 = %scan3A_36) -> (i32)  : i32 {
      %mul3A_52 = arith.constant 4 : i32
      %mul3A_53 = arith.muli %scan3A_50, %mul3A_52 : i32
      %add3A_54 = arith.constant 0 : i32
      %add3A_55 = arith.addi %mul3A_53, %add3A_54 : i32
      %mul3A_56 = arith.constant 88 : i32
      %mul3A_57 = arith.muli %add3A_55, %mul3A_56 : i32
      %add3A_58 = arith.addi %mul3A_16, %mul3A_57 : i32
      %dma_wait3A = arith.constant 0 : i32
      %dma_wait3A_59 = arith.constant 0 : i32
      %dma_wait3A_60 = tpu.memref_slice %arg2[%dma_wait3A, %dma_wait3A_59] : memref<10000x128xf32, #tpu.memory_space<hbm>> -> memref<10000x128xf32, #tpu.memory_space<hbm>>
      tpu.wait_indirect_dma semaphore(%arg16 : memref<!tpu.dma_semaphore, #tpu.memory_space<semaphore_mem>>) src(%dma_wait3A_60 : memref<10000x128xf32, #tpu.memory_space<hbm>>) dst(%arg12 : memref<88x128xf32, #tpu.memory_space<vmem>>)
      "tpu.region"() ({
        %run_scoped3A = tpu.sem_alloc : memref<!tpu.dma_semaphore, #tpu.memory_space<semaphore_mem>>
        %dma_start3A_111 = tpu.memref_slice %arg4[%add3A_58] : memref<326656xi32, #tpu.memory_space<hbm>> -> memref<88xi32, #tpu.memory_space<hbm>>
        %dma_start3A_112 = tpu.memref_slice %arg4[%add3A_58] : memref<326656xi32, #tpu.memory_space<hbm>> -> memref<88xi32, #tpu.memory_space<hbm>>
        tpu.enqueue_dma source(%dma_start3A_112 : memref<88xi32, #tpu.memory_space<hbm>>) target(%arg11 : memref<88xi32, #tpu.memory_space<vmem>>) target_semaphore(%run_scoped3A : memref<!tpu.dma_semaphore, #tpu.memory_space<semaphore_mem>>)
        %dma_wait3A_113 = tpu.memref_slice %arg4[%add3A_58] : memref<326656xi32, #tpu.memory_space<hbm>> -> memref<88xi32, #tpu.memory_space<hbm>>
        %dma_wait3A_114 = tpu.memref_slice %arg4[%add3A_58] : memref<326656xi32, #tpu.memory_space<hbm>> -> memref<88xi32, #tpu.memory_space<hbm>>
        tpu.wait_dma2 semaphore(%run_scoped3A : memref<!tpu.dma_semaphore, #tpu.memory_space<semaphore_mem>>) src(%dma_wait3A_114 : memref<88xi32, #tpu.memory_space<hbm>>) dst(%arg11 : memref<88xi32, #tpu.memory_space<vmem>>)
        tpu.yield
      }) : () -> ()
      "tpu.region"() ({
        %run_scoped3A = tpu.sem_alloc : memref<!tpu.dma_semaphore, #tpu.memory_space<semaphore_mem>>
        %dma_start3A_111 = arith.constant 0 : i32
        %dma_start3A_112 = arith.constant 0 : i32
        %dma_start3A_113 = tpu.memref_slice %arg6[%dma_start3A_111, %dma_start3A_112] : memref<10240x128xf32, #tpu.memory_space<vmem_shared>> -> memref<10240x128xf32, #tpu.memory_space<vmem_shared>>
        tpu.enqueue_indirect_dma source(%arg12 : memref<88x128xf32, #tpu.memory_space<vmem>>) target(%dma_start3A_113 : memref<10240x128xf32, #tpu.memory_space<vmem_shared>>) offsets(%arg11 : memref<88xi32, #tpu.memory_space<vmem>>) semaphore(%run_scoped3A : memref<!tpu.dma_semaphore, #tpu.memory_space<semaphore_mem>>) {add = true}
        %dma_wait3A_114 = arith.constant 0 : i32
        %dma_wait3A_115 = arith.constant 0 : i32
        %dma_wait3A_116 = tpu.memref_slice %arg6[%dma_wait3A_114, %dma_wait3A_115] : memref<10240x128xf32, #tpu.memory_space<vmem_shared>> -> memref<10240x128xf32, #tpu.memory_space<vmem_shared>>
        tpu.wait_indirect_dma semaphore(%run_scoped3A : memref<!tpu.dma_semaphore, #tpu.memory_space<semaphore_mem>>) src(%arg12 : memref<88x128xf32, #tpu.memory_space<vmem>>) dst(%dma_wait3A_116 : memref<10240x128xf32, #tpu.memory_space<vmem_shared>>)
        tpu.yield
      }) : () -> ()
      %lt3A = arith.constant 112 : i32
      %lt3A_61 = arith.cmpi slt, %add3A_55, %lt3A : i32
      %convert_element_type3A_62 = arith.extui %lt3A_61 : i1 to i32
      %cond3A_63 = arith.constant 0 : i32
      %cond3A_64 = arith.cmpi ne, %convert_element_type3A_62, %cond3A_63 : i32
      scf.if %cond3A_64 {
        %add3A_111 = arith.constant 352 : i32
        %add3A_112 = arith.addi %add3A_58, %add3A_111 : i32
        "tpu.region"() ({
          %run_scoped3A = tpu.sem_alloc : memref<!tpu.dma_semaphore, #tpu.memory_space<semaphore_mem>>
          %dma_start3A_116 = tpu.memref_slice %arg3[%add3A_112] : memref<326656xi32, #tpu.memory_space<hbm>> -> memref<88xi32, #tpu.memory_space<hbm>>
          %dma_start3A_117 = tpu.memref_slice %arg3[%add3A_112] : memref<326656xi32, #tpu.memory_space<hbm>> -> memref<88xi32, #tpu.memory_space<hbm>>
          tpu.enqueue_dma source(%dma_start3A_117 : memref<88xi32, #tpu.memory_space<hbm>>) target(%arg7 : memref<88xi32, #tpu.memory_space<vmem>>) target_semaphore(%run_scoped3A : memref<!tpu.dma_semaphore, #tpu.memory_space<semaphore_mem>>)
          %dma_wait3A_118 = tpu.memref_slice %arg3[%add3A_112] : memref<326656xi32, #tpu.memory_space<hbm>> -> memref<88xi32, #tpu.memory_space<hbm>>
          %dma_wait3A_119 = tpu.memref_slice %arg3[%add3A_112] : memref<326656xi32, #tpu.memory_space<hbm>> -> memref<88xi32, #tpu.memory_space<hbm>>
          tpu.wait_dma2 semaphore(%run_scoped3A : memref<!tpu.dma_semaphore, #tpu.memory_space<semaphore_mem>>) src(%dma_wait3A_119 : memref<88xi32, #tpu.memory_space<hbm>>) dst(%arg7 : memref<88xi32, #tpu.memory_space<vmem>>)
          tpu.yield
        }) : () -> ()
        %dma_start3A_113 = arith.constant 0 : i32
        %dma_start3A_114 = arith.constant 0 : i32
        %dma_start3A_115 = tpu.memref_slice %arg2[%dma_start3A_113, %dma_start3A_114] : memref<10000x128xf32, #tpu.memory_space<hbm>> -> memref<10000x128xf32, #tpu.memory_space<hbm>>
        tpu.enqueue_indirect_dma source(%dma_start3A_115 : memref<10000x128xf32, #tpu.memory_space<hbm>>) target(%arg12 : memref<88x128xf32, #tpu.memory_space<vmem>>) offsets(%arg7 : memref<88xi32, #tpu.memory_space<vmem>>) semaphore(%arg16 : memref<!tpu.dma_semaphore, #tpu.memory_space<semaphore_mem>>)
      } else {
      }
      %mul3A_65 = arith.constant 4 : i32
      %mul3A_66 = arith.muli %scan3A_50, %mul3A_65 : i32
      %add3A_67 = arith.constant 1 : i32
      %add3A_68 = arith.addi %mul3A_66, %add3A_67 : i32
      %mul3A_69 = arith.constant 88 : i32
      %mul3A_70 = arith.muli %add3A_68, %mul3A_69 : i32
      %add3A_71 = arith.addi %mul3A_16, %mul3A_70 : i32
      %dma_wait3A_72 = arith.constant 0 : i32
      %dma_wait3A_73 = arith.constant 0 : i32
      %dma_wait3A_74 = tpu.memref_slice %arg2[%dma_wait3A_72, %dma_wait3A_73] : memref<10000x128xf32, #tpu.memory_space<hbm>> -> memref<10000x128xf32, #tpu.memory_space<hbm>>
      tpu.wait_indirect_dma semaphore(%arg17 : memref<!tpu.dma_semaphore, #tpu.memory_space<semaphore_mem>>) src(%dma_wait3A_74 : memref<10000x128xf32, #tpu.memory_space<hbm>>) dst(%arg13 : memref<88x128xf32, #tpu.memory_space<vmem>>)
      "tpu.region"() ({
        %run_scoped3A = tpu.sem_alloc : memref<!tpu.dma_semaphore, #tpu.memory_space<semaphore_mem>>
        %dma_start3A_111 = tpu.memref_slice %arg4[%add3A_71] : memref<326656xi32, #tpu.memory_space<hbm>> -> memref<88xi32, #tpu.memory_space<hbm>>
        %dma_start3A_112 = tpu.memref_slice %arg4[%add3A_71] : memref<326656xi32, #tpu.memory_space<hbm>> -> memref<88xi32, #tpu.memory_space<hbm>>
        tpu.enqueue_dma source(%dma_start3A_112 : memref<88xi32, #tpu.memory_space<hbm>>) target(%arg11 : memref<88xi32, #tpu.memory_space<vmem>>) target_semaphore(%run_scoped3A : memref<!tpu.dma_semaphore, #tpu.memory_space<semaphore_mem>>)
        %dma_wait3A_113 = tpu.memref_slice %arg4[%add3A_71] : memref<326656xi32, #tpu.memory_space<hbm>> -> memref<88xi32, #tpu.memory_space<hbm>>
        %dma_wait3A_114 = tpu.memref_slice %arg4[%add3A_71] : memref<326656xi32, #tpu.memory_space<hbm>> -> memref<88xi32, #tpu.memory_space<hbm>>
        tpu.wait_dma2 semaphore(%run_scoped3A : memref<!tpu.dma_semaphore, #tpu.memory_space<semaphore_mem>>) src(%dma_wait3A_114 : memref<88xi32, #tpu.memory_space<hbm>>) dst(%arg11 : memref<88xi32, #tpu.memory_space<vmem>>)
        tpu.yield
      }) : () -> ()
      "tpu.region"() ({
        %run_scoped3A = tpu.sem_alloc : memref<!tpu.dma_semaphore, #tpu.memory_space<semaphore_mem>>
        %dma_start3A_111 = arith.constant 0 : i32
        %dma_start3A_112 = arith.constant 0 : i32
        %dma_start3A_113 = tpu.memref_slice %arg6[%dma_start3A_111, %dma_start3A_112] : memref<10240x128xf32, #tpu.memory_space<vmem_shared>> -> memref<10240x128xf32, #tpu.memory_space<vmem_shared>>
        tpu.enqueue_indirect_dma source(%arg13 : memref<88x128xf32, #tpu.memory_space<vmem>>) target(%dma_start3A_113 : memref<10240x128xf32, #tpu.memory_space<vmem_shared>>) offsets(%arg11 : memref<88xi32, #tpu.memory_space<vmem>>) semaphore(%run_scoped3A : memref<!tpu.dma_semaphore, #tpu.memory_space<semaphore_mem>>) {add = true}
        %dma_wait3A_114 = arith.constant 0 : i32
        %dma_wait3A_115 = arith.constant 0 : i32
        %dma_wait3A_116 = tpu.memref_slice %arg6[%dma_wait3A_114, %dma_wait3A_115] : memref<10240x128xf32, #tpu.memory_space<vmem_shared>> -> memref<10240x128xf32, #tpu.memory_space<vmem_shared>>
        tpu.wait_indirect_dma semaphore(%run_scoped3A : memref<!tpu.dma_semaphore, #tpu.memory_space<semaphore_mem>>) src(%arg13 : memref<88x128xf32, #tpu.memory_space<vmem>>) dst(%dma_wait3A_116 : memref<10240x128xf32, #tpu.memory_space<vmem_shared>>)
        tpu.yield
      }) : () -> ()
      %lt3A_75 = arith.constant 112 : i32
      %lt3A_76 = arith.cmpi slt, %add3A_68, %lt3A_75 : i32
      %convert_element_type3A_77 = arith.extui %lt3A_76 : i1 to i32
      %cond3A_78 = arith.constant 0 : i32
      %cond3A_79 = arith.cmpi ne, %convert_element_type3A_77, %cond3A_78 : i32
      scf.if %cond3A_79 {
        %add3A_111 = arith.constant 352 : i32
        %add3A_112 = arith.addi %add3A_71, %add3A_111 : i32
        "tpu.region"() ({
          %run_scoped3A = tpu.sem_alloc : memref<!tpu.dma_semaphore, #tpu.memory_space<semaphore_mem>>
          %dma_start3A_116 = tpu.memref_slice %arg3[%add3A_112] : memref<326656xi32, #tpu.memory_space<hbm>> -> memref<88xi32, #tpu.memory_space<hbm>>
          %dma_start3A_117 = tpu.memref_slice %arg3[%add3A_112] : memref<326656xi32, #tpu.memory_space<hbm>> -> memref<88xi32, #tpu.memory_space<hbm>>
          tpu.enqueue_dma source(%dma_start3A_117 : memref<88xi32, #tpu.memory_space<hbm>>) target(%arg8 : memref<88xi32, #tpu.memory_space<vmem>>) target_semaphore(%run_scoped3A : memref<!tpu.dma_semaphore, #tpu.memory_space<semaphore_mem>>)
          %dma_wait3A_118 = tpu.memref_slice %arg3[%add3A_112] : memref<326656xi32, #tpu.memory_space<hbm>> -> memref<88xi32, #tpu.memory_space<hbm>>
          %dma_wait3A_119 = tpu.memref_slice %arg3[%add3A_112] : memref<326656xi32, #tpu.memory_space<hbm>> -> memref<88xi32, #tpu.memory_space<hbm>>
          tpu.wait_dma2 semaphore(%run_scoped3A : memref<!tpu.dma_semaphore, #tpu.memory_space<semaphore_mem>>) src(%dma_wait3A_119 : memref<88xi32, #tpu.memory_space<hbm>>) dst(%arg8 : memref<88xi32, #tpu.memory_space<vmem>>)
          tpu.yield
        }) : () -> ()
        %dma_start3A_113 = arith.constant 0 : i32
        %dma_start3A_114 = arith.constant 0 : i32
        %dma_start3A_115 = tpu.memref_slice %arg2[%dma_start3A_113, %dma_start3A_114] : memref<10000x128xf32, #tpu.memory_space<hbm>> -> memref<10000x128xf32, #tpu.memory_space<hbm>>
        tpu.enqueue_indirect_dma source(%dma_start3A_115 : memref<10000x128xf32, #tpu.memory_space<hbm>>) target(%arg13 : memref<88x128xf32, #tpu.memory_space<vmem>>) offsets(%arg8 : memref<88xi32, #tpu.memory_space<vmem>>) semaphore(%arg17 : memref<!tpu.dma_semaphore, #tpu.memory_space<semaphore_mem>>)
      } else {
      }
      %mul3A_80 = arith.constant 4 : i32
      %mul3A_81 = arith.muli %scan3A_50, %mul3A_80 : i32
      %add3A_82 = arith.constant 2 : i32
      %add3A_83 = arith.addi %mul3A_81, %add3A_82 : i32
      %mul3A_84 = arith.constant 88 : i32
      %mul3A_85 = arith.muli %add3A_83, %mul3A_84 : i32
      %add3A_86 = arith.addi %mul3A_16, %mul3A_85 : i32
      %dma_wait3A_87 = arith.constant 0 : i32
      %dma_wait3A_88 = arith.constant 0 : i32
      %dma_wait3A_89 = tpu.memref_slice %arg2[%dma_wait3A_87, %dma_wait3A_88] : memref<10000x128xf32, #tpu.memory_space<hbm>> -> memref<10000x128xf32, #tpu.memory_space<hbm>>
      tpu.wait_indirect_dma semaphore(%arg18 : memref<!tpu.dma_semaphore, #tpu.memory_space<semaphore_mem>>) src(%dma_wait3A_89 : memref<10000x128xf32, #tpu.memory_space<hbm>>) dst(%arg14 : memref<88x128xf32, #tpu.memory_space<vmem>>)
      "tpu.region"() ({
        %run_scoped3A = tpu.sem_alloc : memref<!tpu.dma_semaphore, #tpu.memory_space<semaphore_mem>>
        %dma_start3A_111 = tpu.memref_slice %arg4[%add3A_86] : memref<326656xi32, #tpu.memory_space<hbm>> -> memref<88xi32, #tpu.memory_space<hbm>>
        %dma_start3A_112 = tpu.memref_slice %arg4[%add3A_86] : memref<326656xi32, #tpu.memory_space<hbm>> -> memref<88xi32, #tpu.memory_space<hbm>>
        tpu.enqueue_dma source(%dma_start3A_112 : memref<88xi32, #tpu.memory_space<hbm>>) target(%arg11 : memref<88xi32, #tpu.memory_space<vmem>>) target_semaphore(%run_scoped3A : memref<!tpu.dma_semaphore, #tpu.memory_space<semaphore_mem>>)
        %dma_wait3A_113 = tpu.memref_slice %arg4[%add3A_86] : memref<326656xi32, #tpu.memory_space<hbm>> -> memref<88xi32, #tpu.memory_space<hbm>>
        %dma_wait3A_114 = tpu.memref_slice %arg4[%add3A_86] : memref<326656xi32, #tpu.memory_space<hbm>> -> memref<88xi32, #tpu.memory_space<hbm>>
        tpu.wait_dma2 semaphore(%run_scoped3A : memref<!tpu.dma_semaphore, #tpu.memory_space<semaphore_mem>>) src(%dma_wait3A_114 : memref<88xi32, #tpu.memory_space<hbm>>) dst(%arg11 : memref<88xi32, #tpu.memory_space<vmem>>)
        tpu.yield
      }) : () -> ()
      "tpu.region"() ({
        %run_scoped3A = tpu.sem_alloc : memref<!tpu.dma_semaphore, #tpu.memory_space<semaphore_mem>>
        %dma_start3A_111 = arith.constant 0 : i32
        %dma_start3A_112 = arith.constant 0 : i32
        %dma_start3A_113 = tpu.memref_slice %arg6[%dma_start3A_111, %dma_start3A_112] : memref<10240x128xf32, #tpu.memory_space<vmem_shared>> -> memref<10240x128xf32, #tpu.memory_space<vmem_shared>>
        tpu.enqueue_indirect_dma source(%arg14 : memref<88x128xf32, #tpu.memory_space<vmem>>) target(%dma_start3A_113 : memref<10240x128xf32, #tpu.memory_space<vmem_shared>>) offsets(%arg11 : memref<88xi32, #tpu.memory_space<vmem>>) semaphore(%run_scoped3A : memref<!tpu.dma_semaphore, #tpu.memory_space<semaphore_mem>>) {add = true}
        %dma_wait3A_114 = arith.constant 0 : i32
        %dma_wait3A_115 = arith.constant 0 : i32
        %dma_wait3A_116 = tpu.memref_slice %arg6[%dma_wait3A_114, %dma_wait3A_115] : memref<10240x128xf32, #tpu.memory_space<vmem_shared>> -> memref<10240x128xf32, #tpu.memory_space<vmem_shared>>
        tpu.wait_indirect_dma semaphore(%run_scoped3A : memref<!tpu.dma_semaphore, #tpu.memory_space<semaphore_mem>>) src(%arg14 : memref<88x128xf32, #tpu.memory_space<vmem>>) dst(%dma_wait3A_116 : memref<10240x128xf32, #tpu.memory_space<vmem_shared>>)
        tpu.yield
      }) : () -> ()
      %lt3A_90 = arith.constant 112 : i32
      %lt3A_91 = arith.cmpi slt, %add3A_83, %lt3A_90 : i32
      %convert_element_type3A_92 = arith.extui %lt3A_91 : i1 to i32
      %cond3A_93 = arith.constant 0 : i32
      %cond3A_94 = arith.cmpi ne, %convert_element_type3A_92, %cond3A_93 : i32
      scf.if %cond3A_94 {
        %add3A_111 = arith.constant 352 : i32
        %add3A_112 = arith.addi %add3A_86, %add3A_111 : i32
        "tpu.region"() ({
          %run_scoped3A = tpu.sem_alloc : memref<!tpu.dma_semaphore, #tpu.memory_space<semaphore_mem>>
          %dma_start3A_116 = tpu.memref_slice %arg3[%add3A_112] : memref<326656xi32, #tpu.memory_space<hbm>> -> memref<88xi32, #tpu.memory_space<hbm>>
          %dma_start3A_117 = tpu.memref_slice %arg3[%add3A_112] : memref<326656xi32, #tpu.memory_space<hbm>> -> memref<88xi32, #tpu.memory_space<hbm>>
          tpu.enqueue_dma source(%dma_start3A_117 : memref<88xi32, #tpu.memory_space<hbm>>) target(%arg9 : memref<88xi32, #tpu.memory_space<vmem>>) target_semaphore(%run_scoped3A : memref<!tpu.dma_semaphore, #tpu.memory_space<semaphore_mem>>)
          %dma_wait3A_118 = tpu.memref_slice %arg3[%add3A_112] : memref<326656xi32, #tpu.memory_space<hbm>> -> memref<88xi32, #tpu.memory_space<hbm>>
          %dma_wait3A_119 = tpu.memref_slice %arg3[%add3A_112] : memref<326656xi32, #tpu.memory_space<hbm>> -> memref<88xi32, #tpu.memory_space<hbm>>
          tpu.wait_dma2 semaphore(%run_scoped3A : memref<!tpu.dma_semaphore, #tpu.memory_space<semaphore_mem>>) src(%dma_wait3A_119 : memref<88xi32, #tpu.memory_space<hbm>>) dst(%arg9 : memref<88xi32, #tpu.memory_space<vmem>>)
          tpu.yield
        }) : () -> ()
        %dma_start3A_113 = arith.constant 0 : i32
        %dma_start3A_114 = arith.constant 0 : i32
        %dma_start3A_115 = tpu.memref_slice %arg2[%dma_start3A_113, %dma_start3A_114] : memref<10000x128xf32, #tpu.memory_space<hbm>> -> memref<10000x128xf32, #tpu.memory_space<hbm>>
        tpu.enqueue_indirect_dma source(%dma_start3A_115 : memref<10000x128xf32, #tpu.memory_space<hbm>>) target(%arg14 : memref<88x128xf32, #tpu.memory_space<vmem>>) offsets(%arg9 : memref<88xi32, #tpu.memory_space<vmem>>) semaphore(%arg18 : memref<!tpu.dma_semaphore, #tpu.memory_space<semaphore_mem>>)
      } else {
      }
      %mul3A_95 = arith.constant 4 : i32
      %mul3A_96 = arith.muli %scan3A_50, %mul3A_95 : i32
      %add3A_97 = arith.constant 3 : i32
      %add3A_98 = arith.addi %mul3A_96, %add3A_97 : i32
      %mul3A_99 = arith.constant 88 : i32
      %mul3A_100 = arith.muli %add3A_98, %mul3A_99 : i32
      %add3A_101 = arith.addi %mul3A_16, %mul3A_100 : i32
      %dma_wait3A_102 = arith.constant 0 : i32
      %dma_wait3A_103 = arith.constant 0 : i32
      %dma_wait3A_104 = tpu.memref_slice %arg2[%dma_wait3A_102, %dma_wait3A_103] : memref<10000x128xf32, #tpu.memory_space<hbm>> -> memref<10000x128xf32, #tpu.memory_space<hbm>>
      tpu.wait_indirect_dma semaphore(%arg19 : memref<!tpu.dma_semaphore, #tpu.memory_space<semaphore_mem>>) src(%dma_wait3A_104 : memref<10000x128xf32, #tpu.memory_space<hbm>>) dst(%arg15 : memref<88x128xf32, #tpu.memory_space<vmem>>)
      "tpu.region"() ({
        %run_scoped3A = tpu.sem_alloc : memref<!tpu.dma_semaphore, #tpu.memory_space<semaphore_mem>>
        %dma_start3A_111 = tpu.memref_slice %arg4[%add3A_101] : memref<326656xi32, #tpu.memory_space<hbm>> -> memref<88xi32, #tpu.memory_space<hbm>>
        %dma_start3A_112 = tpu.memref_slice %arg4[%add3A_101] : memref<326656xi32, #tpu.memory_space<hbm>> -> memref<88xi32, #tpu.memory_space<hbm>>
        tpu.enqueue_dma source(%dma_start3A_112 : memref<88xi32, #tpu.memory_space<hbm>>) target(%arg11 : memref<88xi32, #tpu.memory_space<vmem>>) target_semaphore(%run_scoped3A : memref<!tpu.dma_semaphore, #tpu.memory_space<semaphore_mem>>)
        %dma_wait3A_113 = tpu.memref_slice %arg4[%add3A_101] : memref<326656xi32, #tpu.memory_space<hbm>> -> memref<88xi32, #tpu.memory_space<hbm>>
        %dma_wait3A_114 = tpu.memref_slice %arg4[%add3A_101] : memref<326656xi32, #tpu.memory_space<hbm>> -> memref<88xi32, #tpu.memory_space<hbm>>
        tpu.wait_dma2 semaphore(%run_scoped3A : memref<!tpu.dma_semaphore, #tpu.memory_space<semaphore_mem>>) src(%dma_wait3A_114 : memref<88xi32, #tpu.memory_space<hbm>>) dst(%arg11 : memref<88xi32, #tpu.memory_space<vmem>>)
        tpu.yield
      }) : () -> ()
      "tpu.region"() ({
        %run_scoped3A = tpu.sem_alloc : memref<!tpu.dma_semaphore, #tpu.memory_space<semaphore_mem>>
        %dma_start3A_111 = arith.constant 0 : i32
        %dma_start3A_112 = arith.constant 0 : i32
        %dma_start3A_113 = tpu.memref_slice %arg6[%dma_start3A_111, %dma_start3A_112] : memref<10240x128xf32, #tpu.memory_space<vmem_shared>> -> memref<10240x128xf32, #tpu.memory_space<vmem_shared>>
        tpu.enqueue_indirect_dma source(%arg15 : memref<88x128xf32, #tpu.memory_space<vmem>>) target(%dma_start3A_113 : memref<10240x128xf32, #tpu.memory_space<vmem_shared>>) offsets(%arg11 : memref<88xi32, #tpu.memory_space<vmem>>) semaphore(%run_scoped3A : memref<!tpu.dma_semaphore, #tpu.memory_space<semaphore_mem>>) {add = true}
        %dma_wait3A_114 = arith.constant 0 : i32
        %dma_wait3A_115 = arith.constant 0 : i32
        %dma_wait3A_116 = tpu.memref_slice %arg6[%dma_wait3A_114, %dma_wait3A_115] : memref<10240x128xf32, #tpu.memory_space<vmem_shared>> -> memref<10240x128xf32, #tpu.memory_space<vmem_shared>>
        tpu.wait_indirect_dma semaphore(%run_scoped3A : memref<!tpu.dma_semaphore, #tpu.memory_space<semaphore_mem>>) src(%arg15 : memref<88x128xf32, #tpu.memory_space<vmem>>) dst(%dma_wait3A_116 : memref<10240x128xf32, #tpu.memory_space<vmem_shared>>)
        tpu.yield
      }) : () -> ()
      %lt3A_105 = arith.constant 112 : i32
      %lt3A_106 = arith.cmpi slt, %add3A_98, %lt3A_105 : i32
      %convert_element_type3A_107 = arith.extui %lt3A_106 : i1 to i32
      %cond3A_108 = arith.constant 0 : i32
      %cond3A_109 = arith.cmpi ne, %convert_element_type3A_107, %cond3A_108 : i32
      scf.if %cond3A_109 {
        %add3A_111 = arith.constant 352 : i32
        %add3A_112 = arith.addi %add3A_101, %add3A_111 : i32
        "tpu.region"() ({
          %run_scoped3A = tpu.sem_alloc : memref<!tpu.dma_semaphore, #tpu.memory_space<semaphore_mem>>
          %dma_start3A_116 = tpu.memref_slice %arg3[%add3A_112] : memref<326656xi32, #tpu.memory_space<hbm>> -> memref<88xi32, #tpu.memory_space<hbm>>
          %dma_start3A_117 = tpu.memref_slice %arg3[%add3A_112] : memref<326656xi32, #tpu.memory_space<hbm>> -> memref<88xi32, #tpu.memory_space<hbm>>
          tpu.enqueue_dma source(%dma_start3A_117 : memref<88xi32, #tpu.memory_space<hbm>>) target(%arg10 : memref<88xi32, #tpu.memory_space<vmem>>) target_semaphore(%run_scoped3A : memref<!tpu.dma_semaphore, #tpu.memory_space<semaphore_mem>>)
          %dma_wait3A_118 = tpu.memref_slice %arg3[%add3A_112] : memref<326656xi32, #tpu.memory_space<hbm>> -> memref<88xi32, #tpu.memory_space<hbm>>
          %dma_wait3A_119 = tpu.memref_slice %arg3[%add3A_112] : memref<326656xi32, #tpu.memory_space<hbm>> -> memref<88xi32, #tpu.memory_space<hbm>>
          tpu.wait_dma2 semaphore(%run_scoped3A : memref<!tpu.dma_semaphore, #tpu.memory_space<semaphore_mem>>) src(%dma_wait3A_119 : memref<88xi32, #tpu.memory_space<hbm>>) dst(%arg10 : memref<88xi32, #tpu.memory_space<vmem>>)
          tpu.yield
        }) : () -> ()
        %dma_start3A_113 = arith.constant 0 : i32
        %dma_start3A_114 = arith.constant 0 : i32
        %dma_start3A_115 = tpu.memref_slice %arg2[%dma_start3A_113, %dma_start3A_114] : memref<10000x128xf32, #tpu.memory_space<hbm>> -> memref<10000x128xf32, #tpu.memory_space<hbm>>
        tpu.enqueue_indirect_dma source(%dma_start3A_115 : memref<10000x128xf32, #tpu.memory_space<hbm>>) target(%arg15 : memref<88x128xf32, #tpu.memory_space<vmem>>) offsets(%arg10 : memref<88xi32, #tpu.memory_space<vmem>>) semaphore(%arg19 : memref<!tpu.dma_semaphore, #tpu.memory_space<semaphore_mem>>)
      } else {
      }
      %scan3A_110 = arith.constant 0 : i32
      scf.yield %scan3A_110 : i32
    }
    %scan3A_42 = arith.constant 29 : i32
    %barrier3A_43 = arith.constant 0 : index
    tpu.barrier barrier_id(%barrier3A_43)
    %mul3A_44 = arith.constant 624 : i32
    %mul3A_45 = arith.muli %arg1, %mul3A_44 : i32
    %mul3A_46 = arith.constant 624 : i32
    %mul3A_47 = arith.muli %arg1, %mul3A_46 : i32
    "tpu.region"() ({
      %run_scoped3A = tpu.sem_alloc : memref<!tpu.dma_semaphore, #tpu.memory_space<semaphore_mem>>
      %dma_start3A_50 = arith.constant 0 : i32
      %dma_start3A_51 = tpu.memref_slice %arg5[%arg0, %mul3A_47, %dma_start3A_50] : memref<2x10000x128xf32, #tpu.memory_space<hbm>> -> memref<1x624x128xf32, #tpu.memory_space<hbm>>
      %dma_start3A_52 = tpu.memref_squeeze %dma_start3A_51 : memref<1x624x128xf32, #tpu.memory_space<hbm>> -> memref<624x128xf32, #tpu.memory_space<hbm>>
      %dma_start3A_53 = arith.constant 0 : i32
      %dma_start3A_54 = tpu.memref_slice %arg6[%mul3A_45, %dma_start3A_53] : memref<10240x128xf32, #tpu.memory_space<vmem_shared>> -> memref<624x128xf32, #tpu.memory_space<vmem_shared>>
      tpu.enqueue_dma source(%dma_start3A_54 : memref<624x128xf32, #tpu.memory_space<vmem_shared>>) target(%dma_start3A_52 : memref<624x128xf32, #tpu.memory_space<hbm>>) target_semaphore(%run_scoped3A : memref<!tpu.dma_semaphore, #tpu.memory_space<semaphore_mem>>)
      %dma_wait3A = arith.constant 0 : i32
      %dma_wait3A_55 = tpu.memref_slice %arg5[%arg0, %mul3A_47, %dma_wait3A] : memref<2x10000x128xf32, #tpu.memory_space<hbm>> -> memref<1x624x128xf32, #tpu.memory_space<hbm>>
      %dma_wait3A_56 = tpu.memref_squeeze %dma_wait3A_55 : memref<1x624x128xf32, #tpu.memory_space<hbm>> -> memref<624x128xf32, #tpu.memory_space<hbm>>
      %dma_wait3A_57 = arith.constant 0 : i32
      %dma_wait3A_58 = tpu.memref_slice %arg6[%mul3A_45, %dma_wait3A_57] : memref<10240x128xf32, #tpu.memory_space<vmem_shared>> -> memref<624x128xf32, #tpu.memory_space<vmem_shared>>
      tpu.wait_dma2 semaphore(%run_scoped3A : memref<!tpu.dma_semaphore, #tpu.memory_space<semaphore_mem>>) src(%dma_wait3A_58 : memref<624x128xf32, #tpu.memory_space<vmem_shared>>) dst(%dma_wait3A_56 : memref<624x128xf32, #tpu.memory_space<hbm>>)
      tpu.yield
    }) : () -> ()
    %eq3A = arith.constant 0 : i32
    %eq3A_48 = arith.cmpi eq, %arg1, %eq3A : i32
    %convert_element_type3A = arith.extui %eq3A_48 : i1 to i32
    %cond3A = arith.constant 0 : i32
    %cond3A_49 = arith.cmpi ne, %convert_element_type3A, %cond3A : i32
    scf.if %cond3A_49 {
      "tpu.region"() ({
        %run_scoped3A = tpu.sem_alloc : memref<!tpu.dma_semaphore, #tpu.memory_space<semaphore_mem>>
        %dma_start3A_50 = arith.constant 9984 : i32
        %dma_start3A_51 = arith.constant 0 : i32
        %dma_start3A_52 = tpu.memref_slice %arg5[%arg0, %dma_start3A_50, %dma_start3A_51] : memref<2x10000x128xf32, #tpu.memory_space<hbm>> -> memref<1x16x128xf32, #tpu.memory_space<hbm>>
        %dma_start3A_53 = tpu.memref_squeeze %dma_start3A_52 : memref<1x16x128xf32, #tpu.memory_space<hbm>> -> memref<16x128xf32, #tpu.memory_space<hbm>>
        %dma_start3A_54 = arith.constant 9984 : i32
        %dma_start3A_55 = arith.constant 0 : i32
        %dma_start3A_56 = tpu.memref_slice %arg6[%dma_start3A_54, %dma_start3A_55] : memref<10240x128xf32, #tpu.memory_space<vmem_shared>> -> memref<16x128xf32, #tpu.memory_space<vmem_shared>>
        tpu.enqueue_dma source(%dma_start3A_56 : memref<16x128xf32, #tpu.memory_space<vmem_shared>>) target(%dma_start3A_53 : memref<16x128xf32, #tpu.memory_space<hbm>>) target_semaphore(%run_scoped3A : memref<!tpu.dma_semaphore, #tpu.memory_space<semaphore_mem>>)
        %dma_wait3A = arith.constant 9984 : i32
        %dma_wait3A_57 = arith.constant 0 : i32
        %dma_wait3A_58 = tpu.memref_slice %arg5[%arg0, %dma_wait3A, %dma_wait3A_57] : memref<2x10000x128xf32, #tpu.memory_space<hbm>> -> memref<1x16x128xf32, #tpu.memory_space<hbm>>
        %dma_wait3A_59 = tpu.memref_squeeze %dma_wait3A_58 : memref<1x16x128xf32, #tpu.memory_space<hbm>> -> memref<16x128xf32, #tpu.memory_space<hbm>>
        %dma_wait3A_60 = arith.constant 9984 : i32
        %dma_wait3A_61 = arith.constant 0 : i32
        %dma_wait3A_62 = tpu.memref_slice %arg6[%dma_wait3A_60, %dma_wait3A_61] : memref<10240x128xf32, #tpu.memory_space<vmem_shared>> -> memref<16x128xf32, #tpu.memory_space<vmem_shared>>
        tpu.wait_dma2 semaphore(%run_scoped3A : memref<!tpu.dma_semaphore, #tpu.memory_space<semaphore_mem>>) src(%dma_wait3A_62 : memref<16x128xf32, #tpu.memory_space<vmem_shared>>) dst(%dma_wait3A_59 : memref<16x128xf32, #tpu.memory_space<hbm>>)
        tpu.yield
      }) : () -> ()
    } else {
    }
    return
  }
}

#map = affine_map<(d0, d1) -> (0, 0)>
#map1 = affine_map<(d0, d1) -> (0)>
#map2 = affine_map<(d0, d1) -> (0, 0, 0)>
module attributes {stable_mosaic.version = 14 : i64} {
  func.func @_sc_agg_body(%arg0: i32, %arg1: i32, %arg2: memref<10000x128xf32, #tpu.memory_space<hbm>>, %arg3: memref<326656xi32, #tpu.memory_space<hbm>>, %arg4: memref<326656xi32, #tpu.memory_space<hbm>>, %arg5: memref<2x10000x128xf32, #tpu.memory_space<hbm>>, %arg6: memref<10240x128xf32, #tpu.memory_space<vmem_shared>>, %arg7: memref<88xi32, #tpu.memory_space<vmem>>, %arg8: memref<88xi32, #tpu.memory_space<vmem>>, %arg9: memref<88xi32, #tpu.memory_space<vmem>>, %arg10: memref<88xi32, #tpu.memory_space<vmem>>, %arg11: memref<88xi32, #tpu.memory_space<vmem>>, %arg12: memref<88x128xf32, #tpu.memory_space<vmem>>, %arg13: memref<88x128xf32, #tpu.memory_space<vmem>>, %arg14: memref<88x128xf32, #tpu.memory_space<vmem>>, %arg15: memref<88x128xf32, #tpu.memory_space<vmem>>, %arg16: memref<!tpu.dma_semaphore, #tpu.memory_space<semaphore_mem>>, %arg17: memref<!tpu.dma_semaphore, #tpu.memory_space<semaphore_mem>>, %arg18: memref<!tpu.dma_semaphore, #tpu.memory_space<semaphore_mem>>, %arg19: memref<!tpu.dma_semaphore, #tpu.memory_space<semaphore_mem>>) attributes {dimension_semantics = [#tpu.dimension_semantics<core_parallel>, #tpu.dimension_semantics<subcore_parallel>], iteration_bounds = array<i64: 2, 16>, scalar_prefetch = 0 : i64, scratch_operands = 14 : i64, tpu.core_type = #tpu.core_type<sc_vector_subcore>, window_params = [{transform_indices = #map}, {transform_indices = #map1}, {transform_indices = #map1}, {transform_indices = #map2}]} {
    %mul3A = arith.constant 16 : i32
    %mul3A_0 = arith.muli %arg0, %mul3A : i32
    %add3A = arith.addi %mul3A_0, %arg1 : i32
    %broadcast_in_dim3A = arith.constant 0.000000e+00 : f32
    %broadcast_in_dim3A_1 = vector.broadcast %broadcast_in_dim3A : f32 to vector<16xf32>
    %scan3A = arith.constant 0 : i32
    %scan3A_2 = arith.constant 0 : i32
    %scan3A_3 = arith.constant 704 : i32
    %scan3A_4 = arith.addi %scan3A_2, %scan3A_3 : i32
    %scan3A_5 = arith.constant 1 : i32
    %scan3A_6 = scf.for %scan3A_50 = %scan3A_2 to %scan3A_4 step %scan3A_5 iter_args(%scan3A_51 = %scan3A) -> (i32)  : i32 {
      %jit3A = arith.constant 8 : i32
      %div3A = arith.divsi %scan3A_50, %jit3A : i32
      %sign3A = arith.constant 0 : i32
      %sign3A_52 = arith.cmpi sgt, %scan3A_50, %sign3A : i32
      %sign3A_53 = arith.extui %sign3A_52 : i1 to i32
      %sign3A_54 = arith.constant 0 : i32
      %sign3A_55 = arith.cmpi slt, %scan3A_50, %sign3A_54 : i32
      %sign3A_56 = arith.extui %sign3A_55 : i1 to i32
      %sign3A_57 = arith.subi %sign3A_53, %sign3A_56 : i32
      %sign3A_58 = arith.constant 0 : i32
      %sign3A_59 = arith.cmpi sgt, %jit3A, %sign3A_58 : i32
      %sign3A_60 = arith.extui %sign3A_59 : i1 to i32
      %sign3A_61 = arith.constant 0 : i32
      %sign3A_62 = arith.cmpi slt, %jit3A, %sign3A_61 : i32
      %sign3A_63 = arith.extui %sign3A_62 : i1 to i32
      %sign3A_64 = arith.subi %sign3A_60, %sign3A_63 : i32
      %ne3A = arith.cmpi ne, %sign3A_57, %sign3A_64 : i32
      %rem3A = arith.remsi %scan3A_50, %jit3A : i32
      %ne3A_65 = arith.constant 0 : i32
      %ne3A_66 = arith.cmpi ne, %rem3A, %ne3A_65 : i32
      %and3A = arith.andi %ne3A, %ne3A_66 : i1
      %sub3A = arith.constant 1 : i32
      %sub3A_67 = arith.subi %div3A, %sub3A : i32
      %select_n3A = arith.select %and3A, %sub3A_67, %div3A : i32
      %jit3A_68 = arith.constant 8 : i32
      %eq3A_69 = arith.constant 0 : i32
      %eq3A_70 = arith.cmpi eq, %jit3A_68, %eq3A_69 : i32
      %jit3A_71 = arith.constant 1 : i32
      %select_n3A_72 = arith.select %eq3A_70, %jit3A_71, %jit3A_68 : i32
      %rem3A_73 = arith.remsi %scan3A_50, %select_n3A_72 : i32
      %ne3A_74 = arith.constant 0 : i32
      %ne3A_75 = arith.cmpi ne, %rem3A_73, %ne3A_74 : i32
      %lt3A = arith.constant 0 : i32
      %lt3A_76 = arith.cmpi slt, %rem3A_73, %lt3A : i32
      %lt3A_77 = arith.constant 0 : i32
      %lt3A_78 = arith.cmpi slt, %select_n3A_72, %lt3A_77 : i32
      %ne3A_79 = arith.xori %lt3A_76, %lt3A_78 : i1
      %and3A_80 = arith.andi %ne3A_79, %ne3A_75 : i1
      %add3A_81 = arith.addi %rem3A_73, %select_n3A_72 : i32
      %select_n3A_82 = arith.select %and3A_80, %add3A_81, %rem3A_73 : i32
      %mul3A_83 = arith.constant 16 : i32
      %mul3A_84 = arith.muli %select_n3A_82, %mul3A_83 : i32
      %swap3A = arith.index_cast %select_n3A : i32 to index
      %swap3A_85 = arith.index_cast %mul3A_84 : i32 to index
      %swap3A_86 = tpu.vector_load %arg12[%swap3A, %swap3A_85] {strides = array<i32>} : memref<88x128xf32, #tpu.memory_space<vmem>>, vector<1x16xf32>,
      %swap3A_87 = vector.shape_cast %swap3A_86 : vector<1x16xf32> to vector<16xf32>
      %swap3A_88 = vector.shape_cast %broadcast_in_dim3A_1 : vector<16xf32> to vector<1x16xf32>
      tpu.vector_store %arg12[%swap3A, %swap3A_85], %swap3A_88 {strides = array<i32>} : memref<88x128xf32, #tpu.memory_space<vmem>>, vector<1x16xf32>,
      %scan3A_89 = arith.constant 0 : i32
      scf.yield %scan3A_89 : i32
    }
    %scan3A_7 = arith.constant 704 : i32
    %scan3A_8 = arith.constant 0 : i32
    %scan3A_9 = arith.constant 0 : i32
    %scan3A_10 = arith.constant 8 : i32
    %scan3A_11 = arith.addi %scan3A_9, %scan3A_10 : i32
    %scan3A_12 = arith.constant 1 : i32
    %scan3A_13 = scf.for %scan3A_50 = %scan3A_9 to %scan3A_11 step %scan3A_12 iter_args(%scan3A_51 = %scan3A_8) -> (i32)  : i32 {
      %mul3A_52 = arith.constant 640 : i32
      %mul3A_53 = arith.muli %arg1, %mul3A_52 : i32
      %mul3A_54 = arith.constant 80 : i32
      %mul3A_55 = arith.muli %scan3A_50, %mul3A_54 : i32
      %add3A_56 = arith.addi %mul3A_53, %mul3A_55 : i32
      "tpu.region"() ({
        %run_scoped3A = tpu.sem_alloc : memref<!tpu.dma_semaphore, #tpu.memory_space<semaphore_mem>>
        %dma_start3A_58 = arith.constant 0 : i32
        %dma_start3A_59 = arith.constant 0 : i32
        %dma_start3A_60 = tpu.memref_slice %arg12[%dma_start3A_58, %dma_start3A_59] : memref<88x128xf32, #tpu.memory_space<vmem>> -> memref<80x128xf32, #tpu.memory_space<vmem>>
        %dma_start3A_61 = arith.constant 0 : i32
        %dma_start3A_62 = tpu.memref_slice %arg6[%add3A_56, %dma_start3A_61] : memref<10240x128xf32, #tpu.memory_space<vmem_shared>> -> memref<80x128xf32, #tpu.memory_space<vmem_shared>>
        %dma_start3A_63 = arith.constant 0 : i32
        %dma_start3A_64 = tpu.memref_slice %arg6[%add3A_56, %dma_start3A_63] : memref<10240x128xf32, #tpu.memory_space<vmem_shared>> -> memref<80x128xf32, #tpu.memory_space<vmem_shared>>
        %dma_start3A_65 = arith.constant 0 : i32
        %dma_start3A_66 = arith.constant 0 : i32
        %dma_start3A_67 = tpu.memref_slice %arg12[%dma_start3A_65, %dma_start3A_66] : memref<88x128xf32, #tpu.memory_space<vmem>> -> memref<80x128xf32, #tpu.memory_space<vmem>>
        tpu.enqueue_dma source(%dma_start3A_67 : memref<80x128xf32, #tpu.memory_space<vmem>>) target(%dma_start3A_64 : memref<80x128xf32, #tpu.memory_space<vmem_shared>>) target_semaphore(%run_scoped3A : memref<!tpu.dma_semaphore, #tpu.memory_space<semaphore_mem>>)
        %dma_wait3A = arith.constant 0 : i32
        %dma_wait3A_68 = arith.constant 0 : i32
        %dma_wait3A_69 = tpu.memref_slice %arg12[%dma_wait3A, %dma_wait3A_68] : memref<88x128xf32, #tpu.memory_space<vmem>> -> memref<80x128xf32, #tpu.memory_space<vmem>>
        %dma_wait3A_70 = arith.constant 0 : i32
        %dma_wait3A_71 = tpu.memref_slice %arg6[%add3A_56, %dma_wait3A_70] : memref<10240x128xf32, #tpu.memory_space<vmem_shared>> -> memref<80x128xf32, #tpu.memory_space<vmem_shared>>
        %dma_wait3A_72 = arith.constant 0 : i32
        %dma_wait3A_73 = tpu.memref_slice %arg6[%add3A_56, %dma_wait3A_72] : memref<10240x128xf32, #tpu.memory_space<vmem_shared>> -> memref<80x128xf32, #tpu.memory_space<vmem_shared>>
        %dma_wait3A_74 = arith.constant 0 : i32
        %dma_wait3A_75 = arith.constant 0 : i32
        %dma_wait3A_76 = tpu.memref_slice %arg12[%dma_wait3A_74, %dma_wait3A_75] : memref<88x128xf32, #tpu.memory_space<vmem>> -> memref<80x128xf32, #tpu.memory_space<vmem>>
        tpu.wait_dma2 semaphore(%run_scoped3A : memref<!tpu.dma_semaphore, #tpu.memory_space<semaphore_mem>>) src(%dma_wait3A_76 : memref<80x128xf32, #tpu.memory_space<vmem>>) dst(%dma_wait3A_73 : memref<80x128xf32, #tpu.memory_space<vmem_shared>>)
        tpu.yield
      }) : () -> ()
      %scan3A_57 = arith.constant 0 : i32
      scf.yield %scan3A_57 : i32
    }
    %scan3A_14 = arith.constant 8 : i32
    %barrier3A = arith.constant 0 : index
    tpu.barrier barrier_id(%barrier3A)
    %mul3A_15 = arith.constant 10208 : i32
    %mul3A_16 = arith.muli %add3A, %mul3A_15 : i32
    %add3A_17 = arith.constant 0 : i32
    %add3A_18 = arith.addi %mul3A_16, %add3A_17 : i32
    "tpu.region"() ({
      %run_scoped3A = tpu.sem_alloc : memref<!tpu.dma_semaphore, #tpu.memory_space<semaphore_mem>>
      %dma_start3A_50 = tpu.memref_slice %arg3[%add3A_18] : memref<326656xi32, #tpu.memory_space<hbm>> -> memref<88xi32, #tpu.memory_space<hbm>>
      %dma_start3A_51 = tpu.memref_slice %arg3[%add3A_18] : memref<326656xi32, #tpu.memory_space<hbm>> -> memref<88xi32, #tpu.memory_space<hbm>>
      tpu.enqueue_dma source(%dma_start3A_51 : memref<88xi32, #tpu.memory_space<hbm>>) target(%arg7 : memref<88xi32, #tpu.memory_space<vmem>>) target_semaphore(%run_scoped3A : memref<!tpu.dma_semaphore, #tpu.memory_space<semaphore_mem>>)
      %dma_wait3A = tpu.memref_slice %arg3[%add3A_18] : memref<326656xi32, #tpu.memory_space<hbm>> -> memref<88xi32, #tpu.memory_space<hbm>>
      %dma_wait3A_52 = tpu.memref_slice %arg3[%add3A_18] : memref<326656xi32, #tpu.memory_space<hbm>> -> memref<88xi32, #tpu.memory_space<hbm>>
      tpu.wait_dma2 semaphore(%run_scoped3A : memref<!tpu.dma_semaphore, #tpu.memory_space<semaphore_mem>>) src(%dma_wait3A_52 : memref<88xi32, #tpu.memory_space<hbm>>) dst(%arg7 : memref<88xi32, #tpu.memory_space<vmem>>)
      tpu.yield
    }) : () -> ()
    %dma_start3A = arith.constant 0 : i32
    %dma_start3A_19 = arith.constant 0 : i32
    %dma_start3A_20 = tpu.memref_slice %arg2[%dma_start3A, %dma_start3A_19] : memref<10000x128xf32, #tpu.memory_space<hbm>> -> memref<10000x128xf32, #tpu.memory_space<hbm>>
    tpu.enqueue_indirect_dma source(%dma_start3A_20 : memref<10000x128xf32, #tpu.memory_space<hbm>>) target(%arg12 : memref<88x128xf32, #tpu.memory_space<vmem>>) offsets(%arg7 : memref<88xi32, #tpu.memory_space<vmem>>) semaphore(%arg16 : memref<!tpu.dma_semaphore, #tpu.memory_space<semaphore_mem>>)
    %add3A_21 = arith.constant 88 : i32
    %add3A_22 = arith.addi %mul3A_16, %add3A_21 : i32
    "tpu.region"() ({
      %run_scoped3A = tpu.sem_alloc : memref<!tpu.dma_semaphore, #tpu.memory_space<semaphore_mem>>
      %dma_start3A_50 = tpu.memref_slice %arg3[%add3A_22] : memref<326656xi32, #tpu.memory_space<hbm>> -> memref<88xi32, #tpu.memory_space<hbm>>
      %dma_start3A_51 = tpu.memref_slice %arg3[%add3A_22] : memref<326656xi32, #tpu.memory_space<hbm>> -> memref<88xi32, #tpu.memory_space<hbm>>
      tpu.enqueue_dma source(%dma_start3A_51 : memref<88xi32, #tpu.memory_space<hbm>>) target(%arg8 : memref<88xi32, #tpu.memory_space<vmem>>) target_semaphore(%run_scoped3A : memref<!tpu.dma_semaphore, #tpu.memory_space<semaphore_mem>>)
      %dma_wait3A = tpu.memref_slice %arg3[%add3A_22] : memref<326656xi32, #tpu.memory_space<hbm>> -> memref<88xi32, #tpu.memory_space<hbm>>
      %dma_wait3A_52 = tpu.memref_slice %arg3[%add3A_22] : memref<326656xi32, #tpu.memory_space<hbm>> -> memref<88xi32, #tpu.memory_space<hbm>>
      tpu.wait_dma2 semaphore(%run_scoped3A : memref<!tpu.dma_semaphore, #tpu.memory_space<semaphore_mem>>) src(%dma_wait3A_52 : memref<88xi32, #tpu.memory_space<hbm>>) dst(%arg8 : memref<88xi32, #tpu.memory_space<vmem>>)
      tpu.yield
    }) : () -> ()
    %dma_start3A_23 = arith.constant 0 : i32
    %dma_start3A_24 = arith.constant 0 : i32
    %dma_start3A_25 = tpu.memref_slice %arg2[%dma_start3A_23, %dma_start3A_24] : memref<10000x128xf32, #tpu.memory_space<hbm>> -> memref<10000x128xf32, #tpu.memory_space<hbm>>
    tpu.enqueue_indirect_dma source(%dma_start3A_25 : memref<10000x128xf32, #tpu.memory_space<hbm>>) target(%arg13 : memref<88x128xf32, #tpu.memory_space<vmem>>) offsets(%arg8 : memref<88xi32, #tpu.memory_space<vmem>>) semaphore(%arg17 : memref<!tpu.dma_semaphore, #tpu.memory_space<semaphore_mem>>)
    %add3A_26 = arith.constant 176 : i32
    %add3A_27 = arith.addi %mul3A_16, %add3A_26 : i32
    "tpu.region"() ({
      %run_scoped3A = tpu.sem_alloc : memref<!tpu.dma_semaphore, #tpu.memory_space<semaphore_mem>>
      %dma_start3A_50 = tpu.memref_slice %arg3[%add3A_27] : memref<326656xi32, #tpu.memory_space<hbm>> -> memref<88xi32, #tpu.memory_space<hbm>>
      %dma_start3A_51 = tpu.memref_slice %arg3[%add3A_27] : memref<326656xi32, #tpu.memory_space<hbm>> -> memref<88xi32, #tpu.memory_space<hbm>>
      tpu.enqueue_dma source(%dma_start3A_51 : memref<88xi32, #tpu.memory_space<hbm>>) target(%arg9 : memref<88xi32, #tpu.memory_space<vmem>>) target_semaphore(%run_scoped3A : memref<!tpu.dma_semaphore, #tpu.memory_space<semaphore_mem>>)
      %dma_wait3A = tpu.memref_slice %arg3[%add3A_27] : memref<326656xi32, #tpu.memory_space<hbm>> -> memref<88xi32, #tpu.memory_space<hbm>>
      %dma_wait3A_52 = tpu.memref_slice %arg3[%add3A_27] : memref<326656xi32, #tpu.memory_space<hbm>> -> memref<88xi32, #tpu.memory_space<hbm>>
      tpu.wait_dma2 semaphore(%run_scoped3A : memref<!tpu.dma_semaphore, #tpu.memory_space<semaphore_mem>>) src(%dma_wait3A_52 : memref<88xi32, #tpu.memory_space<hbm>>) dst(%arg9 : memref<88xi32, #tpu.memory_space<vmem>>)
      tpu.yield
    }) : () -> ()
    %dma_start3A_28 = arith.constant 0 : i32
    %dma_start3A_29 = arith.constant 0 : i32
    %dma_start3A_30 = tpu.memref_slice %arg2[%dma_start3A_28, %dma_start3A_29] : memref<10000x128xf32, #tpu.memory_space<hbm>> -> memref<10000x128xf32, #tpu.memory_space<hbm>>
    tpu.enqueue_indirect_dma source(%dma_start3A_30 : memref<10000x128xf32, #tpu.memory_space<hbm>>) target(%arg14 : memref<88x128xf32, #tpu.memory_space<vmem>>) offsets(%arg9 : memref<88xi32, #tpu.memory_space<vmem>>) semaphore(%arg18 : memref<!tpu.dma_semaphore, #tpu.memory_space<semaphore_mem>>)
    %add3A_31 = arith.constant 264 : i32
    %add3A_32 = arith.addi %mul3A_16, %add3A_31 : i32
    "tpu.region"() ({
      %run_scoped3A = tpu.sem_alloc : memref<!tpu.dma_semaphore, #tpu.memory_space<semaphore_mem>>
      %dma_start3A_50 = tpu.memref_slice %arg3[%add3A_32] : memref<326656xi32, #tpu.memory_space<hbm>> -> memref<88xi32, #tpu.memory_space<hbm>>
      %dma_start3A_51 = tpu.memref_slice %arg3[%add3A_32] : memref<326656xi32, #tpu.memory_space<hbm>> -> memref<88xi32, #tpu.memory_space<hbm>>
      tpu.enqueue_dma source(%dma_start3A_51 : memref<88xi32, #tpu.memory_space<hbm>>) target(%arg10 : memref<88xi32, #tpu.memory_space<vmem>>) target_semaphore(%run_scoped3A : memref<!tpu.dma_semaphore, #tpu.memory_space<semaphore_mem>>)
      %dma_wait3A = tpu.memref_slice %arg3[%add3A_32] : memref<326656xi32, #tpu.memory_space<hbm>> -> memref<88xi32, #tpu.memory_space<hbm>>
      %dma_wait3A_52 = tpu.memref_slice %arg3[%add3A_32] : memref<326656xi32, #tpu.memory_space<hbm>> -> memref<88xi32, #tpu.memory_space<hbm>>
      tpu.wait_dma2 semaphore(%run_scoped3A : memref<!tpu.dma_semaphore, #tpu.memory_space<semaphore_mem>>) src(%dma_wait3A_52 : memref<88xi32, #tpu.memory_space<hbm>>) dst(%arg10 : memref<88xi32, #tpu.memory_space<vmem>>)
      tpu.yield
    }) : () -> ()
    %dma_start3A_33 = arith.constant 0 : i32
    %dma_start3A_34 = arith.constant 0 : i32
    %dma_start3A_35 = tpu.memref_slice %arg2[%dma_start3A_33, %dma_start3A_34] : memref<10000x128xf32, #tpu.memory_space<hbm>> -> memref<10000x128xf32, #tpu.memory_space<hbm>>
    tpu.enqueue_indirect_dma source(%dma_start3A_35 : memref<10000x128xf32, #tpu.memory_space<hbm>>) target(%arg15 : memref<88x128xf32, #tpu.memory_space<vmem>>) offsets(%arg10 : memref<88xi32, #tpu.memory_space<vmem>>) semaphore(%arg19 : memref<!tpu.dma_semaphore, #tpu.memory_space<semaphore_mem>>)
    %scan3A_36 = arith.constant 0 : i32
    %scan3A_37 = arith.constant 0 : i32
    %scan3A_38 = arith.constant 29 : i32
    %scan3A_39 = arith.addi %scan3A_37, %scan3A_38 : i32
    %scan3A_40 = arith.constant 1 : i32
    %scan3A_41 = scf.for %scan3A_50 = %scan3A_37 to %scan3A_39 step %scan3A_40 iter_args(%scan3A_51 = %scan3A_36) -> (i32)  : i32 {
      %mul3A_52 = arith.constant 4 : i32
      %mul3A_53 = arith.muli %scan3A_50, %mul3A_52 : i32
      %add3A_54 = arith.constant 0 : i32
      %add3A_55 = arith.addi %mul3A_53, %add3A_54 : i32
      %mul3A_56 = arith.constant 88 : i32
      %mul3A_57 = arith.muli %add3A_55, %mul3A_56 : i32
      %add3A_58 = arith.addi %mul3A_16, %mul3A_57 : i32
      %dma_wait3A = arith.constant 0 : i32
      %dma_wait3A_59 = arith.constant 0 : i32
      %dma_wait3A_60 = tpu.memref_slice %arg2[%dma_wait3A, %dma_wait3A_59] : memref<10000x128xf32, #tpu.memory_space<hbm>> -> memref<10000x128xf32, #tpu.memory_space<hbm>>
      tpu.wait_indirect_dma semaphore(%arg16 : memref<!tpu.dma_semaphore, #tpu.memory_space<semaphore_mem>>) src(%dma_wait3A_60 : memref<10000x128xf32, #tpu.memory_space<hbm>>) dst(%arg12 : memref<88x128xf32, #tpu.memory_space<vmem>>)
      "tpu.region"() ({
        %run_scoped3A = tpu.sem_alloc : memref<!tpu.dma_semaphore, #tpu.memory_space<semaphore_mem>>
        %dma_start3A_111 = tpu.memref_slice %arg4[%add3A_58] : memref<326656xi32, #tpu.memory_space<hbm>> -> memref<88xi32, #tpu.memory_space<hbm>>
        %dma_start3A_112 = tpu.memref_slice %arg4[%add3A_58] : memref<326656xi32, #tpu.memory_space<hbm>> -> memref<88xi32, #tpu.memory_space<hbm>>
        tpu.enqueue_dma source(%dma_start3A_112 : memref<88xi32, #tpu.memory_space<hbm>>) target(%arg11 : memref<88xi32, #tpu.memory_space<vmem>>) target_semaphore(%run_scoped3A : memref<!tpu.dma_semaphore, #tpu.memory_space<semaphore_mem>>)
        %dma_wait3A_113 = tpu.memref_slice %arg4[%add3A_58] : memref<326656xi32, #tpu.memory_space<hbm>> -> memref<88xi32, #tpu.memory_space<hbm>>
        %dma_wait3A_114 = tpu.memref_slice %arg4[%add3A_58] : memref<326656xi32, #tpu.memory_space<hbm>> -> memref<88xi32, #tpu.memory_space<hbm>>
        tpu.wait_dma2 semaphore(%run_scoped3A : memref<!tpu.dma_semaphore, #tpu.memory_space<semaphore_mem>>) src(%dma_wait3A_114 : memref<88xi32, #tpu.memory_space<hbm>>) dst(%arg11 : memref<88xi32, #tpu.memory_space<vmem>>)
        tpu.yield
      }) : () -> ()
      "tpu.region"() ({
        %run_scoped3A = tpu.sem_alloc : memref<!tpu.dma_semaphore, #tpu.memory_space<semaphore_mem>>
        %dma_start3A_111 = arith.constant 0 : i32
        %dma_start3A_112 = arith.constant 0 : i32
        %dma_start3A_113 = tpu.memref_slice %arg6[%dma_start3A_111, %dma_start3A_112] : memref<10240x128xf32, #tpu.memory_space<vmem_shared>> -> memref<10240x128xf32, #tpu.memory_space<vmem_shared>>
        tpu.enqueue_indirect_dma source(%arg12 : memref<88x128xf32, #tpu.memory_space<vmem>>) target(%dma_start3A_113 : memref<10240x128xf32, #tpu.memory_space<vmem_shared>>) offsets(%arg11 : memref<88xi32, #tpu.memory_space<vmem>>) semaphore(%run_scoped3A : memref<!tpu.dma_semaphore, #tpu.memory_space<semaphore_mem>>) {add = true}
        %dma_wait3A_114 = arith.constant 0 : i32
        %dma_wait3A_115 = arith.constant 0 : i32
        %dma_wait3A_116 = tpu.memref_slice %arg6[%dma_wait3A_114, %dma_wait3A_115] : memref<10240x128xf32, #tpu.memory_space<vmem_shared>> -> memref<10240x128xf32, #tpu.memory_space<vmem_shared>>
        tpu.wait_indirect_dma semaphore(%run_scoped3A : memref<!tpu.dma_semaphore, #tpu.memory_space<semaphore_mem>>) src(%arg12 : memref<88x128xf32, #tpu.memory_space<vmem>>) dst(%dma_wait3A_116 : memref<10240x128xf32, #tpu.memory_space<vmem_shared>>)
        tpu.yield
      }) : () -> ()
      %lt3A = arith.constant 112 : i32
      %lt3A_61 = arith.cmpi slt, %add3A_55, %lt3A : i32
      %convert_element_type3A_62 = arith.extui %lt3A_61 : i1 to i32
      %cond3A_63 = arith.constant 0 : i32
      %cond3A_64 = arith.cmpi ne, %convert_element_type3A_62, %cond3A_63 : i32
      scf.if %cond3A_64 {
        %add3A_111 = arith.constant 352 : i32
        %add3A_112 = arith.addi %add3A_58, %add3A_111 : i32
        "tpu.region"() ({
          %run_scoped3A = tpu.sem_alloc : memref<!tpu.dma_semaphore, #tpu.memory_space<semaphore_mem>>
          %dma_start3A_116 = tpu.memref_slice %arg3[%add3A_112] : memref<326656xi32, #tpu.memory_space<hbm>> -> memref<88xi32, #tpu.memory_space<hbm>>
          %dma_start3A_117 = tpu.memref_slice %arg3[%add3A_112] : memref<326656xi32, #tpu.memory_space<hbm>> -> memref<88xi32, #tpu.memory_space<hbm>>
          tpu.enqueue_dma source(%dma_start3A_117 : memref<88xi32, #tpu.memory_space<hbm>>) target(%arg7 : memref<88xi32, #tpu.memory_space<vmem>>) target_semaphore(%run_scoped3A : memref<!tpu.dma_semaphore, #tpu.memory_space<semaphore_mem>>)
          %dma_wait3A_118 = tpu.memref_slice %arg3[%add3A_112] : memref<326656xi32, #tpu.memory_space<hbm>> -> memref<88xi32, #tpu.memory_space<hbm>>
          %dma_wait3A_119 = tpu.memref_slice %arg3[%add3A_112] : memref<326656xi32, #tpu.memory_space<hbm>> -> memref<88xi32, #tpu.memory_space<hbm>>
          tpu.wait_dma2 semaphore(%run_scoped3A : memref<!tpu.dma_semaphore, #tpu.memory_space<semaphore_mem>>) src(%dma_wait3A_119 : memref<88xi32, #tpu.memory_space<hbm>>) dst(%arg7 : memref<88xi32, #tpu.memory_space<vmem>>)
          tpu.yield
        }) : () -> ()
        %dma_start3A_113 = arith.constant 0 : i32
        %dma_start3A_114 = arith.constant 0 : i32
        %dma_start3A_115 = tpu.memref_slice %arg2[%dma_start3A_113, %dma_start3A_114] : memref<10000x128xf32, #tpu.memory_space<hbm>> -> memref<10000x128xf32, #tpu.memory_space<hbm>>
        tpu.enqueue_indirect_dma source(%dma_start3A_115 : memref<10000x128xf32, #tpu.memory_space<hbm>>) target(%arg12 : memref<88x128xf32, #tpu.memory_space<vmem>>) offsets(%arg7 : memref<88xi32, #tpu.memory_space<vmem>>) semaphore(%arg16 : memref<!tpu.dma_semaphore, #tpu.memory_space<semaphore_mem>>)
      } else {
      }
      %mul3A_65 = arith.constant 4 : i32
      %mul3A_66 = arith.muli %scan3A_50, %mul3A_65 : i32
      %add3A_67 = arith.constant 1 : i32
      %add3A_68 = arith.addi %mul3A_66, %add3A_67 : i32
      %mul3A_69 = arith.constant 88 : i32
      %mul3A_70 = arith.muli %add3A_68, %mul3A_69 : i32
      %add3A_71 = arith.addi %mul3A_16, %mul3A_70 : i32
      %dma_wait3A_72 = arith.constant 0 : i32
      %dma_wait3A_73 = arith.constant 0 : i32
      %dma_wait3A_74 = tpu.memref_slice %arg2[%dma_wait3A_72, %dma_wait3A_73] : memref<10000x128xf32, #tpu.memory_space<hbm>> -> memref<10000x128xf32, #tpu.memory_space<hbm>>
      tpu.wait_indirect_dma semaphore(%arg17 : memref<!tpu.dma_semaphore, #tpu.memory_space<semaphore_mem>>) src(%dma_wait3A_74 : memref<10000x128xf32, #tpu.memory_space<hbm>>) dst(%arg13 : memref<88x128xf32, #tpu.memory_space<vmem>>)
      "tpu.region"() ({
        %run_scoped3A = tpu.sem_alloc : memref<!tpu.dma_semaphore, #tpu.memory_space<semaphore_mem>>
        %dma_start3A_111 = tpu.memref_slice %arg4[%add3A_71] : memref<326656xi32, #tpu.memory_space<hbm>> -> memref<88xi32, #tpu.memory_space<hbm>>
        %dma_start3A_112 = tpu.memref_slice %arg4[%add3A_71] : memref<326656xi32, #tpu.memory_space<hbm>> -> memref<88xi32, #tpu.memory_space<hbm>>
        tpu.enqueue_dma source(%dma_start3A_112 : memref<88xi32, #tpu.memory_space<hbm>>) target(%arg11 : memref<88xi32, #tpu.memory_space<vmem>>) target_semaphore(%run_scoped3A : memref<!tpu.dma_semaphore, #tpu.memory_space<semaphore_mem>>)
        %dma_wait3A_113 = tpu.memref_slice %arg4[%add3A_71] : memref<326656xi32, #tpu.memory_space<hbm>> -> memref<88xi32, #tpu.memory_space<hbm>>
        %dma_wait3A_114 = tpu.memref_slice %arg4[%add3A_71] : memref<326656xi32, #tpu.memory_space<hbm>> -> memref<88xi32, #tpu.memory_space<hbm>>
        tpu.wait_dma2 semaphore(%run_scoped3A : memref<!tpu.dma_semaphore, #tpu.memory_space<semaphore_mem>>) src(%dma_wait3A_114 : memref<88xi32, #tpu.memory_space<hbm>>) dst(%arg11 : memref<88xi32, #tpu.memory_space<vmem>>)
        tpu.yield
      }) : () -> ()
      "tpu.region"() ({
        %run_scoped3A = tpu.sem_alloc : memref<!tpu.dma_semaphore, #tpu.memory_space<semaphore_mem>>
        %dma_start3A_111 = arith.constant 0 : i32
        %dma_start3A_112 = arith.constant 0 : i32
        %dma_start3A_113 = tpu.memref_slice %arg6[%dma_start3A_111, %dma_start3A_112] : memref<10240x128xf32, #tpu.memory_space<vmem_shared>> -> memref<10240x128xf32, #tpu.memory_space<vmem_shared>>
        tpu.enqueue_indirect_dma source(%arg13 : memref<88x128xf32, #tpu.memory_space<vmem>>) target(%dma_start3A_113 : memref<10240x128xf32, #tpu.memory_space<vmem_shared>>) offsets(%arg11 : memref<88xi32, #tpu.memory_space<vmem>>) semaphore(%run_scoped3A : memref<!tpu.dma_semaphore, #tpu.memory_space<semaphore_mem>>) {add = true}
        %dma_wait3A_114 = arith.constant 0 : i32
        %dma_wait3A_115 = arith.constant 0 : i32
        %dma_wait3A_116 = tpu.memref_slice %arg6[%dma_wait3A_114, %dma_wait3A_115] : memref<10240x128xf32, #tpu.memory_space<vmem_shared>> -> memref<10240x128xf32, #tpu.memory_space<vmem_shared>>
        tpu.wait_indirect_dma semaphore(%run_scoped3A : memref<!tpu.dma_semaphore, #tpu.memory_space<semaphore_mem>>) src(%arg13 : memref<88x128xf32, #tpu.memory_space<vmem>>) dst(%dma_wait3A_116 : memref<10240x128xf32, #tpu.memory_space<vmem_shared>>)
        tpu.yield
      }) : () -> ()
      %lt3A_75 = arith.constant 112 : i32
      %lt3A_76 = arith.cmpi slt, %add3A_68, %lt3A_75 : i32
      %convert_element_type3A_77 = arith.extui %lt3A_76 : i1 to i32
      %cond3A_78 = arith.constant 0 : i32
      %cond3A_79 = arith.cmpi ne, %convert_element_type3A_77, %cond3A_78 : i32
      scf.if %cond3A_79 {
        %add3A_111 = arith.constant 352 : i32
        %add3A_112 = arith.addi %add3A_71, %add3A_111 : i32
        "tpu.region"() ({
          %run_scoped3A = tpu.sem_alloc : memref<!tpu.dma_semaphore, #tpu.memory_space<semaphore_mem>>
          %dma_start3A_116 = tpu.memref_slice %arg3[%add3A_112] : memref<326656xi32, #tpu.memory_space<hbm>> -> memref<88xi32, #tpu.memory_space<hbm>>
          %dma_start3A_117 = tpu.memref_slice %arg3[%add3A_112] : memref<326656xi32, #tpu.memory_space<hbm>> -> memref<88xi32, #tpu.memory_space<hbm>>
          tpu.enqueue_dma source(%dma_start3A_117 : memref<88xi32, #tpu.memory_space<hbm>>) target(%arg8 : memref<88xi32, #tpu.memory_space<vmem>>) target_semaphore(%run_scoped3A : memref<!tpu.dma_semaphore, #tpu.memory_space<semaphore_mem>>)
          %dma_wait3A_118 = tpu.memref_slice %arg3[%add3A_112] : memref<326656xi32, #tpu.memory_space<hbm>> -> memref<88xi32, #tpu.memory_space<hbm>>
          %dma_wait3A_119 = tpu.memref_slice %arg3[%add3A_112] : memref<326656xi32, #tpu.memory_space<hbm>> -> memref<88xi32, #tpu.memory_space<hbm>>
          tpu.wait_dma2 semaphore(%run_scoped3A : memref<!tpu.dma_semaphore, #tpu.memory_space<semaphore_mem>>) src(%dma_wait3A_119 : memref<88xi32, #tpu.memory_space<hbm>>) dst(%arg8 : memref<88xi32, #tpu.memory_space<vmem>>)
          tpu.yield
        }) : () -> ()
        %dma_start3A_113 = arith.constant 0 : i32
        %dma_start3A_114 = arith.constant 0 : i32
        %dma_start3A_115 = tpu.memref_slice %arg2[%dma_start3A_113, %dma_start3A_114] : memref<10000x128xf32, #tpu.memory_space<hbm>> -> memref<10000x128xf32, #tpu.memory_space<hbm>>
        tpu.enqueue_indirect_dma source(%dma_start3A_115 : memref<10000x128xf32, #tpu.memory_space<hbm>>) target(%arg13 : memref<88x128xf32, #tpu.memory_space<vmem>>) offsets(%arg8 : memref<88xi32, #tpu.memory_space<vmem>>) semaphore(%arg17 : memref<!tpu.dma_semaphore, #tpu.memory_space<semaphore_mem>>)
      } else {
      }
      %mul3A_80 = arith.constant 4 : i32
      %mul3A_81 = arith.muli %scan3A_50, %mul3A_80 : i32
      %add3A_82 = arith.constant 2 : i32
      %add3A_83 = arith.addi %mul3A_81, %add3A_82 : i32
      %mul3A_84 = arith.constant 88 : i32
      %mul3A_85 = arith.muli %add3A_83, %mul3A_84 : i32
      %add3A_86 = arith.addi %mul3A_16, %mul3A_85 : i32
      %dma_wait3A_87 = arith.constant 0 : i32
      %dma_wait3A_88 = arith.constant 0 : i32
      %dma_wait3A_89 = tpu.memref_slice %arg2[%dma_wait3A_87, %dma_wait3A_88] : memref<10000x128xf32, #tpu.memory_space<hbm>> -> memref<10000x128xf32, #tpu.memory_space<hbm>>
      tpu.wait_indirect_dma semaphore(%arg18 : memref<!tpu.dma_semaphore, #tpu.memory_space<semaphore_mem>>) src(%dma_wait3A_89 : memref<10000x128xf32, #tpu.memory_space<hbm>>) dst(%arg14 : memref<88x128xf32, #tpu.memory_space<vmem>>)
      "tpu.region"() ({
        %run_scoped3A = tpu.sem_alloc : memref<!tpu.dma_semaphore, #tpu.memory_space<semaphore_mem>>
        %dma_start3A_111 = tpu.memref_slice %arg4[%add3A_86] : memref<326656xi32, #tpu.memory_space<hbm>> -> memref<88xi32, #tpu.memory_space<hbm>>
        %dma_start3A_112 = tpu.memref_slice %arg4[%add3A_86] : memref<326656xi32, #tpu.memory_space<hbm>> -> memref<88xi32, #tpu.memory_space<hbm>>
        tpu.enqueue_dma source(%dma_start3A_112 : memref<88xi32, #tpu.memory_space<hbm>>) target(%arg11 : memref<88xi32, #tpu.memory_space<vmem>>) target_semaphore(%run_scoped3A : memref<!tpu.dma_semaphore, #tpu.memory_space<semaphore_mem>>)
        %dma_wait3A_113 = tpu.memref_slice %arg4[%add3A_86] : memref<326656xi32, #tpu.memory_space<hbm>> -> memref<88xi32, #tpu.memory_space<hbm>>
        %dma_wait3A_114 = tpu.memref_slice %arg4[%add3A_86] : memref<326656xi32, #tpu.memory_space<hbm>> -> memref<88xi32, #tpu.memory_space<hbm>>
        tpu.wait_dma2 semaphore(%run_scoped3A : memref<!tpu.dma_semaphore, #tpu.memory_space<semaphore_mem>>) src(%dma_wait3A_114 : memref<88xi32, #tpu.memory_space<hbm>>) dst(%arg11 : memref<88xi32, #tpu.memory_space<vmem>>)
        tpu.yield
      }) : () -> ()
      "tpu.region"() ({
        %run_scoped3A = tpu.sem_alloc : memref<!tpu.dma_semaphore, #tpu.memory_space<semaphore_mem>>
        %dma_start3A_111 = arith.constant 0 : i32
        %dma_start3A_112 = arith.constant 0 : i32
        %dma_start3A_113 = tpu.memref_slice %arg6[%dma_start3A_111, %dma_start3A_112] : memref<10240x128xf32, #tpu.memory_space<vmem_shared>> -> memref<10240x128xf32, #tpu.memory_space<vmem_shared>>
        tpu.enqueue_indirect_dma source(%arg14 : memref<88x128xf32, #tpu.memory_space<vmem>>) target(%dma_start3A_113 : memref<10240x128xf32, #tpu.memory_space<vmem_shared>>) offsets(%arg11 : memref<88xi32, #tpu.memory_space<vmem>>) semaphore(%run_scoped3A : memref<!tpu.dma_semaphore, #tpu.memory_space<semaphore_mem>>) {add = true}
        %dma_wait3A_114 = arith.constant 0 : i32
        %dma_wait3A_115 = arith.constant 0 : i32
        %dma_wait3A_116 = tpu.memref_slice %arg6[%dma_wait3A_114, %dma_wait3A_115] : memref<10240x128xf32, #tpu.memory_space<vmem_shared>> -> memref<10240x128xf32, #tpu.memory_space<vmem_shared>>
        tpu.wait_indirect_dma semaphore(%run_scoped3A : memref<!tpu.dma_semaphore, #tpu.memory_space<semaphore_mem>>) src(%arg14 : memref<88x128xf32, #tpu.memory_space<vmem>>) dst(%dma_wait3A_116 : memref<10240x128xf32, #tpu.memory_space<vmem_shared>>)
        tpu.yield
      }) : () -> ()
      %lt3A_90 = arith.constant 112 : i32
      %lt3A_91 = arith.cmpi slt, %add3A_83, %lt3A_90 : i32
      %convert_element_type3A_92 = arith.extui %lt3A_91 : i1 to i32
      %cond3A_93 = arith.constant 0 : i32
      %cond3A_94 = arith.cmpi ne, %convert_element_type3A_92, %cond3A_93 : i32
      scf.if %cond3A_94 {
        %add3A_111 = arith.constant 352 : i32
        %add3A_112 = arith.addi %add3A_86, %add3A_111 : i32
        "tpu.region"() ({
          %run_scoped3A = tpu.sem_alloc : memref<!tpu.dma_semaphore, #tpu.memory_space<semaphore_mem>>
          %dma_start3A_116 = tpu.memref_slice %arg3[%add3A_112] : memref<326656xi32, #tpu.memory_space<hbm>> -> memref<88xi32, #tpu.memory_space<hbm>>
          %dma_start3A_117 = tpu.memref_slice %arg3[%add3A_112] : memref<326656xi32, #tpu.memory_space<hbm>> -> memref<88xi32, #tpu.memory_space<hbm>>
          tpu.enqueue_dma source(%dma_start3A_117 : memref<88xi32, #tpu.memory_space<hbm>>) target(%arg9 : memref<88xi32, #tpu.memory_space<vmem>>) target_semaphore(%run_scoped3A : memref<!tpu.dma_semaphore, #tpu.memory_space<semaphore_mem>>)
          %dma_wait3A_118 = tpu.memref_slice %arg3[%add3A_112] : memref<326656xi32, #tpu.memory_space<hbm>> -> memref<88xi32, #tpu.memory_space<hbm>>
          %dma_wait3A_119 = tpu.memref_slice %arg3[%add3A_112] : memref<326656xi32, #tpu.memory_space<hbm>> -> memref<88xi32, #tpu.memory_space<hbm>>
          tpu.wait_dma2 semaphore(%run_scoped3A : memref<!tpu.dma_semaphore, #tpu.memory_space<semaphore_mem>>) src(%dma_wait3A_119 : memref<88xi32, #tpu.memory_space<hbm>>) dst(%arg9 : memref<88xi32, #tpu.memory_space<vmem>>)
          tpu.yield
        }) : () -> ()
        %dma_start3A_113 = arith.constant 0 : i32
        %dma_start3A_114 = arith.constant 0 : i32
        %dma_start3A_115 = tpu.memref_slice %arg2[%dma_start3A_113, %dma_start3A_114] : memref<10000x128xf32, #tpu.memory_space<hbm>> -> memref<10000x128xf32, #tpu.memory_space<hbm>>
        tpu.enqueue_indirect_dma source(%dma_start3A_115 : memref<10000x128xf32, #tpu.memory_space<hbm>>) target(%arg14 : memref<88x128xf32, #tpu.memory_space<vmem>>) offsets(%arg9 : memref<88xi32, #tpu.memory_space<vmem>>) semaphore(%arg18 : memref<!tpu.dma_semaphore, #tpu.memory_space<semaphore_mem>>)
      } else {
      }
      %mul3A_95 = arith.constant 4 : i32
      %mul3A_96 = arith.muli %scan3A_50, %mul3A_95 : i32
      %add3A_97 = arith.constant 3 : i32
      %add3A_98 = arith.addi %mul3A_96, %add3A_97 : i32
      %mul3A_99 = arith.constant 88 : i32
      %mul3A_100 = arith.muli %add3A_98, %mul3A_99 : i32
      %add3A_101 = arith.addi %mul3A_16, %mul3A_100 : i32
      %dma_wait3A_102 = arith.constant 0 : i32
      %dma_wait3A_103 = arith.constant 0 : i32
      %dma_wait3A_104 = tpu.memref_slice %arg2[%dma_wait3A_102, %dma_wait3A_103] : memref<10000x128xf32, #tpu.memory_space<hbm>> -> memref<10000x128xf32, #tpu.memory_space<hbm>>
      tpu.wait_indirect_dma semaphore(%arg19 : memref<!tpu.dma_semaphore, #tpu.memory_space<semaphore_mem>>) src(%dma_wait3A_104 : memref<10000x128xf32, #tpu.memory_space<hbm>>) dst(%arg15 : memref<88x128xf32, #tpu.memory_space<vmem>>)
      "tpu.region"() ({
        %run_scoped3A = tpu.sem_alloc : memref<!tpu.dma_semaphore, #tpu.memory_space<semaphore_mem>>
        %dma_start3A_111 = tpu.memref_slice %arg4[%add3A_101] : memref<326656xi32, #tpu.memory_space<hbm>> -> memref<88xi32, #tpu.memory_space<hbm>>
        %dma_start3A_112 = tpu.memref_slice %arg4[%add3A_101] : memref<326656xi32, #tpu.memory_space<hbm>> -> memref<88xi32, #tpu.memory_space<hbm>>
        tpu.enqueue_dma source(%dma_start3A_112 : memref<88xi32, #tpu.memory_space<hbm>>) target(%arg11 : memref<88xi32, #tpu.memory_space<vmem>>) target_semaphore(%run_scoped3A : memref<!tpu.dma_semaphore, #tpu.memory_space<semaphore_mem>>)
        %dma_wait3A_113 = tpu.memref_slice %arg4[%add3A_101] : memref<326656xi32, #tpu.memory_space<hbm>> -> memref<88xi32, #tpu.memory_space<hbm>>
        %dma_wait3A_114 = tpu.memref_slice %arg4[%add3A_101] : memref<326656xi32, #tpu.memory_space<hbm>> -> memref<88xi32, #tpu.memory_space<hbm>>
        tpu.wait_dma2 semaphore(%run_scoped3A : memref<!tpu.dma_semaphore, #tpu.memory_space<semaphore_mem>>) src(%dma_wait3A_114 : memref<88xi32, #tpu.memory_space<hbm>>) dst(%arg11 : memref<88xi32, #tpu.memory_space<vmem>>)
        tpu.yield
      }) : () -> ()
      "tpu.region"() ({
        %run_scoped3A = tpu.sem_alloc : memref<!tpu.dma_semaphore, #tpu.memory_space<semaphore_mem>>
        %dma_start3A_111 = arith.constant 0 : i32
        %dma_start3A_112 = arith.constant 0 : i32
        %dma_start3A_113 = tpu.memref_slice %arg6[%dma_start3A_111, %dma_start3A_112] : memref<10240x128xf32, #tpu.memory_space<vmem_shared>> -> memref<10240x128xf32, #tpu.memory_space<vmem_shared>>
        tpu.enqueue_indirect_dma source(%arg15 : memref<88x128xf32, #tpu.memory_space<vmem>>) target(%dma_start3A_113 : memref<10240x128xf32, #tpu.memory_space<vmem_shared>>) offsets(%arg11 : memref<88xi32, #tpu.memory_space<vmem>>) semaphore(%run_scoped3A : memref<!tpu.dma_semaphore, #tpu.memory_space<semaphore_mem>>) {add = true}
        %dma_wait3A_114 = arith.constant 0 : i32
        %dma_wait3A_115 = arith.constant 0 : i32
        %dma_wait3A_116 = tpu.memref_slice %arg6[%dma_wait3A_114, %dma_wait3A_115] : memref<10240x128xf32, #tpu.memory_space<vmem_shared>> -> memref<10240x128xf32, #tpu.memory_space<vmem_shared>>
        tpu.wait_indirect_dma semaphore(%run_scoped3A : memref<!tpu.dma_semaphore, #tpu.memory_space<semaphore_mem>>) src(%arg15 : memref<88x128xf32, #tpu.memory_space<vmem>>) dst(%dma_wait3A_116 : memref<10240x128xf32, #tpu.memory_space<vmem_shared>>)
        tpu.yield
      }) : () -> ()
      %lt3A_105 = arith.constant 112 : i32
      %lt3A_106 = arith.cmpi slt, %add3A_98, %lt3A_105 : i32
      %convert_element_type3A_107 = arith.extui %lt3A_106 : i1 to i32
      %cond3A_108 = arith.constant 0 : i32
      %cond3A_109 = arith.cmpi ne, %convert_element_type3A_107, %cond3A_108 : i32
      scf.if %cond3A_109 {
        %add3A_111 = arith.constant 352 : i32
        %add3A_112 = arith.addi %add3A_101, %add3A_111 : i32
        "tpu.region"() ({
          %run_scoped3A = tpu.sem_alloc : memref<!tpu.dma_semaphore, #tpu.memory_space<semaphore_mem>>
          %dma_start3A_116 = tpu.memref_slice %arg3[%add3A_112] : memref<326656xi32, #tpu.memory_space<hbm>> -> memref<88xi32, #tpu.memory_space<hbm>>
          %dma_start3A_117 = tpu.memref_slice %arg3[%add3A_112] : memref<326656xi32, #tpu.memory_space<hbm>> -> memref<88xi32, #tpu.memory_space<hbm>>
          tpu.enqueue_dma source(%dma_start3A_117 : memref<88xi32, #tpu.memory_space<hbm>>) target(%arg10 : memref<88xi32, #tpu.memory_space<vmem>>) target_semaphore(%run_scoped3A : memref<!tpu.dma_semaphore, #tpu.memory_space<semaphore_mem>>)
          %dma_wait3A_118 = tpu.memref_slice %arg3[%add3A_112] : memref<326656xi32, #tpu.memory_space<hbm>> -> memref<88xi32, #tpu.memory_space<hbm>>
          %dma_wait3A_119 = tpu.memref_slice %arg3[%add3A_112] : memref<326656xi32, #tpu.memory_space<hbm>> -> memref<88xi32, #tpu.memory_space<hbm>>
          tpu.wait_dma2 semaphore(%run_scoped3A : memref<!tpu.dma_semaphore, #tpu.memory_space<semaphore_mem>>) src(%dma_wait3A_119 : memref<88xi32, #tpu.memory_space<hbm>>) dst(%arg10 : memref<88xi32, #tpu.memory_space<vmem>>)
          tpu.yield
        }) : () -> ()
        %dma_start3A_113 = arith.constant 0 : i32
        %dma_start3A_114 = arith.constant 0 : i32
        %dma_start3A_115 = tpu.memref_slice %arg2[%dma_start3A_113, %dma_start3A_114] : memref<10000x128xf32, #tpu.memory_space<hbm>> -> memref<10000x128xf32, #tpu.memory_space<hbm>>
        tpu.enqueue_indirect_dma source(%dma_start3A_115 : memref<10000x128xf32, #tpu.memory_space<hbm>>) target(%arg15 : memref<88x128xf32, #tpu.memory_space<vmem>>) offsets(%arg10 : memref<88xi32, #tpu.memory_space<vmem>>) semaphore(%arg19 : memref<!tpu.dma_semaphore, #tpu.memory_space<semaphore_mem>>)
      } else {
      }
      %scan3A_110 = arith.constant 0 : i32
      scf.yield %scan3A_110 : i32
    }
    %scan3A_42 = arith.constant 29 : i32
    %barrier3A_43 = arith.constant 0 : index
    tpu.barrier barrier_id(%barrier3A_43)
    %mul3A_44 = arith.constant 624 : i32
    %mul3A_45 = arith.muli %arg1, %mul3A_44 : i32
    %mul3A_46 = arith.constant 624 : i32
    %mul3A_47 = arith.muli %arg1, %mul3A_46 : i32
    "tpu.region"() ({
      %run_scoped3A = tpu.sem_alloc : memref<!tpu.dma_semaphore, #tpu.memory_space<semaphore_mem>>
      %dma_start3A_50 = arith.constant 0 : i32
      %dma_start3A_51 = tpu.memref_slice %arg5[%arg0, %mul3A_47, %dma_start3A_50] : memref<2x10000x128xf32, #tpu.memory_space<hbm>> -> memref<1x624x128xf32, #tpu.memory_space<hbm>>
      %dma_start3A_52 = tpu.memref_squeeze %dma_start3A_51 : memref<1x624x128xf32, #tpu.memory_space<hbm>> -> memref<624x128xf32, #tpu.memory_space<hbm>>
      %dma_start3A_53 = arith.constant 0 : i32
      %dma_start3A_54 = tpu.memref_slice %arg6[%mul3A_45, %dma_start3A_53] : memref<10240x128xf32, #tpu.memory_space<vmem_shared>> -> memref<624x128xf32, #tpu.memory_space<vmem_shared>>
      tpu.enqueue_dma source(%dma_start3A_54 : memref<624x128xf32, #tpu.memory_space<vmem_shared>>) target(%dma_start3A_52 : memref<624x128xf32, #tpu.memory_space<hbm>>) target_semaphore(%run_scoped3A : memref<!tpu.dma_semaphore, #tpu.memory_space<semaphore_mem>>)
      %dma_wait3A = arith.constant 0 : i32
      %dma_wait3A_55 = tpu.memref_slice %arg5[%arg0, %mul3A_47, %dma_wait3A] : memref<2x10000x128xf32, #tpu.memory_space<hbm>> -> memref<1x624x128xf32, #tpu.memory_space<hbm>>
      %dma_wait3A_56 = tpu.memref_squeeze %dma_wait3A_55 : memref<1x624x128xf32, #tpu.memory_space<hbm>> -> memref<624x128xf32, #tpu.memory_space<hbm>>
      %dma_wait3A_57 = arith.constant 0 : i32
      %dma_wait3A_58 = tpu.memref_slice %arg6[%mul3A_45, %dma_wait3A_57] : memref<10240x128xf32, #tpu.memory_space<vmem_shared>> -> memref<624x128xf32, #tpu.memory_space<vmem_shared>>
      tpu.wait_dma2 semaphore(%run_scoped3A : memref<!tpu.dma_semaphore, #tpu.memory_space<semaphore_mem>>) src(%dma_wait3A_58 : memref<624x128xf32, #tpu.memory_space<vmem_shared>>) dst(%dma_wait3A_56 : memref<624x128xf32, #tpu.memory_space<hbm>>)
      tpu.yield
    }) : () -> ()
    %eq3A = arith.constant 0 : i32
    %eq3A_48 = arith.cmpi eq, %arg1, %eq3A : i32
    %convert_element_type3A = arith.extui %eq3A_48 : i1 to i32
    %cond3A = arith.constant 0 : i32
    %cond3A_49 = arith.cmpi ne, %convert_element_type3A, %cond3A : i32
    scf.if %cond3A_49 {
      "tpu.region"() ({
        %run_scoped3A = tpu.sem_alloc : memref<!tpu.dma_semaphore, #tpu.memory_space<semaphore_mem>>
        %dma_start3A_50 = arith.constant 9984 : i32
        %dma_start3A_51 = arith.constant 0 : i32
        %dma_start3A_52 = tpu.memref_slice %arg5[%arg0, %dma_start3A_50, %dma_start3A_51] : memref<2x10000x128xf32, #tpu.memory_space<hbm>> -> memref<1x16x128xf32, #tpu.memory_space<hbm>>
        %dma_start3A_53 = tpu.memref_squeeze %dma_start3A_52 : memref<1x16x128xf32, #tpu.memory_space<hbm>> -> memref<16x128xf32, #tpu.memory_space<hbm>>
        %dma_start3A_54 = arith.constant 9984 : i32
        %dma_start3A_55 = arith.constant 0 : i32
        %dma_start3A_56 = tpu.memref_slice %arg6[%dma_start3A_54, %dma_start3A_55] : memref<10240x128xf32, #tpu.memory_space<vmem_shared>> -> memref<16x128xf32, #tpu.memory_space<vmem_shared>>
        tpu.enqueue_dma source(%dma_start3A_56 : memref<16x128xf32, #tpu.memory_space<vmem_shared>>) target(%dma_start3A_53 : memref<16x128xf32, #tpu.memory_space<hbm>>) target_semaphore(%run_scoped3A : memref<!tpu.dma_semaphore, #tpu.memory_space<semaphore_mem>>)
        %dma_wait3A = arith.constant 9984 : i32
        %dma_wait3A_57 = arith.constant 0 : i32
        %dma_wait3A_58 = tpu.memref_slice %arg5[%arg0, %dma_wait3A, %dma_wait3A_57] : memref<2x10000x128xf32, #tpu.memory_space<hbm>> -> memref<1x16x128xf32, #tpu.memory_space<hbm>>
        %dma_wait3A_59 = tpu.memref_squeeze %dma_wait3A_58 : memref<1x16x128xf32, #tpu.memory_space<hbm>> -> memref<16x128xf32, #tpu.memory_space<hbm>>
        %dma_wait3A_60 = arith.constant 9984 : i32
        %dma_wait3A_61 = arith.constant 0 : i32
        %dma_wait3A_62 = tpu.memref_slice %arg6[%dma_wait3A_60, %dma_wait3A_61] : memref<10240x128xf32, #tpu.memory_space<vmem_shared>> -> memref<16x128xf32, #tpu.memory_space<vmem_shared>>
        tpu.wait_dma2 semaphore(%run_scoped3A : memref<!tpu.dma_semaphore, #tpu.memory_space<semaphore_mem>>) src(%dma_wait3A_62 : memref<16x128xf32, #tpu.memory_space<vmem_shared>>) dst(%dma_wait3A_59 : memref<16x128xf32, #tpu.memory_space<hbm>>)
        tpu.yield
      }) : () -> ()
    } else {
    }
    return
  }
}

module attributes {stable_mosaic.version = 14 : i64} {
  func.func @_mm_body(%arg0: memref<10000x128xf32, #tpu.memory_space<vmem>>, %arg1: memref<128x128xf32, #tpu.memory_space<vmem>>, %arg2: memref<10000x128xf32, #tpu.memory_space<vmem>>) attributes {dimension_semantics = [], scalar_prefetch = 0 : i64, scratch_operands = 0 : i64, tpu.core_type = #tpu.core_type<tc>} {
    %get3A = arith.constant 0 : index
    %get3A_0 = arith.constant 0 : index
    %get3A_1 = vector.load %arg0[%get3A, %get3A_0] : memref<10000x128xf32, #tpu.memory_space<vmem>>, vector<10000x128xf32>
    %get3A_2 = arith.constant 0 : index
    %get3A_3 = arith.constant 0 : index
    %get3A_4 = vector.load %arg1[%get3A_2, %get3A_3] : memref<128x128xf32, #tpu.memory_space<vmem>>, vector<128x128xf32>
    %dot_general3A = arith.constant dense<0.000000e+00> : vector<10000x128xf32>
    %dot_general3A_5 = tpu.matmul %get3A_1, %get3A_4, %dot_general3A {dimension_numbers = #tpu.dot_dimension_numbers<[1], [0], [0], [1], [0, 0, 1, 1], [], []>, transpose_lhs_hint = false} : vector<10000x128xf32>, vector<128x128xf32>, vector<10000x128xf32> -> vector<10000x128xf32>
    %swap3A = arith.constant 0 : index
    %swap3A_6 = arith.constant 0 : index
    %swap3A_7 = vector.load %arg2[%swap3A, %swap3A_6] : memref<10000x128xf32, #tpu.memory_space<vmem>>, vector<10000x128xf32>
    tpu.vector_store %arg2[%swap3A, %swap3A_6], %dot_general3A_5 {strides = array<i32>} : memref<10000x128xf32, #tpu.memory_space<vmem>>, vector<10000x128xf32>,
    return
  }
}

module attributes {stable_mosaic.version = 14 : i64} {
  func.func @_bn_mm_body(%arg0: memref<2x10000x128xf32, #tpu.memory_space<vmem>>, %arg1: memref<1x128xf32, #tpu.memory_space<vmem>>, %arg2: memref<1x128xf32, #tpu.memory_space<vmem>>, %arg3: memref<1x128xf32, #tpu.memory_space<vmem>>, %arg4: memref<128x128xf32, #tpu.memory_space<vmem>>, %arg5: memref<10000x128xf32, #tpu.memory_space<vmem>>) attributes {dimension_semantics = [], scalar_prefetch = 0 : i64, scratch_operands = 0 : i64, tpu.core_type = #tpu.core_type<tc>} {
    %get3A = arith.constant 0 : index
    %get3A_0 = arith.constant 0 : index
    %get3A_1 = arith.constant 0 : index
    %get3A_2 = vector.load %arg0[%get3A, %get3A_0, %get3A_1] : memref<2x10000x128xf32, #tpu.memory_space<vmem>>, vector<1x10000x128xf32>
    %get3A_3 = vector.shape_cast %get3A_2 : vector<1x10000x128xf32> to vector<10000x128xf32>
    %get3A_4 = arith.constant 1 : index
    %get3A_5 = arith.constant 0 : index
    %get3A_6 = arith.constant 0 : index
    %get3A_7 = vector.load %arg0[%get3A_4, %get3A_5, %get3A_6] : memref<2x10000x128xf32, #tpu.memory_space<vmem>>, vector<1x10000x128xf32>
    %get3A_8 = vector.shape_cast %get3A_7 : vector<1x10000x128xf32> to vector<10000x128xf32>
    %add3A = arith.addf %get3A_3, %get3A_8 : vector<10000x128xf32>
    %get3A_9 = arith.constant 0 : index
    %get3A_10 = arith.constant 0 : index
    %get3A_11 = vector.load %arg1[%get3A_9, %get3A_10] : memref<1x128xf32, #tpu.memory_space<vmem>>, vector<1x128xf32>
    %add3A_12 = vector.broadcast %get3A_11 : vector<1x128xf32> to vector<10000x128xf32>
    %add3A_13 = arith.addf %add3A, %add3A_12 : vector<10000x128xf32>
    %reduce_sum3A = arith.constant dense<0.000000e+00> : vector<128xf32>
    %reduce_sum3A_14 = vector.multi_reduction <add>, %add3A_13, %reduce_sum3A [0] : vector<10000x128xf32> to vector<128xf32>
    %broadcast_in_dim3A = vector.shape_cast %reduce_sum3A_14 : vector<128xf32> to vector<1x128xf32>
    %div3A = arith.constant 1.000000e+04 : f32
    %div3A_15 = vector.broadcast %div3A : f32 to vector<1x128xf32>
    %div3A_16 = arith.divf %broadcast_in_dim3A, %div3A_15 : vector<1x128xf32>
    %sub3A = vector.broadcast %div3A_16 : vector<1x128xf32> to vector<10000x128xf32>
    %sub3A_17 = arith.subf %add3A_13, %sub3A : vector<10000x128xf32>
    %mul3A = arith.mulf %sub3A_17, %sub3A_17 : vector<10000x128xf32>
    %reduce_sum3A_18 = arith.constant dense<0.000000e+00> : vector<128xf32>
    %reduce_sum3A_19 = vector.multi_reduction <add>, %mul3A, %reduce_sum3A_18 [0] : vector<10000x128xf32> to vector<128xf32>
    %broadcast_in_dim3A_20 = vector.shape_cast %reduce_sum3A_19 : vector<128xf32> to vector<1x128xf32>
    %div3A_21 = arith.constant 1.000000e+04 : f32
    %div3A_22 = vector.broadcast %div3A_21 : f32 to vector<1x128xf32>
    %div3A_23 = arith.divf %broadcast_in_dim3A_20, %div3A_22 : vector<1x128xf32>
    %add3A_24 = arith.constant 9.99999974E-6 : f32
    %add3A_25 = vector.broadcast %add3A_24 : f32 to vector<1x128xf32>
    %add3A_26 = arith.addf %div3A_23, %add3A_25 : vector<1x128xf32>
    %rsqrt3A = math.rsqrt %add3A_26 : vector<1x128xf32>
    %mul3A_27 = vector.broadcast %rsqrt3A : vector<1x128xf32> to vector<10000x128xf32>
    %mul3A_28 = arith.mulf %sub3A_17, %mul3A_27 : vector<10000x128xf32>
    %get3A_29 = arith.constant 0 : index
    %get3A_30 = arith.constant 0 : index
    %get3A_31 = vector.load %arg2[%get3A_29, %get3A_30] : memref<1x128xf32, #tpu.memory_space<vmem>>, vector<1x128xf32>
    %mul3A_32 = vector.broadcast %get3A_31 : vector<1x128xf32> to vector<10000x128xf32>
    %mul3A_33 = arith.mulf %mul3A_28, %mul3A_32 : vector<10000x128xf32>
    %get3A_34 = arith.constant 0 : index
    %get3A_35 = arith.constant 0 : index
    %get3A_36 = vector.load %arg3[%get3A_34, %get3A_35] : memref<1x128xf32, #tpu.memory_space<vmem>>, vector<1x128xf32>
    %add3A_37 = vector.broadcast %get3A_36 : vector<1x128xf32> to vector<10000x128xf32>
    %add3A_38 = arith.addf %mul3A_33, %add3A_37 : vector<10000x128xf32>
    %max3A = arith.constant 0.000000e+00 : f32
    %max3A_39 = vector.broadcast %max3A : f32 to vector<10000x128xf32>
    %max3A_40 = arith.maximumf %add3A_38, %max3A_39 : vector<10000x128xf32>
    %get3A_41 = arith.constant 0 : index
    %get3A_42 = arith.constant 0 : index
    %get3A_43 = vector.load %arg4[%get3A_41, %get3A_42] : memref<128x128xf32, #tpu.memory_space<vmem>>, vector<128x128xf32>
    %dot_general3A = arith.constant dense<0.000000e+00> : vector<10000x128xf32>
    %dot_general3A_44 = tpu.matmul %max3A_40, %get3A_43, %dot_general3A {dimension_numbers = #tpu.dot_dimension_numbers<[1], [0], [0], [1], [0, 0, 1, 1], [], []>, transpose_lhs_hint = false} : vector<10000x128xf32>, vector<128x128xf32>, vector<10000x128xf32> -> vector<10000x128xf32>
    %swap3A = arith.constant 0 : index
    %swap3A_45 = arith.constant 0 : index
    %swap3A_46 = vector.load %arg5[%swap3A, %swap3A_45] : memref<10000x128xf32, #tpu.memory_space<vmem>>, vector<10000x128xf32>
    tpu.vector_store %arg5[%swap3A, %swap3A_45], %dot_general3A_44 {strides = array<i32>} : memref<10000x128xf32, #tpu.memory_space<vmem>>, vector<10000x128xf32>,
    return
  }
}

module attributes {stable_mosaic.version = 14 : i64} {
  func.func @_final_body(%arg0: memref<2x10000x128xf32, #tpu.memory_space<vmem>>, %arg1: memref<1x128xf32, #tpu.memory_space<vmem>>, %arg2: memref<10000x128xf32, #tpu.memory_space<vmem>>) attributes {dimension_semantics = [], scalar_prefetch = 0 : i64, scratch_operands = 0 : i64, tpu.core_type = #tpu.core_type<tc>} {
    %get3A = arith.constant 0 : index
    %get3A_0 = arith.constant 0 : index
    %get3A_1 = arith.constant 0 : index
    %get3A_2 = vector.load %arg0[%get3A, %get3A_0, %get3A_1] : memref<2x10000x128xf32, #tpu.memory_space<vmem>>, vector<1x10000x128xf32>
    %get3A_3 = vector.shape_cast %get3A_2 : vector<1x10000x128xf32> to vector<10000x128xf32>
    %get3A_4 = arith.constant 1 : index
    %get3A_5 = arith.constant 0 : index
    %get3A_6 = arith.constant 0 : index
    %get3A_7 = vector.load %arg0[%get3A_4, %get3A_5, %get3A_6] : memref<2x10000x128xf32, #tpu.memory_space<vmem>>, vector<1x10000x128xf32>
    %get3A_8 = vector.shape_cast %get3A_7 : vector<1x10000x128xf32> to vector<10000x128xf32>
    %add3A = arith.addf %get3A_3, %get3A_8 : vector<10000x128xf32>
    %get3A_9 = arith.constant 0 : index
    %get3A_10 = arith.constant 0 : index
    %get3A_11 = vector.load %arg1[%get3A_9, %get3A_10] : memref<1x128xf32, #tpu.memory_space<vmem>>, vector<1x128xf32>
    %add3A_12 = vector.broadcast %get3A_11 : vector<1x128xf32> to vector<10000x128xf32>
    %add3A_13 = arith.addf %add3A, %add3A_12 : vector<10000x128xf32>
    %swap3A = arith.constant 0 : index
    %swap3A_14 = arith.constant 0 : index
    %swap3A_15 = vector.load %arg2[%swap3A, %swap3A_14] : memref<10000x128xf32, #tpu.memory_space<vmem>>, vector<10000x128xf32>
    tpu.vector_store %arg2[%swap3A, %swap3A_14], %add3A_13 {strides = array<i32>} : memref<10000x128xf32, #tpu.memory_space<vmem>>, vector<10000x128xf32>,
    return
  }
}

</mosaic_0001>

<sc_bundles>
// kernel: kernel.12.cloned.1.call-start
scs
__scs_entry_jumppad:
0x0: {  	(pc) =	sbr.rel $0x88, $3  }
0x1: {  	(tag) =	ssettag $0x0;
	lr =	simm.s32 $0x1  }
0x2: {  	[smem:$0x3F95] =	sst lr;
	_ =	strace $0xD0000000  }
0x3: {  	_ = 	snop  }
0x4: {  	_ = 	snop  }
0x5: {  	_ = 	snop  }
0x6: {  	_ = 	snop  }
0x7: {  	_ = 	snop  }
__scs_overlays_trampoline_lowered:
0x8: {  	[smem:$0x3FA4] =	sst s0  }
0x9: {  	[smem:$0x3FA5] =	sst s1  }
0xa: {  	[smem:$0x3FA6] =	sst s2  }
0xb: {  	[smem:$0x3FA7] =	sst s3  }
0xc: {  	[smem:$0x3FA8] =	sst s4  }
0xd: {  	[smem:$0x3FA9] =	sst s5  }
0xe: {  	[smem:$0x3FAA] =	sst s6  }
0xf: {  	[smem:$0x3FAB] =	sst s7  }
0x10: {  	[smem:$0x3FAC] =	sst s8  }
0x11: {  	[smem:$0x3FAD] =	sst s9;
	s0 =	simm.s32 @!p0 $0x0  }
0x12: {  	s1 =	sld [smem:$0x3F93];
	s0 =	simm.s32 @p0 $0x1  }
0x13: {  	[smem:$0x3FAE] =	sst s0;
	s0 =	simm.s32 @!p1 $0x0  }
0x14: {  	s2 =	sld [smem:$0x3F92];
	s0 =	simm.s32 @p1 $0x1  }
0x15: {  	[smem:$0x3FAF] =	sst s0;
	s0 =	simm.s32 @!p2 $0x0  }
0x16: {  	s3 =	sld [smem:$0x3FDB];
	s0 =	simm.s32 @p2 $0x1  }
0x17: {  	s4 =	simm.s32 $0x1BF5;
	[smem:$0x3FB1] =	sst s0  }
0x18: {  	s0 =	sld [smem:$0x3F94];
	_ =	swait.ge [sflag:s4], $0x0  }
0x19: {  	s7 =	sld [smem:$0x3F95]  }
0x1a: {  	s8 =	sadd.s32 $0xFFFFE003, lr  }
0x1b: {  	s9 =	sadd.s32 $0xFFFFFEF7, lr;
	s5 =	simm.s32 $0xFFFFFFFF;
	p2 =	slt.u32 s8, $0xFFFFF086  }
0x1c: {  	p1 =	slt.u32 s9, $0xF7A;
	s5 =	simm.s32 @!p2 $0x0  }
0x1d: {  	s5 =	simm.s32 @p1 $0x1;
	p0 =	seq.s32 s7, s2  }
0x1e: {  	s7 =	smul.u32 @!p0 $0xF7A, s2;
	p2 =	seq.s32 @!p0 s5, $0x0  }
0x1f: {  	s9 =	smul.u32 $0xF7A, s1;
	s8 =	simm.s32 @!p0 $0x1BF5;
	p2 =	por !p2, p0  }
0x20: {  	[sflag:s8] =	ssyncset.s32 @!p0 $0xFFFFF086;
	s6 =	sadd.s32 @!p0 s3, s7;
	s7 =	simm.s32 @!p0 $0x108  }
0x21: {  	s3 =	sadd.s32 s3, s9;
	s6 =	sadd.s32 @!p0 $0x88, s6;
	s7 =	simm.s32 @p2 $0x1082  }
0x22: {  	[simem:s7], [sflag:s8] =	dma.local @!p0 [hbm:s6], $0xF7A  }
0x23: {  	s9 =	sor.u32 $0xD0000000, s2;
	s6 =	simm.s32 $0x108;
	_ =	swait.ge @!p0 [sflag:s8], $0x0  }
0x24: {  	s3 =	sadd.s32 $0x88, s3;
	s6 =	simm.s32 @!p1 $0x1082;
	[sflag:s4] =	ssyncset.s32 $0xFFFFF086  }
0x25: {  	[simem:s6], [sflag:s4] =	dma.local [hbm:s3], $0xF7A  }
0x26: {  	[smem:$0x3F95] =	sst s1;
	(tag) =	ssettag s2;
	_ =	strace s9  }
0x27: {  	s1 =	sld [smem:$0x3FA5]  }
0x28: {  	s2 =	sld [smem:$0x3FA6]  }
0x29: {  	s4 =	sld [smem:$0x3FA8]  }
0x2a: {  	p0 =	seq.s32 s5, $0x0;
	s5 =	sld [smem:$0x3FA9]  }
0x2b: {  	s6 =	sld [smem:$0x3FAA]  }
0x2c: {  	s7 =	sld [smem:$0x3FAB]  }
0x2d: {  	s3 =	simm.s32 $0x108;
	s8 =	sld [smem:$0x3FAC]  }
0x2e: {  	s3 =	simm.s32 @!p0 $0x1082;
	s9 =	sld [smem:$0x3FAD]  }
0x2f: {  	lr =	sadd.s32 s0, s3;
	s0 =	sld [smem:$0x3FA4]  }
0x30: {  	s3 =	sld [smem:$0x3FA7]  }
0x31: {  	[smem:$0x3FB0] =	sst s10  }
0x32: {  	s10 =	sld [smem:$0x3FAE];
	_ =	sdelay $0x3  }
0x33: {  	p0 =	seq.s32 s10, $0x1;
	s10 =	sld [smem:$0x3FB0];
	_ =	sdelay $0x3  }
0x34: {  	[smem:$0x3FB0] =	sst s10  }
0x35: {  	s10 =	sld [smem:$0x3FAF];
	_ =	sdelay $0x3  }
0x36: {  	p1 =	seq.s32 s10, $0x1;
	s10 =	sld [smem:$0x3FB0];
	_ =	sdelay $0x3  }
0x37: {  	[smem:$0x3FB0] =	sst s10  }
0x38: {  	s10 =	sld [smem:$0x3FB1]  }
0x39: {  	_ = 	snop;
	(pc) =	sbr.ind lr, $3  }
0x3a: {  	_ = 	snop  }
0x3b: {  	_ = 	snop  }
0x3c: {  	p2 =	seq.s32 s10, $0x1;
	s10 =	sld [smem:$0x3FB0]  }
0x3d: {  	_ =	shalt  }
0x3e: {  	_ =	shalt  }
0x3f: {  	_ =	shalt  }
0x40: {  	_ =	shalt  }
0x41: {  	_ =	shalt  }
0x42: {  	_ =	shalt  }
0x43: {  	_ =	shalt  }
0x44: {  	_ =	shalt  }
0x45: {  	_ =	shalt  }
0x46: {  	_ =	shalt  }
0x47: {  	_ =	shalt  }
0x48: {  	_ =	shalt  }
0x49: {  	_ =	shalt  }
0x4a: {  	_ =	shalt  }
0x4b: {  	_ =	shalt  }
0x4c: {  	_ =	shalt  }
0x4d: {  	_ =	shalt  }
0x4e: {  	_ =	shalt  }
0x4f: {  	_ =	shalt  }
0x50: {  	_ =	shalt  }
0x51: {  	_ =	shalt  }
0x52: {  	_ =	shalt  }
0x53: {  	_ =	shalt  }
0x54: {  	_ =	shalt  }
0x55: {  	_ =	shalt  }
0x56: {  	_ =	shalt  }
0x57: {  	_ =	shalt  }
0x58: {  	_ =	shalt  }
0x59: {  	_ =	shalt  }
0x5a: {  	_ =	shalt  }
0x5b: {  	_ =	shalt  }
0x5c: {  	_ =	shalt  }
0x5d: {  	_ =	shalt  }
0x5e: {  	_ =	shalt  }
0x5f: {  	_ =	shalt  }
0x60: {  	_ =	shalt  }
0x61: {  	_ =	shalt  }
0x62: {  	_ =	shalt  }
0x63: {  	_ =	shalt  }
0x64: {  	_ =	shalt  }
0x65: {  	_ =	shalt  }
0x66: {  	_ =	shalt  }
0x67: {  	_ =	shalt  }
0x68: {  	_ =	shalt  }
0x69: {  	_ =	shalt  }
0x6a: {  	_ =	shalt  }
0x6b: {  	_ =	shalt  }
0x6c: {  	_ =	shalt  }
0x6d: {  	_ =	shalt  }
0x6e: {  	_ =	shalt  }
0x6f: {  	_ =	shalt  }
0x70: {  	_ =	shalt  }
0x71: {  	_ =	shalt  }
0x72: {  	_ =	shalt  }
0x73: {  	_ =	shalt  }
0x74: {  	_ =	shalt  }
0x75: {  	_ =	shalt  }
0x76: {  	_ =	shalt  }
0x77: {  	_ =	shalt  }
0x78: {  	_ =	shalt  }
0x79: {  	_ =	shalt  }
0x7a: {  	_ =	shalt  }
0x7b: {  	_ =	shalt  }
0x7c: {  	_ =	shalt  }
0x7d: {  	_ =	shalt  }
0x7e: {  	_ =	shalt  }
0x7f: {  	_ =	shalt  }
0x80: {  	_ =	shalt  }
0x81: {  	_ =	shalt  }
0x82: {  	_ =	shalt  }
0x83: {  	_ =	shalt  }
0x84: {  	_ =	shalt  }
0x85: {  	_ =	shalt  }
0x86: {  	_ =	shalt  }
0x87: {  	_ =	shalt  }
.Lfunc_end0:
.L_simem_size_0:
called_computation.1_lowered:
.L_overlay_start_0:
0x88: {  	s2 =	sld [smem:$0x3FD9]  }
0x89: {  	s3 =	sld [smem:$0x3FFE];
	_ =	sdelay $0x1  }
0x8a: {  	s1 =	srdreg.scid  }
0x8b: {  	s0 =	sand.u32 $0x1, s1  }
0x8c: {  	s17 =	sshll.u32 s0, $0xA;
	s2 =	sadd.s32 s3, s2  }
0x8d: {  	s2 =	sadd.s32 s2, s17  }
0x8e: {  	[smem:$0x3FBC] =	sst s2  }
0x8f: {  	_ = 	snop  }
0x90: {  	s2 =	sld [smem:$0x3FD0];
	(tm) =	ssettm $0x1  }
0x91: {  	s18 =	sld [smem:$0x3FFB];
	_ =	sdelay $0x3  }
0x92: {  	_ =	strace s18  }
0x93: {  	s3 =	sld [smem:$0x3FFC];
	_ =	sdelay $0x3  }
0x94: {  	_ =	strace s3  }
0x95: {  	s3 =	sld [smem:$0x3FFD];
	_ =	sdelay $0x3  }
0x96: {  	_ =	strace s3  }
0x97: {  	_ =	strace $0x8FFFFFFF  }
0x98: {  	s19 =	sld [smem:$0x3FDB];
	_ =	sdelay $0x1  }
0x99: {  	s4 =	simm.s32 $_scs_section_size  }
0x9a: {  	s5 =	simm.s32 $_size__tile_overlayer_lowered;
	s6 =	simm.s32 $_tile_overlayer_lowered  }
0x9b: {  	s22 =	simm.s32 $0x1BFF;
	s21 =	sshll.u32 s6, $0x1;
	s3 =	sadd.s32 s4, s19  }
0x9c: {  	s7 =	simm.s32 $0x0;
	s20 =	sshll.u32 s5, $0x1;
	s5 =	sadd.s32 s21, s3  }
0x9d: {  	[timem:s7], [sflag:s22] =	dma.local [hbm:s5], s20  }
0x9e: {  	_ =	swait.ge [sflag:s22], s20  }
0x9f: {  	s4 =	ssub.s32 $0x0, s20;
	[sflag:s22] =	ssyncset.done $0x0  }
0xa0: {  	[sflag:s22] =	ssyncadd.s32 s4;
	_ =	sdelay $0x1  }
0xa1: {  	s23 =	simm.s32 $0x1B8B  }
0xa2: {  	_ =	swait.ge [sflag:s23], $0x1  }
0xa3: {  	[sflag:s23] =	ssyncset.done $0x0  }
0xa4: {  	s25 =	simm.s32 $0x1B8E;
	s24 =	sld [smem:$0x3FFE];
	[sflag:s23] =	ssyncadd.s32 $0xFFFFFFFF  }
0xa5: {  	s26 =	simm.s32 $execute0_lowered;
	[smem:$0x3FD2] =	sst s25  }
0xa6: {  	s5 =	sshll.u32 s26, $0x1;
	_ =	strace $0x80000049;
	[dreg:$0x1] =	wrdreg $0xFFFFFFFF  }
0xa7: {  	s28 =	simm.s32 $_size_execute0_lowered;
	s3 =	sadd.s32 s3, s5;
	[dreg:$0x0] =	wrdreg $0x0  }
0xa8: {  	s5 =	sshll.u32 s28, $0x1;
	[dreg:$0x2] =	wrdreg s3  }
0xa9: {  	[dreg:$0x3] =	wrdreg s5  }
0xaa: {  	[dreg:$0x4] =	wrdreg $0xC0  }
0xab: {  	_ =	task [dreg:s7], $0x5FFFF  }
0xac: {  	[dreg:$0x1] =	wrdreg $0xFFFFFFFF  }
0xad: {  	[dreg:$0x0] =	wrdreg $0x60  }
0xae: {  	[dreg:$0x2] =	wrdreg s2  }
0xaf: {  	[dreg:$0x3] =	wrdreg s24  }
0xb0: {  	[dreg:$0x4] =	wrdreg $0x0  }
0xb1: {  	[dreg:$0x5] =	wrdreg $0x9  }
0xb2: {  	_ =	task.clear_ibuf [dreg:s7], $0x6FFFF;
	_ =	strace $0x90000049  }
0xb3: {  	s29 =	simm.s32 $0x9;
	_ =	strace $0x8000004B  }
0xb4: {  	_ =	swait.ge [sflag:s29], $0x1  }
0xb5: {  	[sflag:s29] =	ssyncadd.s32 $0xFFFFFFFF  }
0xb6: {  	_ =	strace $0x9000004B  }
0xb7: {  	_ =	sfence  }
0xb8: {  	s30 =	sld [smem:$0x0];
	_ =	sdelay $0x2  }
0xb9: {  	s31 =	sshll.u32 s1, $0xD;
	s1 =	sshrl.u32 s1, $0x2  }
0xba: {  	s3 =	sand.u32 $0x4000, s31;
	s1 =	sadd.s32 s1, s30  }
0xbb: {  	s0 =	sor.u32 s3, s0;
	s1 =	sshll.u32 s1, $0x11  }
0xbc: {  	s0 =	sor.u32 s1, s0  }
0xbd: {  	s0 =	sadd.s32 $0x8F2B, s0  }
0xbe: {  	[sflag:s0] =	ssyncadd.remote.s32 $0x1  }
0xbf: {  	_ =	sfence.sel $0xFFFF  }
0xc0: {  	[dreg:$0x0] =	wrdreg $0xFFFFFFFF;
	(pc) =	sbr.abs _section_cstart, $3  }
0xc1: {  	[dreg:$0x1] =	wrdreg $0xFFFFFFFF  }
0xc2: {  	_ =	task.clear_ibuf [dreg:s7], $0x2FFFF;
	_ =	strace $0x9FFFFFFF  }
0xc3: {  	(tm) =	ssettm $0x7FFFFFFF  }
tec
execute0_lowered:
.L_overlay_start_1:
0x0: {  	(tag) =	ssettag $0x1  }
0x1: {  	s1 =	rddreg [dreg:$0x0]  }
0x2: {  	s0 =	rddreg [dreg:$0x1]  }
0x3: {  	s2 =	rddreg [dreg:$0x2];
	s12 =	stileid.u32  }
0x4: {  	s4 =	srdreg.scid;
	s3 =	simm.s32 $0x0;
	s20 =	smul.u32 $0x13800, s12  }
0x5: {  	s28 =	simm.s32 $0x0;
	s4 =	sand.u32 $0x1, s4;
	s23 =	smul.u32 $0x4E000, s12  }
0x6: {  	[smem:$0x7FF] =	sst s3;
	s9 =	sadd.s32 $0x2600, s0;
	s25 =	smul.u32 $0x50000, s12  }
0x7: {  	s29 =	smul.u32 $0x27E0, s12;
	p0 =	sne.s32 s12, $0x0;
	s5 =	sshll.u32 s4, $0x4  }
0x8: {  	_ =	strace $0x8000004A;
	s6 =	ssub.s32 $0x2, s4;
	s11 =	smul.u32 $0x138800, s4  }
0x9: {  	s4 =	smul.u32 $0x27E00, s4;
	s7 =	sor.u32 s12, s5;
	s5 =	sadd.s32 $0xC600, s0  }
0xa: {  	s8 =	sshrl.u32 s6, $0x1;
	s0 =	sadd.s32 $0x16600, s0;
	s30 =	sshrl.u32 s25, $0x2  }
0xb: {  	s7 =	smul.u32 $0x27E0, s7;
	s6 =	ssub.s32 s6, s8;
	s22 =	sadd.s32 s20, s11  }
0xc: {  	s26 =	sshrl.u32 s11, $0x3;
	s31 =	sadd.s32 s29, s4;
	s11 =	simm.s32 $0x19A80  }
0xd: {  	s24 =	sshrl.u32 s22, $0x3;
	s14 =	smax.u32 s6, $0x1;
	s16 =	sadd.s32 $0x108, s31  }
0xe: {  	s20 =	sadd.s32 $0x58, s31;
	s22 =	sadd.s32 $0x1B8, s31;
	s18 =	sshrl.u32 s7, $0x3  }
0xf: {  	s10 =	sadd.s32 $0x58, s7;
	s7 =	sadd.s32 $0x108, s7;
	[dreg:$0xb] =	wrdreg s14  }
0x10: {  	s4 =	sshrl.u32 s16, $0x3;
	s14 =	simm.s32 $0x1C680;
	s13 =	sadd.s32 s5, s18  }
0x11: {  	s19 =	sshrl.u32 s10, $0x3;
	s7 =	sshrl.u32 s7, $0x3;
	s10 =	sshrl.u32 s23, $0x2  }
0x12: {  	s18 =	sadd.s32 $0xB0, s31;
	s16 =	sadd.s32 s4, s9;
	s8 =	sadd.s32 s5, s19  }
0x13: {  	[dreg:$0x4] =	wrdreg s13;
	s21 =	sadd.s32 $0x16, s13;
	s7 =	sadd.s32 s5, s7  }
0x14: {  	s10 =	sadd.s32 s10, s2;
	s13 =	sadd.s32 s30, s2;
	[dreg:$0x5] =	wrdreg s8  }
0x15: {  	s19 =	sadd.s32 $0x268, s31;
	s6 =	sshrl.u32 s18, $0x3;
	[dreg:$0x6] =	wrdreg s21  }
0x16: {  	[dreg:$0x7] =	wrdreg s7;
	s7 =	sadd.s32 s0, s24;
	s0 =	sadd.s32 s0, s26  }
0x17: {  	s8 =	sadd.s32 $0x138000, s2;
	s15 =	sadd.s32 $0x2800, s13;
	[dreg:$0xa] =	wrdreg s13  }
0x18: {  	s17 =	sadd.s32 $0x5000, s13;
	s4 =	sshrl.u32 s19, $0x3;
	[dreg:$0x8] =	wrdreg s7  }
0x19: {  	s21 =	sshrl.u32 s31, $0x3;
	s24 =	sshrl.u32 s10, $0x3;
	[dreg:$0xc] =	wrdreg s15  }
0x1a: {  	s25 =	sadd.s32 $0x7800, s13;
	s26 =	sadd.s32 $0xA000, s13;
	[dreg:$0xd] =	wrdreg s17  }
0x1b: {  	s29 =	sadd.s32 $0xC800, s13;
	s30 =	sadd.s32 $0xF000, s13;
	[dreg:$0xf] =	wrdreg s24  }
0x1c: {  	s0 =	sadd.s32 $0x27000, s0;
	s17 =	sadd.s32 s6, s9;
	[dreg:$0x11] =	wrdreg s25  }
0x1d: {  	s7 =	sadd.s32 $0x210, s31;
	s6 =	sshrl.u32 s20, $0x3;
	[dreg:$0x12] =	wrdreg s26  }
0x1e: {  	s19 =	sadd.s32 s21, s9;
	s20 =	sadd.s32 s4, s5;
	[dreg:$0x13] =	wrdreg s29  }
0x1f: {  	[dreg:$0x14] =	wrdreg s30;
	s4 =	simm.s32 $0x5;
	s15 =	simm.s32 $0x1  }
0x20: {  	s24 =	simm.s32 $0x14200;
	s25 =	simm.s32 $0x2;
	s26 =	simm.s32 $0x4  }
0x21: {  	[dreg:$0x9] =	wrdreg s0;
	s18 =	sadd.s32 s6, s9;
	s23 =	sshrl.u32 s7, $0x3  }
.Ltmp0:
0x22: {  	s6 =	sshrl.u32 s22, $0x3;
	s0 =	sadd.s32 $0x160, s31;
	(pc) =	sbr.rel .LBB2_1-.Ltmp0, $4  }
0x23: {  	s31 =	sadd.s32 $0x11800, s13;
	s9 =	simm.s32 $0x16E80;
	s13 =	simm.s32 $0x14180  }
0x24: {  	s21 =	sadd.s32 s23, s5;
	s22 =	sadd.s32 s6, s5;
	[dreg:$0xe] =	wrdreg s0  }
0x25: {  	s0 =	sshrl.u32 @!p0 s8, $0x3;
	[dreg:$0x15] =	wrdreg s31;
	s8 =	simm.s32 $0x58  }
0x26: {  	v0 =	vimm.f32 $0.0e+00;
	s23 =	simm.s32 $0x3;
	[dreg:$0x10] =	wrdreg s0;
	s0 =	simm.s32 $0x14280  }
.LBB2_6:
0x27: {  	s6 =	stileid.u32;
	[bflag:$0x0] =	sbarrier.arrive $0xFFFF  }
0x28: {  	s6 =	sshll.u32 s6, $0x6;
	s7 =	rddreg [dreg:$0x8]  }
0x29: {  	s10 =	rddreg [dreg:$0xf];
	s6 =	sor.u32 $0x1C05, s6  }
0x2a: {  	[hbm:s7], [sflag:s6] =	dma.local [spmem:s10], $0x2700  }
0x2b: {  	_ =	swait.ge [sflag:s4], $0x2700  }
0x2c: {  	[sflag:s4] =	ssyncset.done $0x0;
	s7 =	rddreg [dreg:$0x9]  }
0x2d: {  	s10 =	rddreg [dreg:$0x10];
	[sflag:s4] =	ssyncadd.s32 $0xFFFFD900  }
0x2e: {  	[hbm:s7], [sflag:s6] =	dma.local @!p0 [spmem:s10], $0x100  }
0x2f: {  	s6 =	simm.s32 @!p0 $0x5  }
0x30: {  	_ =	swait.ge @!p0 [sflag:s6], $0x100  }
0x31: {  	s28 =	sadd.s32 $0x1, s28;
	s31 =	rddreg [dreg:$0xb]  }
0x32: {  	p1 =	sne.s32 s28, s31  }
.Ltmp1:
0x33: {  	_ = 	snop;
	(pc) =	sbr.rel @!p1 .LBB2_7-.Ltmp1, $3  }
0x34: {  	_ =	sdelay $0x1  }
0x35: {  	[sflag:s6] =	ssyncset.done @!p0 $0x0  }
0x36: {  	[sflag:s6] =	ssyncadd.s32 @!p0 $0xFFFFFF00  }
.LBB2_1:
0x37: {  	s7 =	sand.u32 $0xFE00, s3  }
0x38: {  	s30 =	sand.u32 $0x70, s3;
	s7 =	sshrl.u32 s7, $0x2  }
0x39: {  	s29 =	simm.s32 $0x40;
	s7 =	sor.u32 s30, s7;
	s30 =	simm.s32 $0x0  }
.LBB2_2:
0x3a: {  	p1 =	sne.s32 s29, $0xAFC0  }
0x3b: {  	[tilespmem:s7+$0x14280] =	vst v0;
	s30 =	sadd.s32 $0x10, s30;
	s7 =	smov.u32 s29;
	s29 =	sadd.s32 $0x40, s29  }
.Ltmp2:
0x3c: {  	(pc) =	sbr.rel @p1 .LBB2_2-.Ltmp2, $4  }
0x3d: {  	_ = 	snop  }
0x3e: {  	s7 =	sand.u32 $0xFE00, s7  }
0x3f: {  	s31 =	sand.u32 $0x70, s30;
	s7 =	sshrl.u32 s7, $0x2  }
0x40: {  	s7 =	sor.u32 s31, s7  }
0x41: {  	[tilespmem:s7+$0x14280] =	vst v0;
	s6 =	rddreg [dreg:$0xa]  }
0x42: {  	[spmem:s6] =	stream.linear.scatter [tilespmem:s0], [sflag:$0x5], $0x2800, $0x38;
	[tilespmem:$0x1F280] =	vst v63  }
0x43: {  	_ =	swait.ge [sflag:s4], $0x2800  }
0x44: {  	[sflag:s4] =	ssyncset.done $0x0  }
0x45: {  	s10 =	rddreg [dreg:$0xc];
	[sflag:s4] =	ssyncadd.s32 $0xFFFFD800  }
0x46: {  	[spmem:s10] =	stream.linear.scatter [tilespmem:s0], [sflag:$0x5], $0x2800, $0x38;
	[tilespmem:$0x1F280] =	vst v63  }
0x47: {  	_ =	swait.ge [sflag:s4], $0x2800  }
0x48: {  	[sflag:s4] =	ssyncset.done $0x0  }
0x49: {  	s12 =	rddreg [dreg:$0xd];
	[sflag:s4] =	ssyncadd.s32 $0xFFFFD800  }
0x4a: {  	[spmem:s12] =	stream.linear.scatter [tilespmem:s0], [sflag:$0x5], $0x2800, $0x38;
	[tilespmem:$0x1F280] =	vst v63  }
0x4b: {  	_ =	swait.ge [sflag:s4], $0x2800  }
0x4c: {  	[sflag:s4] =	ssyncset.done $0x0  }
0x4d: {  	s31 =	rddreg [dreg:$0x11];
	[sflag:s4] =	ssyncadd.s32 $0xFFFFD800  }
0x4e: {  	[spmem:s31] =	stream.linear.scatter [tilespmem:s0], [sflag:$0x5], $0x2800, $0x38;
	[tilespmem:$0x1F280] =	vst v63  }
0x4f: {  	_ =	swait.ge [sflag:s4], $0x2800  }
0x50: {  	[sflag:s4] =	ssyncset.done $0x0  }
0x51: {  	s7 =	rddreg [dreg:$0x12];
	[sflag:s4] =	ssyncadd.s32 $0xFFFFD800  }
0x52: {  	[spmem:s7] =	stream.linear.scatter [tilespmem:s0], [sflag:$0x5], $0x2800, $0x38;
	[tilespmem:$0x1F280] =	vst v63  }
0x53: {  	_ =	swait.ge [sflag:s4], $0x2800  }
0x54: {  	[sflag:s4] =	ssyncset.done $0x0  }
0x55: {  	s10 =	rddreg [dreg:$0x13];
	[sflag:s4] =	ssyncadd.s32 $0xFFFFD800  }
0x56: {  	[spmem:s10] =	stream.linear.scatter [tilespmem:s0], [sflag:$0x5], $0x2800, $0x38;
	[tilespmem:$0x1F280] =	vst v63  }
0x57: {  	_ =	swait.ge [sflag:s4], $0x2800  }
0x58: {  	[sflag:s4] =	ssyncset.done $0x0  }
0x59: {  	s12 =	rddreg [dreg:$0x14];
	[sflag:s4] =	ssyncadd.s32 $0xFFFFD800  }
0x5a: {  	[spmem:s12] =	stream.linear.scatter [tilespmem:s0], [sflag:$0x5], $0x2800, $0x38;
	[tilespmem:$0x1F280] =	vst v63  }
0x5b: {  	_ =	swait.ge [sflag:s4], $0x2800  }
0x5c: {  	[sflag:s4] =	ssyncset.done $0x0  }
0x5d: {  	s31 =	rddreg [dreg:$0x15];
	[sflag:s4] =	ssyncadd.s32 $0xFFFFD800  }
0x5e: {  	[spmem:s31] =	stream.linear.scatter [tilespmem:s0], [sflag:$0x5], $0x2800, $0x38;
	[tilespmem:$0x1F280] =	vst v63  }
0x5f: {  	_ =	swait.ge [sflag:s4], $0x2800  }
0x60: {  	[sflag:s4] =	ssyncset.done $0x0  }
0x61: {  	[sflag:s4] =	ssyncadd.s32 $0xFFFFD800  }
0x62: {  	[bflag:$0x0] =	sbarrier.arrive $0xFFFF  }
0x63: {  	s29 =	simm.s32 $0x0;
	s10 =	simm.s32 $0x14000;
	s7 =	rddreg [dreg:$0x4]  }
0x64: {  	[tilespmem:s10], [sflag:$0x5] =	stream.linear.gather [hbm4b:s7+s29], $0x58, $0x38;
	[tilespmem:$0x1F280] =	vst v63  }
0x65: {  	_ =	swait.ge [sflag:s4], $0x58  }
0x66: {  	[sflag:s4] =	ssyncset.done $0x0  }
0x67: {  	[sflag:s4] =	ssyncadd.s32 $0xFFFFFFA8  }
0x68: {  	[tilespmem:s0], [sflag:$0x1] =	stream.indirect.gather [hbm4b:s1+s8], $0x80, s10, s8, $0xb8;
	[tilespmem:$0x1F280] =	vst v63  }
0x69: {  	s31 =	simm.s32 $0x14080;
	s12 =	rddreg [dreg:$0x5]  }
0x6a: {  	[tilespmem:s31], [sflag:$0x5] =	stream.linear.gather [hbm4b:s12+s29], $0x58, $0x38;
	[tilespmem:$0x1F280] =	vst v63  }
0x6b: {  	_ =	swait.ge [sflag:s4], $0x58  }
0x6c: {  	[sflag:s4] =	ssyncset.done $0x0  }
0x6d: {  	[sflag:s4] =	ssyncadd.s32 $0xFFFFFFA8  }
0x6e: {  	[tilespmem:s9], [sflag:$0x2] =	stream.indirect.gather [hbm4b:s1+s8], $0x80, s31, s8, $0xb8;
	[tilespmem:$0x1F280] =	vst v63  }
0x6f: {  	s12 =	simm.s32 $0x14100;
	s10 =	rddreg [dreg:$0x6]  }
0x70: {  	[tilespmem:s12], [sflag:$0x5] =	stream.linear.gather [hbm4b:s10+s29], $0x58, $0x38;
	[tilespmem:$0x1F280] =	vst v63  }
0x71: {  	_ =	swait.ge [sflag:s4], $0x58  }
0x72: {  	[sflag:s4] =	ssyncset.done $0x0  }
0x73: {  	[sflag:s4] =	ssyncadd.s32 $0xFFFFFFA8  }
0x74: {  	[tilespmem:s11], [sflag:$0x3] =	stream.indirect.gather [hbm4b:s1+s8], $0x80, s12, s8, $0xb8;
	[tilespmem:$0x1F280] =	vst v63  }
0x75: {  	s31 =	rddreg [dreg:$0x7]  }
0x76: {  	[tilespmem:s13], [sflag:$0x5] =	stream.linear.gather [hbm4b:s31+s29], $0x58, $0x38;
	[tilespmem:$0x1F280] =	vst v63  }
0x77: {  	_ =	swait.ge [sflag:s4], $0x58  }
0x78: {  	[sflag:s4] =	ssyncset.done $0x0  }
0x79: {  	s30 =	rddreg [dreg:$0xe];
	[sflag:s4] =	ssyncadd.s32 $0xFFFFFFA8  }
0x7a: {  	[tilespmem:s14], [sflag:$0x4] =	stream.indirect.gather [hbm4b:s1+s8], $0x80, s13, s8, $0xb8;
	[tilespmem:$0x1F280] =	vst v63  }
.LBB2_4:
0x7b: {  	_ =	swait.ge [sflag:s15], $0x2C00  }
0x7c: {  	[sflag:s15] =	ssyncset.done $0x0  }
0x7d: {  	s7 =	sadd.s32 s29, s19;
	[sflag:s15] =	ssyncadd.s32 $0xFFFFD400  }
0x7e: {  	[tilespmem:s24], [sflag:$0x5] =	stream.linear.gather [hbm4b:s7+s3], $0x58, $0x38;
	[tilespmem:$0x1F280] =	vst v63  }
0x7f: {  	_ =	swait.ge [sflag:s4], $0x58  }
0x80: {  	[sflag:s4] =	ssyncset.done $0x0  }
0x81: {  	[sflag:s4] =	ssyncadd.s32 $0xFFFFFFA8  }
0x82: {  	[spmem:s2] =	stream.indirect.scatter.add.f32 [tilespmem:s0], [sflag:$0x5], $0x80, s24, s8, $0xb8;
	[tilespmem:$0x1F280] =	vst v63  }
0x83: {  	p1 =	seq.s32 s29, $0x4D0;
	_ =	swait.ge [sflag:s4], $0x2C00  }
0x84: {  	s31 =	simm.s32 @!p1 $0x0;
	s7 =	sshrl.u32 @!p1 s30, $0x3;
	[sflag:s4] =	ssyncset.done $0x0  }
0x85: {  	s6 =	simm.s32 @!p1 $0x14000;
	s7 =	sadd.s32 @!p1 s5, s7;
	[sflag:s4] =	ssyncadd.s32 $0xFFFFD400  }
0x86: {  	[tilespmem:s6], [sflag:$0x5] =	stream.linear.gather @!p1 [hbm4b:s7+s31], $0x58, $0x38;
	[tilespmem:$0x1F280] =	vst v63  }
0x87: {  	s7 =	simm.s32 @!p1 $0x5  }
0x88: {  	_ =	swait.ge @!p1 [sflag:s7], $0x58  }
0x89: {  	[sflag:s7] =	ssyncset.done @!p1 $0x0  }
0x8a: {  	s10 =	simm.s32 @!p1 $0x58;
	s12 =	simm.s32 @!p1 $0x14280;
	[sflag:s7] =	ssyncadd.s32 @!p1 $0xFFFFFFA8  }
0x8b: {  	[tilespmem:s12], [sflag:$0x1] =	stream.indirect.gather @!p1 [hbm4b:s1+s10], $0x80, s6, s10, $0xb8;
	[tilespmem:$0x1F280] =	vst v63  }
0x8c: {  	_ =	swait.ge [sflag:s25], $0x2C00  }
0x8d: {  	[sflag:s25] =	ssyncset.done $0x0  }
0x8e: {  	s12 =	sadd.s32 s29, s18;
	[sflag:s25] =	ssyncadd.s32 $0xFFFFD400  }
0x8f: {  	[tilespmem:s24], [sflag:$0x5] =	stream.linear.gather [hbm4b:s12+s3], $0x58, $0x38;
	[tilespmem:$0x1F280] =	vst v63  }
0x90: {  	_ =	swait.ge [sflag:s4], $0x58  }
0x91: {  	[sflag:s4] =	ssyncset.done $0x0  }
0x92: {  	[sflag:s4] =	ssyncadd.s32 $0xFFFFFFA8  }
0x93: {  	[spmem:s2] =	stream.indirect.scatter.add.f32 [tilespmem:s9], [sflag:$0x5], $0x80, s24, s8, $0xb8;
	[tilespmem:$0x1F280] =	vst v63  }
0x94: {  	_ =	swait.ge [sflag:s4], $0x2C00  }
0x95: {  	[sflag:s4] =	ssyncset.done $0x0  }
0x96: {  	s6 =	sadd.s32 @!p1 s29, s22;
	s12 =	simm.s32 @!p1 $0x14080;
	[sflag:s4] =	ssyncadd.s32 $0xFFFFD400  }
0x97: {  	[tilespmem:s12], [sflag:$0x5] =	stream.linear.gather @!p1 [hbm4b:s6+s31], $0x58, $0x38;
	[tilespmem:$0x1F280] =	vst v63  }
0x98: {  	_ =	swait.ge @!p1 [sflag:s7], $0x58  }
0x99: {  	[sflag:s7] =	ssyncset.done @!p1 $0x0  }
0x9a: {  	s6 =	simm.s32 @!p1 $0x16E80;
	[sflag:s7] =	ssyncadd.s32 @!p1 $0xFFFFFFA8  }
0x9b: {  	[tilespmem:s6], [sflag:$0x2] =	stream.indirect.gather @!p1 [hbm4b:s1+s10], $0x80, s12, s10, $0xb8;
	[tilespmem:$0x1F280] =	vst v63  }
0x9c: {  	_ =	swait.ge [sflag:s23], $0x2C00  }
0x9d: {  	[sflag:s23] =	ssyncset.done $0x0  }
0x9e: {  	s12 =	sadd.s32 s29, s17;
	[sflag:s23] =	ssyncadd.s32 $0xFFFFD400  }
0x9f: {  	[tilespmem:s24], [sflag:$0x5] =	stream.linear.gather [hbm4b:s12+s3], $0x58, $0x38;
	[tilespmem:$0x1F280] =	vst v63  }
0xa0: {  	_ =	swait.ge [sflag:s4], $0x58  }
0xa1: {  	[sflag:s4] =	ssyncset.done $0x0  }
0xa2: {  	[sflag:s4] =	ssyncadd.s32 $0xFFFFFFA8  }
0xa3: {  	[spmem:s2] =	stream.indirect.scatter.add.f32 [tilespmem:s11], [sflag:$0x5], $0x80, s24, s8, $0xb8;
	[tilespmem:$0x1F280] =	vst v63  }
0xa4: {  	_ =	swait.ge [sflag:s4], $0x2C00  }
0xa5: {  	[sflag:s4] =	ssyncset.done $0x0  }
0xa6: {  	s6 =	sadd.s32 @!p1 s29, s21;
	s12 =	simm.s32 @!p1 $0x14100;
	[sflag:s4] =	ssyncadd.s32 $0xFFFFD400  }
0xa7: {  	[tilespmem:s12], [sflag:$0x5] =	stream.linear.gather @!p1 [hbm4b:s6+s31], $0x58, $0x38;
	[tilespmem:$0x1F280] =	vst v63  }
0xa8: {  	_ =	swait.ge @!p1 [sflag:s7], $0x58  }
0xa9: {  	[sflag:s7] =	ssyncset.done @!p1 $0x0  }
0xaa: {  	s6 =	simm.s32 @!p1 $0x19A80;
	[sflag:s7] =	ssyncadd.s32 @!p1 $0xFFFFFFA8  }
0xab: {  	[tilespmem:s6], [sflag:$0x3] =	stream.indirect.gather @!p1 [hbm4b:s1+s10], $0x80, s12, s10, $0xb8;
	[tilespmem:$0x1F280] =	vst v63  }
0xac: {  	_ =	swait.ge [sflag:s26], $0x2C00  }
0xad: {  	[sflag:s26] =	ssyncset.done $0x0  }
0xae: {  	s31 =	sadd.s32 s29, s16;
	[sflag:s26] =	ssyncadd.s32 $0xFFFFD400  }
0xaf: {  	[tilespmem:s24], [sflag:$0x5] =	stream.linear.gather [hbm4b:s31+s3], $0x58, $0x38;
	[tilespmem:$0x1F280] =	vst v63  }
0xb0: {  	_ =	swait.ge [sflag:s4], $0x58  }
0xb1: {  	[sflag:s4] =	ssyncset.done $0x0  }
.Ltmp3:
0xb2: {  	[sflag:s4] =	ssyncadd.s32 $0xFFFFFFA8;
	(pc) =	sbr.rel @p1 .LBB2_6-.Ltmp3, $4  }
0xb3: {  	[spmem:s2] =	stream.indirect.scatter.add.f32 [tilespmem:s14], [sflag:$0x5], $0x80, s24, s8, $0xb8;
	[tilespmem:$0x1F280] =	vst v63  }
0xb4: {  	_ =	swait.ge [sflag:s4], $0x2C00  }
0xb5: {  	[sflag:s4] =	ssyncset.done $0x0  }
0xb6: {  	[sflag:s4] =	ssyncadd.s32 $0xFFFFD400  }
0xb7: {  	s6 =	sadd.s32 s29, s20  }
0xb8: {  	[tilespmem:s13], [sflag:$0x5] =	stream.linear.gather [hbm4b:s6+s3], $0x58, $0x38;
	[tilespmem:$0x1F280] =	vst v63  }
.Ltmp4:
0xb9: {  	_ = 	snop;
	(pc) =	sbr.rel .LBB2_4-.Ltmp4, $4  }
0xba: {  	_ =	swait.ge [sflag:s4], $0x58  }
0xbb: {  	[sflag:s4] =	ssyncset.done $0x0  }
0xbc: {  	s29 =	sadd.s32 $0x2C, s29;
	s30 =	sadd.s32 $0x160, s30;
	[sflag:s4] =	ssyncadd.s32 $0xFFFFFFA8  }
0xbd: {  	[tilespmem:s14], [sflag:$0x4] =	stream.indirect.gather [hbm4b:s1+s8], $0x80, s13, s8, $0xb8;
	[tilespmem:$0x1F280] =	vst v63  }
.LBB2_7:
0xbe: {  	_ =	sfence.sel $0x180000  }
0xbf: {  	[bflag:$0x0] =	sbarrier.arrive $0xFFFF  }
0xc0: {  	_ =	strace $0x9000004A  }
0xc1: {  	[bflag:$0x2] =	sbarrier.arrive $0xFFFF  }
0xc2: {  	s0 =	rddreg [dreg:$0x3]  }
0xc3: {  	s0 =	sadd.s32 @!p0 $0x100000, s0  }
0xc4: {  	[sflag:s0] =	ssyncadd.tile.s32 @!p0 $0x1;
	_ =	shalt  }
.Lfunc_end2:
_tile_overlayer_lowered:
.L_overlay_start_2:
0xc5: {  	(tag) =	ssettag $0x2  }
0xc6: {  	s0 =	rddreg [dreg:$0x0];
	s2 =	stileid.u32  }
0xc7: {  	s1 =	rddreg [dreg:$0x1];
	p0 =	sne.s32 s2, $0x0  }
0xc8: {  	s3 =	rddreg [dreg:$0x2];
	[bflag:$0x3] =	sbarrier.arrive $0xFFFF;
	s2 =	simm.s32 @!p0 $0x1C05  }
0xc9: {  	[timem:s3], [sflag:s2] =	dma.local @!p0 [hbm:s0], s1  }
0xca: {  	s0 =	simm.s32 @!p0 $0x5  }
0xcb: {  	_ =	swait.ge @!p0 [sflag:s0], s1  }
0xcc: {  	s1 =	ssub.s32 @!p0 $0x0, s1;
	[sflag:s0] =	ssyncset.done @!p0 $0x0  }
0xcd: {  	[sflag:s0] =	ssyncadd.s32 @!p0 s1  }
0xce: {  	[bflag:$0x3] =	sbarrier.arrive $0xFFFF  }
0xcf: {  	_ =	shalt  }

// kernel: kernel.15.cloned.1.call-start
scs
__scs_entry_jumppad:
0x0: {  	(pc) =	sbr.rel $0x88, $3  }
0x1: {  	(tag) =	ssettag $0x0;
	lr =	simm.s32 $0x1  }
0x2: {  	[smem:$0x3F95] =	sst lr;
	_ =	strace $0xD0000000  }
0x3: {  	_ = 	snop  }
0x4: {  	_ = 	snop  }
0x5: {  	_ = 	snop  }
0x6: {  	_ = 	snop  }
0x7: {  	_ = 	snop  }
__scs_overlays_trampoline_lowered:
0x8: {  	[smem:$0x3FA4] =	sst s0  }
0x9: {  	[smem:$0x3FA5] =	sst s1  }
0xa: {  	[smem:$0x3FA6] =	sst s2  }
0xb: {  	[smem:$0x3FA7] =	sst s3  }
0xc: {  	[smem:$0x3FA8] =	sst s4  }
0xd: {  	[smem:$0x3FA9] =	sst s5  }
0xe: {  	[smem:$0x3FAA] =	sst s6  }
0xf: {  	[smem:$0x3FAB] =	sst s7  }
0x10: {  	[smem:$0x3FAC] =	sst s8  }
0x11: {  	[smem:$0x3FAD] =	sst s9;
	s0 =	simm.s32 @!p0 $0x0  }
0x12: {  	s1 =	sld [smem:$0x3F93];
	s0 =	simm.s32 @p0 $0x1  }
0x13: {  	[smem:$0x3FAE] =	sst s0;
	s0 =	simm.s32 @!p1 $0x0  }
0x14: {  	s2 =	sld [smem:$0x3F92];
	s0 =	simm.s32 @p1 $0x1  }
0x15: {  	[smem:$0x3FAF] =	sst s0;
	s0 =	simm.s32 @!p2 $0x0  }
0x16: {  	s3 =	sld [smem:$0x3FDB];
	s0 =	simm.s32 @p2 $0x1  }
0x17: {  	s4 =	simm.s32 $0x1BF5;
	[smem:$0x3FB1] =	sst s0  }
0x18: {  	s0 =	sld [smem:$0x3F94];
	_ =	swait.ge [sflag:s4], $0x0  }
0x19: {  	s7 =	sld [smem:$0x3F95]  }
0x1a: {  	s8 =	sadd.s32 $0xFFFFE003, lr  }
0x1b: {  	s9 =	sadd.s32 $0xFFFFFEF7, lr;
	s5 =	simm.s32 $0xFFFFFFFF;
	p2 =	slt.u32 s8, $0xFFFFF086  }
0x1c: {  	p1 =	slt.u32 s9, $0xF7A;
	s5 =	simm.s32 @!p2 $0x0  }
0x1d: {  	s5 =	simm.s32 @p1 $0x1;
	p0 =	seq.s32 s7, s2  }
0x1e: {  	s7 =	smul.u32 @!p0 $0xF7A, s2;
	p2 =	seq.s32 @!p0 s5, $0x0  }
0x1f: {  	s9 =	smul.u32 $0xF7A, s1;
	s8 =	simm.s32 @!p0 $0x1BF5;
	p2 =	por !p2, p0  }
0x20: {  	[sflag:s8] =	ssyncset.s32 @!p0 $0xFFFFF086;
	s6 =	sadd.s32 @!p0 s3, s7;
	s7 =	simm.s32 @!p0 $0x108  }
0x21: {  	s3 =	sadd.s32 s3, s9;
	s6 =	sadd.s32 @!p0 $0x88, s6;
	s7 =	simm.s32 @p2 $0x1082  }
0x22: {  	[simem:s7], [sflag:s8] =	dma.local @!p0 [hbm:s6], $0xF7A  }
0x23: {  	s9 =	sor.u32 $0xD0000000, s2;
	s6 =	simm.s32 $0x108;
	_ =	swait.ge @!p0 [sflag:s8], $0x0  }
0x24: {  	s3 =	sadd.s32 $0x88, s3;
	s6 =	simm.s32 @!p1 $0x1082;
	[sflag:s4] =	ssyncset.s32 $0xFFFFF086  }
0x25: {  	[simem:s6], [sflag:s4] =	dma.local [hbm:s3], $0xF7A  }
0x26: {  	[smem:$0x3F95] =	sst s1;
	(tag) =	ssettag s2;
	_ =	strace s9  }
0x27: {  	s1 =	sld [smem:$0x3FA5]  }
0x28: {  	s2 =	sld [smem:$0x3FA6]  }
0x29: {  	s4 =	sld [smem:$0x3FA8]  }
0x2a: {  	p0 =	seq.s32 s5, $0x0;
	s5 =	sld [smem:$0x3FA9]  }
0x2b: {  	s6 =	sld [smem:$0x3FAA]  }
0x2c: {  	s7 =	sld [smem:$0x3FAB]  }
0x2d: {  	s3 =	simm.s32 $0x108;
	s8 =	sld [smem:$0x3FAC]  }
0x2e: {  	s3 =	simm.s32 @!p0 $0x1082;
	s9 =	sld [smem:$0x3FAD]  }
0x2f: {  	lr =	sadd.s32 s0, s3;
	s0 =	sld [smem:$0x3FA4]  }
0x30: {  	s3 =	sld [smem:$0x3FA7]  }
0x31: {  	[smem:$0x3FB0] =	sst s10  }
0x32: {  	s10 =	sld [smem:$0x3FAE];
	_ =	sdelay $0x3  }
0x33: {  	p0 =	seq.s32 s10, $0x1;
	s10 =	sld [smem:$0x3FB0];
	_ =	sdelay $0x3  }
0x34: {  	[smem:$0x3FB0] =	sst s10  }
0x35: {  	s10 =	sld [smem:$0x3FAF];
	_ =	sdelay $0x3  }
0x36: {  	p1 =	seq.s32 s10, $0x1;
	s10 =	sld [smem:$0x3FB0];
	_ =	sdelay $0x3  }
0x37: {  	[smem:$0x3FB0] =	sst s10  }
0x38: {  	s10 =	sld [smem:$0x3FB1]  }
0x39: {  	_ = 	snop;
	(pc) =	sbr.ind lr, $3  }
0x3a: {  	_ = 	snop  }
0x3b: {  	_ = 	snop  }
0x3c: {  	p2 =	seq.s32 s10, $0x1;
	s10 =	sld [smem:$0x3FB0]  }
0x3d: {  	_ =	shalt  }
0x3e: {  	_ =	shalt  }
0x3f: {  	_ =	shalt  }
0x40: {  	_ =	shalt  }
0x41: {  	_ =	shalt  }
0x42: {  	_ =	shalt  }
0x43: {  	_ =	shalt  }
0x44: {  	_ =	shalt  }
0x45: {  	_ =	shalt  }
0x46: {  	_ =	shalt  }
0x47: {  	_ =	shalt  }
0x48: {  	_ =	shalt  }
0x49: {  	_ =	shalt  }
0x4a: {  	_ =	shalt  }
0x4b: {  	_ =	shalt  }
0x4c: {  	_ =	shalt  }
0x4d: {  	_ =	shalt  }
0x4e: {  	_ =	shalt  }
0x4f: {  	_ =	shalt  }
0x50: {  	_ =	shalt  }
0x51: {  	_ =	shalt  }
0x52: {  	_ =	shalt  }
0x53: {  	_ =	shalt  }
0x54: {  	_ =	shalt  }
0x55: {  	_ =	shalt  }
0x56: {  	_ =	shalt  }
0x57: {  	_ =	shalt  }
0x58: {  	_ =	shalt  }
0x59: {  	_ =	shalt  }
0x5a: {  	_ =	shalt  }
0x5b: {  	_ =	shalt  }
0x5c: {  	_ =	shalt  }
0x5d: {  	_ =	shalt  }
0x5e: {  	_ =	shalt  }
0x5f: {  	_ =	shalt  }
0x60: {  	_ =	shalt  }
0x61: {  	_ =	shalt  }
0x62: {  	_ =	shalt  }
0x63: {  	_ =	shalt  }
0x64: {  	_ =	shalt  }
0x65: {  	_ =	shalt  }
0x66: {  	_ =	shalt  }
0x67: {  	_ =	shalt  }
0x68: {  	_ =	shalt  }
0x69: {  	_ =	shalt  }
0x6a: {  	_ =	shalt  }
0x6b: {  	_ =	shalt  }
0x6c: {  	_ =	shalt  }
0x6d: {  	_ =	shalt  }
0x6e: {  	_ =	shalt  }
0x6f: {  	_ =	shalt  }
0x70: {  	_ =	shalt  }
0x71: {  	_ =	shalt  }
0x72: {  	_ =	shalt  }
0x73: {  	_ =	shalt  }
0x74: {  	_ =	shalt  }
0x75: {  	_ =	shalt  }
0x76: {  	_ =	shalt  }
0x77: {  	_ =	shalt  }
0x78: {  	_ =	shalt  }
0x79: {  	_ =	shalt  }
0x7a: {  	_ =	shalt  }
0x7b: {  	_ =	shalt  }
0x7c: {  	_ =	shalt  }
0x7d: {  	_ =	shalt  }
0x7e: {  	_ =	shalt  }
0x7f: {  	_ =	shalt  }
0x80: {  	_ =	shalt  }
0x81: {  	_ =	shalt  }
0x82: {  	_ =	shalt  }
0x83: {  	_ =	shalt  }
0x84: {  	_ =	shalt  }
0x85: {  	_ =	shalt  }
0x86: {  	_ =	shalt  }
0x87: {  	_ =	shalt  }
.Lfunc_end0:
.L_simem_size_0:
called_computation.2_lowered:
.L_overlay_start_0:
0x88: {  	s2 =	sld [smem:$0x3FD9]  }
0x89: {  	s3 =	sld [smem:$0x3FFE];
	_ =	sdelay $0x1  }
0x8a: {  	s1 =	srdreg.scid  }
0x8b: {  	s0 =	sand.u32 $0x1, s1  }
0x8c: {  	s17 =	sshll.u32 s0, $0xA;
	s2 =	sadd.s32 s3, s2  }
0x8d: {  	s2 =	sadd.s32 s2, s17  }
0x8e: {  	[smem:$0x3FBC] =	sst s2  }
0x8f: {  	_ = 	snop  }
0x90: {  	s2 =	sld [smem:$0x3FD0];
	(tm) =	ssettm $0x1  }
0x91: {  	s18 =	sld [smem:$0x3FFB];
	_ =	sdelay $0x3  }
0x92: {  	_ =	strace s18  }
0x93: {  	s3 =	sld [smem:$0x3FFC];
	_ =	sdelay $0x3  }
0x94: {  	_ =	strace s3  }
0x95: {  	s3 =	sld [smem:$0x3FFD];
	_ =	sdelay $0x3  }
0x96: {  	_ =	strace s3  }
0x97: {  	_ =	strace $0x8FFFFFFF  }
0x98: {  	s19 =	sld [smem:$0x3FDB];
	_ =	sdelay $0x1  }
0x99: {  	s4 =	simm.s32 $_scs_section_size  }
0x9a: {  	s5 =	simm.s32 $_size__tile_overlayer_lowered;
	s6 =	simm.s32 $_tile_overlayer_lowered  }
0x9b: {  	s22 =	simm.s32 $0x1BFF;
	s21 =	sshll.u32 s6, $0x1;
	s3 =	sadd.s32 s4, s19  }
0x9c: {  	s7 =	simm.s32 $0x0;
	s20 =	sshll.u32 s5, $0x1;
	s5 =	sadd.s32 s21, s3  }
0x9d: {  	[timem:s7], [sflag:s22] =	dma.local [hbm:s5], s20  }
0x9e: {  	_ =	swait.ge [sflag:s22], s20  }
0x9f: {  	s4 =	ssub.s32 $0x0, s20;
	[sflag:s22] =	ssyncset.done $0x0  }
0xa0: {  	[sflag:s22] =	ssyncadd.s32 s4;
	_ =	sdelay $0x1  }
0xa1: {  	s23 =	simm.s32 $0x1B8B  }
0xa2: {  	_ =	swait.ge [sflag:s23], $0x1  }
0xa3: {  	[sflag:s23] =	ssyncset.done $0x0  }
0xa4: {  	s25 =	simm.s32 $0x1B8E;
	s24 =	sld [smem:$0x3FFE];
	[sflag:s23] =	ssyncadd.s32 $0xFFFFFFFF  }
0xa5: {  	s26 =	simm.s32 $execute0_lowered;
	[smem:$0x3FD2] =	sst s25  }
0xa6: {  	s5 =	sshll.u32 s26, $0x1;
	_ =	strace $0x8000004C;
	[dreg:$0x1] =	wrdreg $0xFFFFFFFF  }
0xa7: {  	s28 =	simm.s32 $_size_execute0_lowered;
	s3 =	sadd.s32 s3, s5;
	[dreg:$0x0] =	wrdreg $0x0  }
0xa8: {  	s5 =	sshll.u32 s28, $0x1;
	[dreg:$0x2] =	wrdreg s3  }
0xa9: {  	[dreg:$0x3] =	wrdreg s5  }
0xaa: {  	[dreg:$0x4] =	wrdreg $0xC0  }
0xab: {  	_ =	task [dreg:s7], $0x5FFFF  }
0xac: {  	[dreg:$0x1] =	wrdreg $0xFFFFFFFF  }
0xad: {  	[dreg:$0x0] =	wrdreg $0x60  }
0xae: {  	[dreg:$0x2] =	wrdreg s2  }
0xaf: {  	[dreg:$0x3] =	wrdreg s24  }
0xb0: {  	[dreg:$0x4] =	wrdreg $0x0  }
0xb1: {  	[dreg:$0x5] =	wrdreg $0x9  }
0xb2: {  	_ =	task.clear_ibuf [dreg:s7], $0x6FFFF;
	_ =	strace $0x9000004C  }
0xb3: {  	s29 =	simm.s32 $0x9;
	_ =	strace $0x8000004E  }
0xb4: {  	_ =	swait.ge [sflag:s29], $0x1  }
0xb5: {  	[sflag:s29] =	ssyncadd.s32 $0xFFFFFFFF  }
0xb6: {  	_ =	strace $0x9000004E  }
0xb7: {  	_ =	sfence  }
0xb8: {  	s30 =	sld [smem:$0x0];
	_ =	sdelay $0x2  }
0xb9: {  	s31 =	sshll.u32 s1, $0xD;
	s1 =	sshrl.u32 s1, $0x2  }
0xba: {  	s3 =	sand.u32 $0x4000, s31;
	s1 =	sadd.s32 s1, s30  }
0xbb: {  	s0 =	sor.u32 s3, s0;
	s1 =	sshll.u32 s1, $0x11  }
0xbc: {  	s0 =	sor.u32 s1, s0  }
0xbd: {  	s0 =	sadd.s32 $0x8F2B, s0  }
0xbe: {  	[sflag:s0] =	ssyncadd.remote.s32 $0x1  }
0xbf: {  	_ =	sfence.sel $0xFFFF  }
0xc0: {  	[dreg:$0x0] =	wrdreg $0xFFFFFFFF;
	(pc) =	sbr.abs _section_cstart, $3  }
0xc1: {  	[dreg:$0x1] =	wrdreg $0xFFFFFFFF  }
0xc2: {  	_ =	task.clear_ibuf [dreg:s7], $0x2FFFF;
	_ =	strace $0x9FFFFFFF  }
0xc3: {  	(tm) =	ssettm $0x7FFFFFFF  }
tec
execute0_lowered:
.L_overlay_start_1:
0x0: {  	(tag) =	ssettag $0x1  }
0x1: {  	s1 =	rddreg [dreg:$0x0]  }
0x2: {  	s0 =	rddreg [dreg:$0x1]  }
0x3: {  	s2 =	rddreg [dreg:$0x2];
	s12 =	stileid.u32  }
0x4: {  	s4 =	srdreg.scid;
	s3 =	simm.s32 $0x0;
	s20 =	smul.u32 $0x13800, s12  }
0x5: {  	s28 =	simm.s32 $0x0;
	s4 =	sand.u32 $0x1, s4;
	s23 =	smul.u32 $0x4E000, s12  }
0x6: {  	[smem:$0x7FF] =	sst s3;
	s9 =	sadd.s32 $0x2600, s0;
	s25 =	smul.u32 $0x50000, s12  }
0x7: {  	s29 =	smul.u32 $0x27E0, s12;
	p0 =	sne.s32 s12, $0x0;
	s5 =	sshll.u32 s4, $0x4  }
0x8: {  	_ =	strace $0x8000004D;
	s6 =	ssub.s32 $0x2, s4;
	s11 =	smul.u32 $0x138800, s4  }
0x9: {  	s4 =	smul.u32 $0x27E00, s4;
	s7 =	sor.u32 s12, s5;
	s5 =	sadd.s32 $0xC600, s0  }
0xa: {  	s8 =	sshrl.u32 s6, $0x1;
	s0 =	sadd.s32 $0x16600, s0;
	s30 =	sshrl.u32 s25, $0x2  }
0xb: {  	s7 =	smul.u32 $0x27E0, s7;
	s6 =	ssub.s32 s6, s8;
	s22 =	sadd.s32 s20, s11  }
0xc: {  	s26 =	sshrl.u32 s11, $0x3;
	s31 =	sadd.s32 s29, s4;
	s11 =	simm.s32 $0x19A80  }
0xd: {  	s24 =	sshrl.u32 s22, $0x3;
	s14 =	smax.u32 s6, $0x1;
	s16 =	sadd.s32 $0x108, s31  }
0xe: {  	s20 =	sadd.s32 $0x58, s31;
	s22 =	sadd.s32 $0x1B8, s31;
	s18 =	sshrl.u32 s7, $0x3  }
0xf: {  	s10 =	sadd.s32 $0x58, s7;
	s7 =	sadd.s32 $0x108, s7;
	[dreg:$0xb] =	wrdreg s14  }
0x10: {  	s4 =	sshrl.u32 s16, $0x3;
	s14 =	simm.s32 $0x1C680;
	s13 =	sadd.s32 s5, s18  }
0x11: {  	s19 =	sshrl.u32 s10, $0x3;
	s7 =	sshrl.u32 s7, $0x3;
	s10 =	sshrl.u32 s23, $0x2  }
0x12: {  	s18 =	sadd.s32 $0xB0, s31;
	s16 =	sadd.s32 s4, s9;
	s8 =	sadd.s32 s5, s19  }
0x13: {  	[dreg:$0x4] =	wrdreg s13;
	s21 =	sadd.s32 $0x16, s13;
	s7 =	sadd.s32 s5, s7  }
0x14: {  	s10 =	sadd.s32 s10, s2;
	s13 =	sadd.s32 s30, s2;
	[dreg:$0x5] =	wrdreg s8  }
0x15: {  	s19 =	sadd.s32 $0x268, s31;
	s6 =	sshrl.u32 s18, $0x3;
	[dreg:$0x6] =	wrdreg s21  }
0x16: {  	[dreg:$0x7] =	wrdreg s7;
	s7 =	sadd.s32 s0, s24;
	s0 =	sadd.s32 s0, s26  }
0x17: {  	s8 =	sadd.s32 $0x138000, s2;
	s15 =	sadd.s32 $0x2800, s13;
	[dreg:$0xa] =	wrdreg s13  }
0x18: {  	s17 =	sadd.s32 $0x5000, s13;
	s4 =	sshrl.u32 s19, $0x3;
	[dreg:$0x8] =	wrdreg s7  }
0x19: {  	s21 =	sshrl.u32 s31, $0x3;
	s24 =	sshrl.u32 s10, $0x3;
	[dreg:$0xc] =	wrdreg s15  }
0x1a: {  	s25 =	sadd.s32 $0x7800, s13;
	s26 =	sadd.s32 $0xA000, s13;
	[dreg:$0xd] =	wrdreg s17  }
0x1b: {  	s29 =	sadd.s32 $0xC800, s13;
	s30 =	sadd.s32 $0xF000, s13;
	[dreg:$0xf] =	wrdreg s24  }
0x1c: {  	s0 =	sadd.s32 $0x27000, s0;
	s17 =	sadd.s32 s6, s9;
	[dreg:$0x11] =	wrdreg s25  }
0x1d: {  	s7 =	sadd.s32 $0x210, s31;
	s6 =	sshrl.u32 s20, $0x3;
	[dreg:$0x12] =	wrdreg s26  }
0x1e: {  	s19 =	sadd.s32 s21, s9;
	s20 =	sadd.s32 s4, s5;
	[dreg:$0x13] =	wrdreg s29  }
0x1f: {  	[dreg:$0x14] =	wrdreg s30;
	s4 =	simm.s32 $0x5;
	s15 =	simm.s32 $0x1  }
0x20: {  	s24 =	simm.s32 $0x14200;
	s25 =	simm.s32 $0x2;
	s26 =	simm.s32 $0x4  }
0x21: {  	[dreg:$0x9] =	wrdreg s0;
	s18 =	sadd.s32 s6, s9;
	s23 =	sshrl.u32 s7, $0x3  }
.Ltmp0:
0x22: {  	s6 =	sshrl.u32 s22, $0x3;
	s0 =	sadd.s32 $0x160, s31;
	(pc) =	sbr.rel .LBB2_1-.Ltmp0, $4  }
0x23: {  	s31 =	sadd.s32 $0x11800, s13;
	s9 =	simm.s32 $0x16E80;
	s13 =	simm.s32 $0x14180  }
0x24: {  	s21 =	sadd.s32 s23, s5;
	s22 =	sadd.s32 s6, s5;
	[dreg:$0xe] =	wrdreg s0  }
0x25: {  	s0 =	sshrl.u32 @!p0 s8, $0x3;
	[dreg:$0x15] =	wrdreg s31;
	s8 =	simm.s32 $0x58  }
0x26: {  	v0 =	vimm.f32 $0.0e+00;
	s23 =	simm.s32 $0x3;
	[dreg:$0x10] =	wrdreg s0;
	s0 =	simm.s32 $0x14280  }
.LBB2_6:
0x27: {  	s6 =	stileid.u32;
	[bflag:$0x0] =	sbarrier.arrive $0xFFFF  }
0x28: {  	s6 =	sshll.u32 s6, $0x6;
	s7 =	rddreg [dreg:$0x8]  }
0x29: {  	s10 =	rddreg [dreg:$0xf];
	s6 =	sor.u32 $0x1C05, s6  }
0x2a: {  	[hbm:s7], [sflag:s6] =	dma.local [spmem:s10], $0x2700  }
0x2b: {  	_ =	swait.ge [sflag:s4], $0x2700  }
0x2c: {  	[sflag:s4] =	ssyncset.done $0x0;
	s7 =	rddreg [dreg:$0x9]  }
0x2d: {  	s10 =	rddreg [dreg:$0x10];
	[sflag:s4] =	ssyncadd.s32 $0xFFFFD900  }
0x2e: {  	[hbm:s7], [sflag:s6] =	dma.local @!p0 [spmem:s10], $0x100  }
0x2f: {  	s6 =	simm.s32 @!p0 $0x5  }
0x30: {  	_ =	swait.ge @!p0 [sflag:s6], $0x100  }
0x31: {  	s28 =	sadd.s32 $0x1, s28;
	s31 =	rddreg [dreg:$0xb]  }
0x32: {  	p1 =	sne.s32 s28, s31  }
.Ltmp1:
0x33: {  	_ = 	snop;
	(pc) =	sbr.rel @!p1 .LBB2_7-.Ltmp1, $3  }
0x34: {  	_ =	sdelay $0x1  }
0x35: {  	[sflag:s6] =	ssyncset.done @!p0 $0x0  }
0x36: {  	[sflag:s6] =	ssyncadd.s32 @!p0 $0xFFFFFF00  }
.LBB2_1:
0x37: {  	s7 =	sand.u32 $0xFE00, s3  }
0x38: {  	s30 =	sand.u32 $0x70, s3;
	s7 =	sshrl.u32 s7, $0x2  }
0x39: {  	s29 =	simm.s32 $0x40;
	s7 =	sor.u32 s30, s7;
	s30 =	simm.s32 $0x0  }
.LBB2_2:
0x3a: {  	p1 =	sne.s32 s29, $0xAFC0  }
0x3b: {  	[tilespmem:s7+$0x14280] =	vst v0;
	s30 =	sadd.s32 $0x10, s30;
	s7 =	smov.u32 s29;
	s29 =	sadd.s32 $0x40, s29  }
.Ltmp2:
0x3c: {  	(pc) =	sbr.rel @p1 .LBB2_2-.Ltmp2, $4  }
0x3d: {  	_ = 	snop  }
0x3e: {  	s7 =	sand.u32 $0xFE00, s7  }
0x3f: {  	s31 =	sand.u32 $0x70, s30;
	s7 =	sshrl.u32 s7, $0x2  }
0x40: {  	s7 =	sor.u32 s31, s7  }
0x41: {  	[tilespmem:s7+$0x14280] =	vst v0;
	s6 =	rddreg [dreg:$0xa]  }
0x42: {  	[spmem:s6] =	stream.linear.scatter [tilespmem:s0], [sflag:$0x5], $0x2800, $0x38;
	[tilespmem:$0x1F280] =	vst v63  }
0x43: {  	_ =	swait.ge [sflag:s4], $0x2800  }
0x44: {  	[sflag:s4] =	ssyncset.done $0x0  }
0x45: {  	s10 =	rddreg [dreg:$0xc];
	[sflag:s4] =	ssyncadd.s32 $0xFFFFD800  }
0x46: {  	[spmem:s10] =	stream.linear.scatter [tilespmem:s0], [sflag:$0x5], $0x2800, $0x38;
	[tilespmem:$0x1F280] =	vst v63  }
0x47: {  	_ =	swait.ge [sflag:s4], $0x2800  }
0x48: {  	[sflag:s4] =	ssyncset.done $0x0  }
0x49: {  	s12 =	rddreg [dreg:$0xd];
	[sflag:s4] =	ssyncadd.s32 $0xFFFFD800  }
0x4a: {  	[spmem:s12] =	stream.linear.scatter [tilespmem:s0], [sflag:$0x5], $0x2800, $0x38;
	[tilespmem:$0x1F280] =	vst v63  }
0x4b: {  	_ =	swait.ge [sflag:s4], $0x2800  }
0x4c: {  	[sflag:s4] =	ssyncset.done $0x0  }
0x4d: {  	s31 =	rddreg [dreg:$0x11];
	[sflag:s4] =	ssyncadd.s32 $0xFFFFD800  }
0x4e: {  	[spmem:s31] =	stream.linear.scatter [tilespmem:s0], [sflag:$0x5], $0x2800, $0x38;
	[tilespmem:$0x1F280] =	vst v63  }
0x4f: {  	_ =	swait.ge [sflag:s4], $0x2800  }
0x50: {  	[sflag:s4] =	ssyncset.done $0x0  }
0x51: {  	s7 =	rddreg [dreg:$0x12];
	[sflag:s4] =	ssyncadd.s32 $0xFFFFD800  }
0x52: {  	[spmem:s7] =	stream.linear.scatter [tilespmem:s0], [sflag:$0x5], $0x2800, $0x38;
	[tilespmem:$0x1F280] =	vst v63  }
0x53: {  	_ =	swait.ge [sflag:s4], $0x2800  }
0x54: {  	[sflag:s4] =	ssyncset.done $0x0  }
0x55: {  	s10 =	rddreg [dreg:$0x13];
	[sflag:s4] =	ssyncadd.s32 $0xFFFFD800  }
0x56: {  	[spmem:s10] =	stream.linear.scatter [tilespmem:s0], [sflag:$0x5], $0x2800, $0x38;
	[tilespmem:$0x1F280] =	vst v63  }
0x57: {  	_ =	swait.ge [sflag:s4], $0x2800  }
0x58: {  	[sflag:s4] =	ssyncset.done $0x0  }
0x59: {  	s12 =	rddreg [dreg:$0x14];
	[sflag:s4] =	ssyncadd.s32 $0xFFFFD800  }
0x5a: {  	[spmem:s12] =	stream.linear.scatter [tilespmem:s0], [sflag:$0x5], $0x2800, $0x38;
	[tilespmem:$0x1F280] =	vst v63  }
0x5b: {  	_ =	swait.ge [sflag:s4], $0x2800  }
0x5c: {  	[sflag:s4] =	ssyncset.done $0x0  }
0x5d: {  	s31 =	rddreg [dreg:$0x15];
	[sflag:s4] =	ssyncadd.s32 $0xFFFFD800  }
0x5e: {  	[spmem:s31] =	stream.linear.scatter [tilespmem:s0], [sflag:$0x5], $0x2800, $0x38;
	[tilespmem:$0x1F280] =	vst v63  }
0x5f: {  	_ =	swait.ge [sflag:s4], $0x2800  }
0x60: {  	[sflag:s4] =	ssyncset.done $0x0  }
0x61: {  	[sflag:s4] =	ssyncadd.s32 $0xFFFFD800  }
0x62: {  	[bflag:$0x0] =	sbarrier.arrive $0xFFFF  }
0x63: {  	s29 =	simm.s32 $0x0;
	s10 =	simm.s32 $0x14000;
	s7 =	rddreg [dreg:$0x4]  }
0x64: {  	[tilespmem:s10], [sflag:$0x5] =	stream.linear.gather [hbm4b:s7+s29], $0x58, $0x38;
	[tilespmem:$0x1F280] =	vst v63  }
0x65: {  	_ =	swait.ge [sflag:s4], $0x58  }
0x66: {  	[sflag:s4] =	ssyncset.done $0x0  }
0x67: {  	[sflag:s4] =	ssyncadd.s32 $0xFFFFFFA8  }
0x68: {  	[tilespmem:s0], [sflag:$0x1] =	stream.indirect.gather [hbm4b:s1+s8], $0x80, s10, s8, $0xb8;
	[tilespmem:$0x1F280] =	vst v63  }
0x69: {  	s31 =	simm.s32 $0x14080;
	s12 =	rddreg [dreg:$0x5]  }
0x6a: {  	[tilespmem:s31], [sflag:$0x5] =	stream.linear.gather [hbm4b:s12+s29], $0x58, $0x38;
	[tilespmem:$0x1F280] =	vst v63  }
0x6b: {  	_ =	swait.ge [sflag:s4], $0x58  }
0x6c: {  	[sflag:s4] =	ssyncset.done $0x0  }
0x6d: {  	[sflag:s4] =	ssyncadd.s32 $0xFFFFFFA8  }
0x6e: {  	[tilespmem:s9], [sflag:$0x2] =	stream.indirect.gather [hbm4b:s1+s8], $0x80, s31, s8, $0xb8;
	[tilespmem:$0x1F280] =	vst v63  }
0x6f: {  	s12 =	simm.s32 $0x14100;
	s10 =	rddreg [dreg:$0x6]  }
0x70: {  	[tilespmem:s12], [sflag:$0x5] =	stream.linear.gather [hbm4b:s10+s29], $0x58, $0x38;
	[tilespmem:$0x1F280] =	vst v63  }
0x71: {  	_ =	swait.ge [sflag:s4], $0x58  }
0x72: {  	[sflag:s4] =	ssyncset.done $0x0  }
0x73: {  	[sflag:s4] =	ssyncadd.s32 $0xFFFFFFA8  }
0x74: {  	[tilespmem:s11], [sflag:$0x3] =	stream.indirect.gather [hbm4b:s1+s8], $0x80, s12, s8, $0xb8;
	[tilespmem:$0x1F280] =	vst v63  }
0x75: {  	s31 =	rddreg [dreg:$0x7]  }
0x76: {  	[tilespmem:s13], [sflag:$0x5] =	stream.linear.gather [hbm4b:s31+s29], $0x58, $0x38;
	[tilespmem:$0x1F280] =	vst v63  }
0x77: {  	_ =	swait.ge [sflag:s4], $0x58  }
0x78: {  	[sflag:s4] =	ssyncset.done $0x0  }
0x79: {  	s30 =	rddreg [dreg:$0xe];
	[sflag:s4] =	ssyncadd.s32 $0xFFFFFFA8  }
0x7a: {  	[tilespmem:s14], [sflag:$0x4] =	stream.indirect.gather [hbm4b:s1+s8], $0x80, s13, s8, $0xb8;
	[tilespmem:$0x1F280] =	vst v63  }
.LBB2_4:
0x7b: {  	_ =	swait.ge [sflag:s15], $0x2C00  }
0x7c: {  	[sflag:s15] =	ssyncset.done $0x0  }
0x7d: {  	s7 =	sadd.s32 s29, s19;
	[sflag:s15] =	ssyncadd.s32 $0xFFFFD400  }
0x7e: {  	[tilespmem:s24], [sflag:$0x5] =	stream.linear.gather [hbm4b:s7+s3], $0x58, $0x38;
	[tilespmem:$0x1F280] =	vst v63  }
0x7f: {  	_ =	swait.ge [sflag:s4], $0x58  }
0x80: {  	[sflag:s4] =	ssyncset.done $0x0  }
0x81: {  	[sflag:s4] =	ssyncadd.s32 $0xFFFFFFA8  }
0x82: {  	[spmem:s2] =	stream.indirect.scatter.add.f32 [tilespmem:s0], [sflag:$0x5], $0x80, s24, s8, $0xb8;
	[tilespmem:$0x1F280] =	vst v63  }
0x83: {  	p1 =	seq.s32 s29, $0x4D0;
	_ =	swait.ge [sflag:s4], $0x2C00  }
0x84: {  	s31 =	simm.s32 @!p1 $0x0;
	s7 =	sshrl.u32 @!p1 s30, $0x3;
	[sflag:s4] =	ssyncset.done $0x0  }
0x85: {  	s6 =	simm.s32 @!p1 $0x14000;
	s7 =	sadd.s32 @!p1 s5, s7;
	[sflag:s4] =	ssyncadd.s32 $0xFFFFD400  }
0x86: {  	[tilespmem:s6], [sflag:$0x5] =	stream.linear.gather @!p1 [hbm4b:s7+s31], $0x58, $0x38;
	[tilespmem:$0x1F280] =	vst v63  }
0x87: {  	s7 =	simm.s32 @!p1 $0x5  }
0x88: {  	_ =	swait.ge @!p1 [sflag:s7], $0x58  }
0x89: {  	[sflag:s7] =	ssyncset.done @!p1 $0x0  }
0x8a: {  	s10 =	simm.s32 @!p1 $0x58;
	s12 =	simm.s32 @!p1 $0x14280;
	[sflag:s7] =	ssyncadd.s32 @!p1 $0xFFFFFFA8  }
0x8b: {  	[tilespmem:s12], [sflag:$0x1] =	stream.indirect.gather @!p1 [hbm4b:s1+s10], $0x80, s6, s10, $0xb8;
	[tilespmem:$0x1F280] =	vst v63  }
0x8c: {  	_ =	swait.ge [sflag:s25], $0x2C00  }
0x8d: {  	[sflag:s25] =	ssyncset.done $0x0  }
0x8e: {  	s12 =	sadd.s32 s29, s18;
	[sflag:s25] =	ssyncadd.s32 $0xFFFFD400  }
0x8f: {  	[tilespmem:s24], [sflag:$0x5] =	stream.linear.gather [hbm4b:s12+s3], $0x58, $0x38;
	[tilespmem:$0x1F280] =	vst v63  }
0x90: {  	_ =	swait.ge [sflag:s4], $0x58  }
0x91: {  	[sflag:s4] =	ssyncset.done $0x0  }
0x92: {  	[sflag:s4] =	ssyncadd.s32 $0xFFFFFFA8  }
0x93: {  	[spmem:s2] =	stream.indirect.scatter.add.f32 [tilespmem:s9], [sflag:$0x5], $0x80, s24, s8, $0xb8;
	[tilespmem:$0x1F280] =	vst v63  }
0x94: {  	_ =	swait.ge [sflag:s4], $0x2C00  }
0x95: {  	[sflag:s4] =	ssyncset.done $0x0  }
0x96: {  	s6 =	sadd.s32 @!p1 s29, s22;
	s12 =	simm.s32 @!p1 $0x14080;
	[sflag:s4] =	ssyncadd.s32 $0xFFFFD400  }
0x97: {  	[tilespmem:s12], [sflag:$0x5] =	stream.linear.gather @!p1 [hbm4b:s6+s31], $0x58, $0x38;
	[tilespmem:$0x1F280] =	vst v63  }
0x98: {  	_ =	swait.ge @!p1 [sflag:s7], $0x58  }
0x99: {  	[sflag:s7] =	ssyncset.done @!p1 $0x0  }
0x9a: {  	s6 =	simm.s32 @!p1 $0x16E80;
	[sflag:s7] =	ssyncadd.s32 @!p1 $0xFFFFFFA8  }
0x9b: {  	[tilespmem:s6], [sflag:$0x2] =	stream.indirect.gather @!p1 [hbm4b:s1+s10], $0x80, s12, s10, $0xb8;
	[tilespmem:$0x1F280] =	vst v63  }
0x9c: {  	_ =	swait.ge [sflag:s23], $0x2C00  }
0x9d: {  	[sflag:s23] =	ssyncset.done $0x0  }
0x9e: {  	s12 =	sadd.s32 s29, s17;
	[sflag:s23] =	ssyncadd.s32 $0xFFFFD400  }
0x9f: {  	[tilespmem:s24], [sflag:$0x5] =	stream.linear.gather [hbm4b:s12+s3], $0x58, $0x38;
	[tilespmem:$0x1F280] =	vst v63  }
0xa0: {  	_ =	swait.ge [sflag:s4], $0x58  }
0xa1: {  	[sflag:s4] =	ssyncset.done $0x0  }
0xa2: {  	[sflag:s4] =	ssyncadd.s32 $0xFFFFFFA8  }
0xa3: {  	[spmem:s2] =	stream.indirect.scatter.add.f32 [tilespmem:s11], [sflag:$0x5], $0x80, s24, s8, $0xb8;
	[tilespmem:$0x1F280] =	vst v63  }
0xa4: {  	_ =	swait.ge [sflag:s4], $0x2C00  }
0xa5: {  	[sflag:s4] =	ssyncset.done $0x0  }
0xa6: {  	s6 =	sadd.s32 @!p1 s29, s21;
	s12 =	simm.s32 @!p1 $0x14100;
	[sflag:s4] =	ssyncadd.s32 $0xFFFFD400  }
0xa7: {  	[tilespmem:s12], [sflag:$0x5] =	stream.linear.gather @!p1 [hbm4b:s6+s31], $0x58, $0x38;
	[tilespmem:$0x1F280] =	vst v63  }
0xa8: {  	_ =	swait.ge @!p1 [sflag:s7], $0x58  }
0xa9: {  	[sflag:s7] =	ssyncset.done @!p1 $0x0  }
0xaa: {  	s6 =	simm.s32 @!p1 $0x19A80;
	[sflag:s7] =	ssyncadd.s32 @!p1 $0xFFFFFFA8  }
0xab: {  	[tilespmem:s6], [sflag:$0x3] =	stream.indirect.gather @!p1 [hbm4b:s1+s10], $0x80, s12, s10, $0xb8;
	[tilespmem:$0x1F280] =	vst v63  }
0xac: {  	_ =	swait.ge [sflag:s26], $0x2C00  }
0xad: {  	[sflag:s26] =	ssyncset.done $0x0  }
0xae: {  	s31 =	sadd.s32 s29, s16;
	[sflag:s26] =	ssyncadd.s32 $0xFFFFD400  }
0xaf: {  	[tilespmem:s24], [sflag:$0x5] =	stream.linear.gather [hbm4b:s31+s3], $0x58, $0x38;
	[tilespmem:$0x1F280] =	vst v63  }
0xb0: {  	_ =	swait.ge [sflag:s4], $0x58  }
0xb1: {  	[sflag:s4] =	ssyncset.done $0x0  }
.Ltmp3:
0xb2: {  	[sflag:s4] =	ssyncadd.s32 $0xFFFFFFA8;
	(pc) =	sbr.rel @p1 .LBB2_6-.Ltmp3, $4  }
0xb3: {  	[spmem:s2] =	stream.indirect.scatter.add.f32 [tilespmem:s14], [sflag:$0x5], $0x80, s24, s8, $0xb8;
	[tilespmem:$0x1F280] =	vst v63  }
0xb4: {  	_ =	swait.ge [sflag:s4], $0x2C00  }
0xb5: {  	[sflag:s4] =	ssyncset.done $0x0  }
0xb6: {  	[sflag:s4] =	ssyncadd.s32 $0xFFFFD400  }
0xb7: {  	s6 =	sadd.s32 s29, s20  }
0xb8: {  	[tilespmem:s13], [sflag:$0x5] =	stream.linear.gather [hbm4b:s6+s3], $0x58, $0x38;
	[tilespmem:$0x1F280] =	vst v63  }
.Ltmp4:
0xb9: {  	_ = 	snop;
	(pc) =	sbr.rel .LBB2_4-.Ltmp4, $4  }
0xba: {  	_ =	swait.ge [sflag:s4], $0x58  }
0xbb: {  	[sflag:s4] =	ssyncset.done $0x0  }
0xbc: {  	s29 =	sadd.s32 $0x2C, s29;
	s30 =	sadd.s32 $0x160, s30;
	[sflag:s4] =	ssyncadd.s32 $0xFFFFFFA8  }
0xbd: {  	[tilespmem:s14], [sflag:$0x4] =	stream.indirect.gather [hbm4b:s1+s8], $0x80, s13, s8, $0xb8;
	[tilespmem:$0x1F280] =	vst v63  }
.LBB2_7:
0xbe: {  	_ =	sfence.sel $0x180000  }
0xbf: {  	[bflag:$0x0] =	sbarrier.arrive $0xFFFF  }
0xc0: {  	_ =	strace $0x9000004D  }
0xc1: {  	[bflag:$0x2] =	sbarrier.arrive $0xFFFF  }
0xc2: {  	s0 =	rddreg [dreg:$0x3]  }
0xc3: {  	s0 =	sadd.s32 @!p0 $0x100000, s0  }
0xc4: {  	[sflag:s0] =	ssyncadd.tile.s32 @!p0 $0x1;
	_ =	shalt  }
.Lfunc_end2:
_tile_overlayer_lowered:
.L_overlay_start_2:
0xc5: {  	(tag) =	ssettag $0x2  }
0xc6: {  	s0 =	rddreg [dreg:$0x0];
	s2 =	stileid.u32  }
0xc7: {  	s1 =	rddreg [dreg:$0x1];
	p0 =	sne.s32 s2, $0x0  }
0xc8: {  	s3 =	rddreg [dreg:$0x2];
	[bflag:$0x3] =	sbarrier.arrive $0xFFFF;
	s2 =	simm.s32 @!p0 $0x1C05  }
0xc9: {  	[timem:s3], [sflag:s2] =	dma.local @!p0 [hbm:s0], s1  }
0xca: {  	s0 =	simm.s32 @!p0 $0x5  }
0xcb: {  	_ =	swait.ge @!p0 [sflag:s0], s1  }
0xcc: {  	s1 =	ssub.s32 @!p0 $0x0, s1;
	[sflag:s0] =	ssyncset.done @!p0 $0x0  }
0xcd: {  	[sflag:s0] =	ssyncadd.s32 @!p0 s1  }
0xce: {  	[bflag:$0x3] =	sbarrier.arrive $0xFFFF  }
0xcf: {  	_ =	shalt  }

// kernel: kernel.9.cloned.1.call-start
scs
__scs_entry_jumppad:
0x0: {  	(pc) =	sbr.rel $0x88, $3  }
0x1: {  	(tag) =	ssettag $0x0;
	lr =	simm.s32 $0x1  }
0x2: {  	[smem:$0x3F95] =	sst lr;
	_ =	strace $0xD0000000  }
0x3: {  	_ = 	snop  }
0x4: {  	_ = 	snop  }
0x5: {  	_ = 	snop  }
0x6: {  	_ = 	snop  }
0x7: {  	_ = 	snop  }
__scs_overlays_trampoline_lowered:
0x8: {  	[smem:$0x3FA4] =	sst s0  }
0x9: {  	[smem:$0x3FA5] =	sst s1  }
0xa: {  	[smem:$0x3FA6] =	sst s2  }
0xb: {  	[smem:$0x3FA7] =	sst s3  }
0xc: {  	[smem:$0x3FA8] =	sst s4  }
0xd: {  	[smem:$0x3FA9] =	sst s5  }
0xe: {  	[smem:$0x3FAA] =	sst s6  }
0xf: {  	[smem:$0x3FAB] =	sst s7  }
0x10: {  	[smem:$0x3FAC] =	sst s8  }
0x11: {  	[smem:$0x3FAD] =	sst s9;
	s0 =	simm.s32 @!p0 $0x0  }
0x12: {  	s1 =	sld [smem:$0x3F93];
	s0 =	simm.s32 @p0 $0x1  }
0x13: {  	[smem:$0x3FAE] =	sst s0;
	s0 =	simm.s32 @!p1 $0x0  }
0x14: {  	s2 =	sld [smem:$0x3F92];
	s0 =	simm.s32 @p1 $0x1  }
0x15: {  	[smem:$0x3FAF] =	sst s0;
	s0 =	simm.s32 @!p2 $0x0  }
0x16: {  	s3 =	sld [smem:$0x3FDB];
	s0 =	simm.s32 @p2 $0x1  }
0x17: {  	s4 =	simm.s32 $0x1BF5;
	[smem:$0x3FB1] =	sst s0  }
0x18: {  	s0 =	sld [smem:$0x3F94];
	_ =	swait.ge [sflag:s4], $0x0  }
0x19: {  	s7 =	sld [smem:$0x3F95]  }
0x1a: {  	s8 =	sadd.s32 $0xFFFFE003, lr  }
0x1b: {  	s9 =	sadd.s32 $0xFFFFFEF7, lr;
	s5 =	simm.s32 $0xFFFFFFFF;
	p2 =	slt.u32 s8, $0xFFFFF086  }
0x1c: {  	p1 =	slt.u32 s9, $0xF7A;
	s5 =	simm.s32 @!p2 $0x0  }
0x1d: {  	s5 =	simm.s32 @p1 $0x1;
	p0 =	seq.s32 s7, s2  }
0x1e: {  	s7 =	smul.u32 @!p0 $0xF7A, s2;
	p2 =	seq.s32 @!p0 s5, $0x0  }
0x1f: {  	s9 =	smul.u32 $0xF7A, s1;
	s8 =	simm.s32 @!p0 $0x1BF5;
	p2 =	por !p2, p0  }
0x20: {  	[sflag:s8] =	ssyncset.s32 @!p0 $0xFFFFF086;
	s6 =	sadd.s32 @!p0 s3, s7;
	s7 =	simm.s32 @!p0 $0x108  }
0x21: {  	s3 =	sadd.s32 s3, s9;
	s6 =	sadd.s32 @!p0 $0x88, s6;
	s7 =	simm.s32 @p2 $0x1082  }
0x22: {  	[simem:s7], [sflag:s8] =	dma.local @!p0 [hbm:s6], $0xF7A  }
0x23: {  	s9 =	sor.u32 $0xD0000000, s2;
	s6 =	simm.s32 $0x108;
	_ =	swait.ge @!p0 [sflag:s8], $0x0  }
0x24: {  	s3 =	sadd.s32 $0x88, s3;
	s6 =	simm.s32 @!p1 $0x1082;
	[sflag:s4] =	ssyncset.s32 $0xFFFFF086  }
0x25: {  	[simem:s6], [sflag:s4] =	dma.local [hbm:s3], $0xF7A  }
0x26: {  	[smem:$0x3F95] =	sst s1;
	(tag) =	ssettag s2;
	_ =	strace s9  }
0x27: {  	s1 =	sld [smem:$0x3FA5]  }
0x28: {  	s2 =	sld [smem:$0x3FA6]  }
0x29: {  	s4 =	sld [smem:$0x3FA8]  }
0x2a: {  	p0 =	seq.s32 s5, $0x0;
	s5 =	sld [smem:$0x3FA9]  }
0x2b: {  	s6 =	sld [smem:$0x3FAA]  }
0x2c: {  	s7 =	sld [smem:$0x3FAB]  }
0x2d: {  	s3 =	simm.s32 $0x108;
	s8 =	sld [smem:$0x3FAC]  }
0x2e: {  	s3 =	simm.s32 @!p0 $0x1082;
	s9 =	sld [smem:$0x3FAD]  }
0x2f: {  	lr =	sadd.s32 s0, s3;
	s0 =	sld [smem:$0x3FA4]  }
0x30: {  	s3 =	sld [smem:$0x3FA7]  }
0x31: {  	[smem:$0x3FB0] =	sst s10  }
0x32: {  	s10 =	sld [smem:$0x3FAE];
	_ =	sdelay $0x3  }
0x33: {  	p0 =	seq.s32 s10, $0x1;
	s10 =	sld [smem:$0x3FB0];
	_ =	sdelay $0x3  }
0x34: {  	[smem:$0x3FB0] =	sst s10  }
0x35: {  	s10 =	sld [smem:$0x3FAF];
	_ =	sdelay $0x3  }
0x36: {  	p1 =	seq.s32 s10, $0x1;
	s10 =	sld [smem:$0x3FB0];
	_ =	sdelay $0x3  }
0x37: {  	[smem:$0x3FB0] =	sst s10  }
0x38: {  	s10 =	sld [smem:$0x3FB1]  }
0x39: {  	_ = 	snop;
	(pc) =	sbr.ind lr, $3  }
0x3a: {  	_ = 	snop  }
0x3b: {  	_ = 	snop  }
0x3c: {  	p2 =	seq.s32 s10, $0x1;
	s10 =	sld [smem:$0x3FB0]  }
0x3d: {  	_ =	shalt  }
0x3e: {  	_ =	shalt  }
0x3f: {  	_ =	shalt  }
0x40: {  	_ =	shalt  }
0x41: {  	_ =	shalt  }
0x42: {  	_ =	shalt  }
0x43: {  	_ =	shalt  }
0x44: {  	_ =	shalt  }
0x45: {  	_ =	shalt  }
0x46: {  	_ =	shalt  }
0x47: {  	_ =	shalt  }
0x48: {  	_ =	shalt  }
0x49: {  	_ =	shalt  }
0x4a: {  	_ =	shalt  }
0x4b: {  	_ =	shalt  }
0x4c: {  	_ =	shalt  }
0x4d: {  	_ =	shalt  }
0x4e: {  	_ =	shalt  }
0x4f: {  	_ =	shalt  }
0x50: {  	_ =	shalt  }
0x51: {  	_ =	shalt  }
0x52: {  	_ =	shalt  }
0x53: {  	_ =	shalt  }
0x54: {  	_ =	shalt  }
0x55: {  	_ =	shalt  }
0x56: {  	_ =	shalt  }
0x57: {  	_ =	shalt  }
0x58: {  	_ =	shalt  }
0x59: {  	_ =	shalt  }
0x5a: {  	_ =	shalt  }
0x5b: {  	_ =	shalt  }
0x5c: {  	_ =	shalt  }
0x5d: {  	_ =	shalt  }
0x5e: {  	_ =	shalt  }
0x5f: {  	_ =	shalt  }
0x60: {  	_ =	shalt  }
0x61: {  	_ =	shalt  }
0x62: {  	_ =	shalt  }
0x63: {  	_ =	shalt  }
0x64: {  	_ =	shalt  }
0x65: {  	_ =	shalt  }
0x66: {  	_ =	shalt  }
0x67: {  	_ =	shalt  }
0x68: {  	_ =	shalt  }
0x69: {  	_ =	shalt  }
0x6a: {  	_ =	shalt  }
0x6b: {  	_ =	shalt  }
0x6c: {  	_ =	shalt  }
0x6d: {  	_ =	shalt  }
0x6e: {  	_ =	shalt  }
0x6f: {  	_ =	shalt  }
0x70: {  	_ =	shalt  }
0x71: {  	_ =	shalt  }
0x72: {  	_ =	shalt  }
0x73: {  	_ =	shalt  }
0x74: {  	_ =	shalt  }
0x75: {  	_ =	shalt  }
0x76: {  	_ =	shalt  }
0x77: {  	_ =	shalt  }
0x78: {  	_ =	shalt  }
0x79: {  	_ =	shalt  }
0x7a: {  	_ =	shalt  }
0x7b: {  	_ =	shalt  }
0x7c: {  	_ =	shalt  }
0x7d: {  	_ =	shalt  }
0x7e: {  	_ =	shalt  }
0x7f: {  	_ =	shalt  }
0x80: {  	_ =	shalt  }
0x81: {  	_ =	shalt  }
0x82: {  	_ =	shalt  }
0x83: {  	_ =	shalt  }
0x84: {  	_ =	shalt  }
0x85: {  	_ =	shalt  }
0x86: {  	_ =	shalt  }
0x87: {  	_ =	shalt  }
.Lfunc_end0:
.L_simem_size_0:
called_computation_lowered:
.L_overlay_start_0:
0x88: {  	s2 =	sld [smem:$0x3FD9]  }
0x89: {  	s3 =	sld [smem:$0x3FFE];
	_ =	sdelay $0x1  }
0x8a: {  	s1 =	srdreg.scid  }
0x8b: {  	s0 =	sand.u32 $0x1, s1  }
0x8c: {  	s17 =	sshll.u32 s0, $0xA;
	s2 =	sadd.s32 s3, s2  }
0x8d: {  	s2 =	sadd.s32 s2, s17  }
0x8e: {  	[smem:$0x3FBC] =	sst s2  }
0x8f: {  	_ = 	snop  }
0x90: {  	s2 =	sld [smem:$0x3FD0];
	(tm) =	ssettm $0x1  }
0x91: {  	s18 =	sld [smem:$0x3FFB];
	_ =	sdelay $0x3  }
0x92: {  	_ =	strace s18  }
0x93: {  	s3 =	sld [smem:$0x3FFC];
	_ =	sdelay $0x3  }
0x94: {  	_ =	strace s3  }
0x95: {  	s3 =	sld [smem:$0x3FFD];
	_ =	sdelay $0x3  }
0x96: {  	_ =	strace s3  }
0x97: {  	_ =	strace $0x8FFFFFFF  }
0x98: {  	s19 =	sld [smem:$0x3FDB];
	_ =	sdelay $0x1  }
0x99: {  	s4 =	simm.s32 $_scs_section_size  }
0x9a: {  	s5 =	simm.s32 $_size__tile_overlayer_lowered;
	s6 =	simm.s32 $_tile_overlayer_lowered  }
0x9b: {  	s22 =	simm.s32 $0x1BFF;
	s21 =	sshll.u32 s6, $0x1;
	s3 =	sadd.s32 s4, s19  }
0x9c: {  	s7 =	simm.s32 $0x0;
	s20 =	sshll.u32 s5, $0x1;
	s5 =	sadd.s32 s21, s3  }
0x9d: {  	[timem:s7], [sflag:s22] =	dma.local [hbm:s5], s20  }
0x9e: {  	_ =	swait.ge [sflag:s22], s20  }
0x9f: {  	s4 =	ssub.s32 $0x0, s20;
	[sflag:s22] =	ssyncset.done $0x0  }
0xa0: {  	[sflag:s22] =	ssyncadd.s32 s4;
	_ =	sdelay $0x1  }
0xa1: {  	s23 =	simm.s32 $0x1B8B  }
0xa2: {  	_ =	swait.ge [sflag:s23], $0x1  }
0xa3: {  	[sflag:s23] =	ssyncset.done $0x0  }
0xa4: {  	s25 =	simm.s32 $0x1B8E;
	s24 =	sld [smem:$0x3FFE];
	[sflag:s23] =	ssyncadd.s32 $0xFFFFFFFF  }
0xa5: {  	s26 =	simm.s32 $execute0_lowered;
	[smem:$0x3FD2] =	sst s25  }
0xa6: {  	s5 =	sshll.u32 s26, $0x1;
	_ =	strace $0x80000046;
	[dreg:$0x1] =	wrdreg $0xFFFFFFFF  }
0xa7: {  	s28 =	simm.s32 $_size_execute0_lowered;
	s3 =	sadd.s32 s3, s5;
	[dreg:$0x0] =	wrdreg $0x0  }
0xa8: {  	s5 =	sshll.u32 s28, $0x1;
	[dreg:$0x2] =	wrdreg s3  }
0xa9: {  	[dreg:$0x3] =	wrdreg s5  }
0xaa: {  	[dreg:$0x4] =	wrdreg $0xC0  }
0xab: {  	_ =	task [dreg:s7], $0x5FFFF  }
0xac: {  	[dreg:$0x1] =	wrdreg $0xFFFFFFFF  }
0xad: {  	[dreg:$0x0] =	wrdreg $0x60  }
0xae: {  	[dreg:$0x2] =	wrdreg s2  }
0xaf: {  	[dreg:$0x3] =	wrdreg s24  }
0xb0: {  	[dreg:$0x4] =	wrdreg $0x0  }
0xb1: {  	[dreg:$0x5] =	wrdreg $0x9  }
0xb2: {  	_ =	task.clear_ibuf [dreg:s7], $0x6FFFF;
	_ =	strace $0x90000046  }
0xb3: {  	s29 =	simm.s32 $0x9;
	_ =	strace $0x80000048  }
0xb4: {  	_ =	swait.ge [sflag:s29], $0x1  }
0xb5: {  	[sflag:s29] =	ssyncadd.s32 $0xFFFFFFFF  }
0xb6: {  	_ =	strace $0x90000048  }
0xb7: {  	_ =	sfence  }
0xb8: {  	s30 =	sld [smem:$0x0];
	_ =	sdelay $0x2  }
0xb9: {  	s31 =	sshll.u32 s1, $0xD;
	s1 =	sshrl.u32 s1, $0x2  }
0xba: {  	s3 =	sand.u32 $0x4000, s31;
	s1 =	sadd.s32 s1, s30  }
0xbb: {  	s0 =	sor.u32 s3, s0;
	s1 =	sshll.u32 s1, $0x11  }
0xbc: {  	s0 =	sor.u32 s1, s0  }
0xbd: {  	s0 =	sadd.s32 $0x8F2B, s0  }
0xbe: {  	[sflag:s0] =	ssyncadd.remote.s32 $0x1  }
0xbf: {  	_ =	sfence.sel $0xFFFF  }
0xc0: {  	[dreg:$0x0] =	wrdreg $0xFFFFFFFF;
	(pc) =	sbr.abs _section_cstart, $3  }
0xc1: {  	[dreg:$0x1] =	wrdreg $0xFFFFFFFF  }
0xc2: {  	_ =	task.clear_ibuf [dreg:s7], $0x2FFFF;
	_ =	strace $0x9FFFFFFF  }
0xc3: {  	(tm) =	ssettm $0x7FFFFFFF  }
tec
execute0_lowered:
.L_overlay_start_1:
0x0: {  	(tag) =	ssettag $0x1  }
0x1: {  	s1 =	rddreg [dreg:$0x0]  }
0x2: {  	s0 =	rddreg [dreg:$0x1]  }
0x3: {  	s2 =	rddreg [dreg:$0x2];
	s12 =	stileid.u32  }
0x4: {  	s4 =	srdreg.scid;
	s3 =	simm.s32 $0x0;
	s20 =	smul.u32 $0x13800, s12  }
0x5: {  	s28 =	simm.s32 $0x0;
	s4 =	sand.u32 $0x1, s4;
	s23 =	smul.u32 $0x4E000, s12  }
0x6: {  	[smem:$0x7FF] =	sst s3;
	s9 =	sadd.s32 $0x2600, s0;
	s25 =	smul.u32 $0x50000, s12  }
0x7: {  	s29 =	smul.u32 $0x27E0, s12;
	p0 =	sne.s32 s12, $0x0;
	s5 =	sshll.u32 s4, $0x4  }
0x8: {  	_ =	strace $0x80000047;
	s6 =	ssub.s32 $0x2, s4;
	s11 =	smul.u32 $0x138800, s4  }
0x9: {  	s4 =	smul.u32 $0x27E00, s4;
	s7 =	sor.u32 s12, s5;
	s5 =	sadd.s32 $0xC600, s0  }
0xa: {  	s8 =	sshrl.u32 s6, $0x1;
	s0 =	sadd.s32 $0x16600, s0;
	s30 =	sshrl.u32 s25, $0x2  }
0xb: {  	s7 =	smul.u32 $0x27E0, s7;
	s6 =	ssub.s32 s6, s8;
	s22 =	sadd.s32 s20, s11  }
0xc: {  	s26 =	sshrl.u32 s11, $0x3;
	s31 =	sadd.s32 s29, s4;
	s11 =	simm.s32 $0x19A80  }
0xd: {  	s24 =	sshrl.u32 s22, $0x3;
	s14 =	smax.u32 s6, $0x1;
	s16 =	sadd.s32 $0x108, s31  }
0xe: {  	s20 =	sadd.s32 $0x58, s31;
	s22 =	sadd.s32 $0x1B8, s31;
	s18 =	sshrl.u32 s7, $0x3  }
0xf: {  	s10 =	sadd.s32 $0x58, s7;
	s7 =	sadd.s32 $0x108, s7;
	[dreg:$0xb] =	wrdreg s14  }
0x10: {  	s4 =	sshrl.u32 s16, $0x3;
	s14 =	simm.s32 $0x1C680;
	s13 =	sadd.s32 s5, s18  }
0x11: {  	s19 =	sshrl.u32 s10, $0x3;
	s7 =	sshrl.u32 s7, $0x3;
	s10 =	sshrl.u32 s23, $0x2  }
0x12: {  	s18 =	sadd.s32 $0xB0, s31;
	s16 =	sadd.s32 s4, s9;
	s8 =	sadd.s32 s5, s19  }
0x13: {  	[dreg:$0x4] =	wrdreg s13;
	s21 =	sadd.s32 $0x16, s13;
	s7 =	sadd.s32 s5, s7  }
0x14: {  	s10 =	sadd.s32 s10, s2;
	s13 =	sadd.s32 s30, s2;
	[dreg:$0x5] =	wrdreg s8  }
0x15: {  	s19 =	sadd.s32 $0x268, s31;
	s6 =	sshrl.u32 s18, $0x3;
	[dreg:$0x6] =	wrdreg s21  }
0x16: {  	[dreg:$0x7] =	wrdreg s7;
	s7 =	sadd.s32 s0, s24;
	s0 =	sadd.s32 s0, s26  }
0x17: {  	s8 =	sadd.s32 $0x138000, s2;
	s15 =	sadd.s32 $0x2800, s13;
	[dreg:$0xa] =	wrdreg s13  }
0x18: {  	s17 =	sadd.s32 $0x5000, s13;
	s4 =	sshrl.u32 s19, $0x3;
	[dreg:$0x8] =	wrdreg s7  }
0x19: {  	s21 =	sshrl.u32 s31, $0x3;
	s24 =	sshrl.u32 s10, $0x3;
	[dreg:$0xc] =	wrdreg s15  }
0x1a: {  	s25 =	sadd.s32 $0x7800, s13;
	s26 =	sadd.s32 $0xA000, s13;
	[dreg:$0xd] =	wrdreg s17  }
0x1b: {  	s29 =	sadd.s32 $0xC800, s13;
	s30 =	sadd.s32 $0xF000, s13;
	[dreg:$0xf] =	wrdreg s24  }
0x1c: {  	s0 =	sadd.s32 $0x27000, s0;
	s17 =	sadd.s32 s6, s9;
	[dreg:$0x11] =	wrdreg s25  }
0x1d: {  	s7 =	sadd.s32 $0x210, s31;
	s6 =	sshrl.u32 s20, $0x3;
	[dreg:$0x12] =	wrdreg s26  }
0x1e: {  	s19 =	sadd.s32 s21, s9;
	s20 =	sadd.s32 s4, s5;
	[dreg:$0x13] =	wrdreg s29  }
0x1f: {  	[dreg:$0x14] =	wrdreg s30;
	s4 =	simm.s32 $0x5;
	s15 =	simm.s32 $0x1  }
0x20: {  	s24 =	simm.s32 $0x14200;
	s25 =	simm.s32 $0x2;
	s26 =	simm.s32 $0x4  }
0x21: {  	[dreg:$0x9] =	wrdreg s0;
	s18 =	sadd.s32 s6, s9;
	s23 =	sshrl.u32 s7, $0x3  }
.Ltmp0:
0x22: {  	s6 =	sshrl.u32 s22, $0x3;
	s0 =	sadd.s32 $0x160, s31;
	(pc) =	sbr.rel .LBB2_1-.Ltmp0, $4  }
0x23: {  	s31 =	sadd.s32 $0x11800, s13;
	s9 =	simm.s32 $0x16E80;
	s13 =	simm.s32 $0x14180  }
0x24: {  	s21 =	sadd.s32 s23, s5;
	s22 =	sadd.s32 s6, s5;
	[dreg:$0xe] =	wrdreg s0  }
0x25: {  	s0 =	sshrl.u32 @!p0 s8, $0x3;
	[dreg:$0x15] =	wrdreg s31;
	s8 =	simm.s32 $0x58  }
0x26: {  	v0 =	vimm.f32 $0.0e+00;
	s23 =	simm.s32 $0x3;
	[dreg:$0x10] =	wrdreg s0;
	s0 =	simm.s32 $0x14280  }
.LBB2_6:
0x27: {  	s6 =	stileid.u32;
	[bflag:$0x0] =	sbarrier.arrive $0xFFFF  }
0x28: {  	s6 =	sshll.u32 s6, $0x6;
	s7 =	rddreg [dreg:$0x8]  }
0x29: {  	s10 =	rddreg [dreg:$0xf];
	s6 =	sor.u32 $0x1C05, s6  }
0x2a: {  	[hbm:s7], [sflag:s6] =	dma.local [spmem:s10], $0x2700  }
0x2b: {  	_ =	swait.ge [sflag:s4], $0x2700  }
0x2c: {  	[sflag:s4] =	ssyncset.done $0x0;
	s7 =	rddreg [dreg:$0x9]  }
0x2d: {  	s10 =	rddreg [dreg:$0x10];
	[sflag:s4] =	ssyncadd.s32 $0xFFFFD900  }
0x2e: {  	[hbm:s7], [sflag:s6] =	dma.local @!p0 [spmem:s10], $0x100  }
0x2f: {  	s6 =	simm.s32 @!p0 $0x5  }
0x30: {  	_ =	swait.ge @!p0 [sflag:s6], $0x100  }
0x31: {  	s28 =	sadd.s32 $0x1, s28;
	s31 =	rddreg [dreg:$0xb]  }
0x32: {  	p1 =	sne.s32 s28, s31  }
.Ltmp1:
0x33: {  	_ = 	snop;
	(pc) =	sbr.rel @!p1 .LBB2_7-.Ltmp1, $3  }
0x34: {  	_ =	sdelay $0x1  }
0x35: {  	[sflag:s6] =	ssyncset.done @!p0 $0x0  }
0x36: {  	[sflag:s6] =	ssyncadd.s32 @!p0 $0xFFFFFF00  }
.LBB2_1:
0x37: {  	s7 =	sand.u32 $0xFE00, s3  }
0x38: {  	s30 =	sand.u32 $0x70, s3;
	s7 =	sshrl.u32 s7, $0x2  }
0x39: {  	s29 =	simm.s32 $0x40;
	s7 =	sor.u32 s30, s7;
	s30 =	simm.s32 $0x0  }
.LBB2_2:
0x3a: {  	p1 =	sne.s32 s29, $0xAFC0  }
0x3b: {  	[tilespmem:s7+$0x14280] =	vst v0;
	s30 =	sadd.s32 $0x10, s30;
	s7 =	smov.u32 s29;
	s29 =	sadd.s32 $0x40, s29  }
.Ltmp2:
0x3c: {  	(pc) =	sbr.rel @p1 .LBB2_2-.Ltmp2, $4  }
0x3d: {  	_ = 	snop  }
0x3e: {  	s7 =	sand.u32 $0xFE00, s7  }
0x3f: {  	s31 =	sand.u32 $0x70, s30;
	s7 =	sshrl.u32 s7, $0x2  }
0x40: {  	s7 =	sor.u32 s31, s7  }
0x41: {  	[tilespmem:s7+$0x14280] =	vst v0;
	s6 =	rddreg [dreg:$0xa]  }
0x42: {  	[spmem:s6] =	stream.linear.scatter [tilespmem:s0], [sflag:$0x5], $0x2800, $0x38;
	[tilespmem:$0x1F280] =	vst v63  }
0x43: {  	_ =	swait.ge [sflag:s4], $0x2800  }
0x44: {  	[sflag:s4] =	ssyncset.done $0x0  }
0x45: {  	s10 =	rddreg [dreg:$0xc];
	[sflag:s4] =	ssyncadd.s32 $0xFFFFD800  }
0x46: {  	[spmem:s10] =	stream.linear.scatter [tilespmem:s0], [sflag:$0x5], $0x2800, $0x38;
	[tilespmem:$0x1F280] =	vst v63  }
0x47: {  	_ =	swait.ge [sflag:s4], $0x2800  }
0x48: {  	[sflag:s4] =	ssyncset.done $0x0  }
0x49: {  	s12 =	rddreg [dreg:$0xd];
	[sflag:s4] =	ssyncadd.s32 $0xFFFFD800  }
0x4a: {  	[spmem:s12] =	stream.linear.scatter [tilespmem:s0], [sflag:$0x5], $0x2800, $0x38;
	[tilespmem:$0x1F280] =	vst v63  }
0x4b: {  	_ =	swait.ge [sflag:s4], $0x2800  }
0x4c: {  	[sflag:s4] =	ssyncset.done $0x0  }
0x4d: {  	s31 =	rddreg [dreg:$0x11];
	[sflag:s4] =	ssyncadd.s32 $0xFFFFD800  }
0x4e: {  	[spmem:s31] =	stream.linear.scatter [tilespmem:s0], [sflag:$0x5], $0x2800, $0x38;
	[tilespmem:$0x1F280] =	vst v63  }
0x4f: {  	_ =	swait.ge [sflag:s4], $0x2800  }
0x50: {  	[sflag:s4] =	ssyncset.done $0x0  }
0x51: {  	s7 =	rddreg [dreg:$0x12];
	[sflag:s4] =	ssyncadd.s32 $0xFFFFD800  }
0x52: {  	[spmem:s7] =	stream.linear.scatter [tilespmem:s0], [sflag:$0x5], $0x2800, $0x38;
	[tilespmem:$0x1F280] =	vst v63  }
0x53: {  	_ =	swait.ge [sflag:s4], $0x2800  }
0x54: {  	[sflag:s4] =	ssyncset.done $0x0  }
0x55: {  	s10 =	rddreg [dreg:$0x13];
	[sflag:s4] =	ssyncadd.s32 $0xFFFFD800  }
0x56: {  	[spmem:s10] =	stream.linear.scatter [tilespmem:s0], [sflag:$0x5], $0x2800, $0x38;
	[tilespmem:$0x1F280] =	vst v63  }
0x57: {  	_ =	swait.ge [sflag:s4], $0x2800  }
0x58: {  	[sflag:s4] =	ssyncset.done $0x0  }
0x59: {  	s12 =	rddreg [dreg:$0x14];
	[sflag:s4] =	ssyncadd.s32 $0xFFFFD800  }
0x5a: {  	[spmem:s12] =	stream.linear.scatter [tilespmem:s0], [sflag:$0x5], $0x2800, $0x38;
	[tilespmem:$0x1F280] =	vst v63  }
0x5b: {  	_ =	swait.ge [sflag:s4], $0x2800  }
0x5c: {  	[sflag:s4] =	ssyncset.done $0x0  }
0x5d: {  	s31 =	rddreg [dreg:$0x15];
	[sflag:s4] =	ssyncadd.s32 $0xFFFFD800  }
0x5e: {  	[spmem:s31] =	stream.linear.scatter [tilespmem:s0], [sflag:$0x5], $0x2800, $0x38;
	[tilespmem:$0x1F280] =	vst v63  }
0x5f: {  	_ =	swait.ge [sflag:s4], $0x2800  }
0x60: {  	[sflag:s4] =	ssyncset.done $0x0  }
0x61: {  	[sflag:s4] =	ssyncadd.s32 $0xFFFFD800  }
0x62: {  	[bflag:$0x0] =	sbarrier.arrive $0xFFFF  }
0x63: {  	s29 =	simm.s32 $0x0;
	s10 =	simm.s32 $0x14000;
	s7 =	rddreg [dreg:$0x4]  }
0x64: {  	[tilespmem:s10], [sflag:$0x5] =	stream.linear.gather [hbm4b:s7+s29], $0x58, $0x38;
	[tilespmem:$0x1F280] =	vst v63  }
0x65: {  	_ =	swait.ge [sflag:s4], $0x58  }
0x66: {  	[sflag:s4] =	ssyncset.done $0x0  }
0x67: {  	[sflag:s4] =	ssyncadd.s32 $0xFFFFFFA8  }
0x68: {  	[tilespmem:s0], [sflag:$0x1] =	stream.indirect.gather [hbm4b:s1+s8], $0x80, s10, s8, $0xb8;
	[tilespmem:$0x1F280] =	vst v63  }
0x69: {  	s31 =	simm.s32 $0x14080;
	s12 =	rddreg [dreg:$0x5]  }
0x6a: {  	[tilespmem:s31], [sflag:$0x5] =	stream.linear.gather [hbm4b:s12+s29], $0x58, $0x38;
	[tilespmem:$0x1F280] =	vst v63  }
0x6b: {  	_ =	swait.ge [sflag:s4], $0x58  }
0x6c: {  	[sflag:s4] =	ssyncset.done $0x0  }
0x6d: {  	[sflag:s4] =	ssyncadd.s32 $0xFFFFFFA8  }
0x6e: {  	[tilespmem:s9], [sflag:$0x2] =	stream.indirect.gather [hbm4b:s1+s8], $0x80, s31, s8, $0xb8;
	[tilespmem:$0x1F280] =	vst v63  }
0x6f: {  	s12 =	simm.s32 $0x14100;
	s10 =	rddreg [dreg:$0x6]  }
0x70: {  	[tilespmem:s12], [sflag:$0x5] =	stream.linear.gather [hbm4b:s10+s29], $0x58, $0x38;
	[tilespmem:$0x1F280] =	vst v63  }
0x71: {  	_ =	swait.ge [sflag:s4], $0x58  }
0x72: {  	[sflag:s4] =	ssyncset.done $0x0  }
0x73: {  	[sflag:s4] =	ssyncadd.s32 $0xFFFFFFA8  }
0x74: {  	[tilespmem:s11], [sflag:$0x3] =	stream.indirect.gather [hbm4b:s1+s8], $0x80, s12, s8, $0xb8;
	[tilespmem:$0x1F280] =	vst v63  }
0x75: {  	s31 =	rddreg [dreg:$0x7]  }
0x76: {  	[tilespmem:s13], [sflag:$0x5] =	stream.linear.gather [hbm4b:s31+s29], $0x58, $0x38;
	[tilespmem:$0x1F280] =	vst v63  }
0x77: {  	_ =	swait.ge [sflag:s4], $0x58  }
0x78: {  	[sflag:s4] =	ssyncset.done $0x0  }
0x79: {  	s30 =	rddreg [dreg:$0xe];
	[sflag:s4] =	ssyncadd.s32 $0xFFFFFFA8  }
0x7a: {  	[tilespmem:s14], [sflag:$0x4] =	stream.indirect.gather [hbm4b:s1+s8], $0x80, s13, s8, $0xb8;
	[tilespmem:$0x1F280] =	vst v63  }
.LBB2_4:
0x7b: {  	_ =	swait.ge [sflag:s15], $0x2C00  }
0x7c: {  	[sflag:s15] =	ssyncset.done $0x0  }
0x7d: {  	s7 =	sadd.s32 s29, s19;
	[sflag:s15] =	ssyncadd.s32 $0xFFFFD400  }
0x7e: {  	[tilespmem:s24], [sflag:$0x5] =	stream.linear.gather [hbm4b:s7+s3], $0x58, $0x38;
	[tilespmem:$0x1F280] =	vst v63  }
0x7f: {  	_ =	swait.ge [sflag:s4], $0x58  }
0x80: {  	[sflag:s4] =	ssyncset.done $0x0  }
0x81: {  	[sflag:s4] =	ssyncadd.s32 $0xFFFFFFA8  }
0x82: {  	[spmem:s2] =	stream.indirect.scatter.add.f32 [tilespmem:s0], [sflag:$0x5], $0x80, s24, s8, $0xb8;
	[tilespmem:$0x1F280] =	vst v63  }
0x83: {  	p1 =	seq.s32 s29, $0x4D0;
	_ =	swait.ge [sflag:s4], $0x2C00  }
0x84: {  	s31 =	simm.s32 @!p1 $0x0;
	s7 =	sshrl.u32 @!p1 s30, $0x3;
	[sflag:s4] =	ssyncset.done $0x0  }
0x85: {  	s6 =	simm.s32 @!p1 $0x14000;
	s7 =	sadd.s32 @!p1 s5, s7;
	[sflag:s4] =	ssyncadd.s32 $0xFFFFD400  }
0x86: {  	[tilespmem:s6], [sflag:$0x5] =	stream.linear.gather @!p1 [hbm4b:s7+s31], $0x58, $0x38;
	[tilespmem:$0x1F280] =	vst v63  }
0x87: {  	s7 =	simm.s32 @!p1 $0x5  }
0x88: {  	_ =	swait.ge @!p1 [sflag:s7], $0x58  }
0x89: {  	[sflag:s7] =	ssyncset.done @!p1 $0x0  }
0x8a: {  	s10 =	simm.s32 @!p1 $0x58;
	s12 =	simm.s32 @!p1 $0x14280;
	[sflag:s7] =	ssyncadd.s32 @!p1 $0xFFFFFFA8  }
0x8b: {  	[tilespmem:s12], [sflag:$0x1] =	stream.indirect.gather @!p1 [hbm4b:s1+s10], $0x80, s6, s10, $0xb8;
	[tilespmem:$0x1F280] =	vst v63  }
0x8c: {  	_ =	swait.ge [sflag:s25], $0x2C00  }
0x8d: {  	[sflag:s25] =	ssyncset.done $0x0  }
0x8e: {  	s12 =	sadd.s32 s29, s18;
	[sflag:s25] =	ssyncadd.s32 $0xFFFFD400  }
0x8f: {  	[tilespmem:s24], [sflag:$0x5] =	stream.linear.gather [hbm4b:s12+s3], $0x58, $0x38;
	[tilespmem:$0x1F280] =	vst v63  }
0x90: {  	_ =	swait.ge [sflag:s4], $0x58  }
0x91: {  	[sflag:s4] =	ssyncset.done $0x0  }
0x92: {  	[sflag:s4] =	ssyncadd.s32 $0xFFFFFFA8  }
0x93: {  	[spmem:s2] =	stream.indirect.scatter.add.f32 [tilespmem:s9], [sflag:$0x5], $0x80, s24, s8, $0xb8;
	[tilespmem:$0x1F280] =	vst v63  }
0x94: {  	_ =	swait.ge [sflag:s4], $0x2C00  }
0x95: {  	[sflag:s4] =	ssyncset.done $0x0  }
0x96: {  	s6 =	sadd.s32 @!p1 s29, s22;
	s12 =	simm.s32 @!p1 $0x14080;
	[sflag:s4] =	ssyncadd.s32 $0xFFFFD400  }
0x97: {  	[tilespmem:s12], [sflag:$0x5] =	stream.linear.gather @!p1 [hbm4b:s6+s31], $0x58, $0x38;
	[tilespmem:$0x1F280] =	vst v63  }
0x98: {  	_ =	swait.ge @!p1 [sflag:s7], $0x58  }
0x99: {  	[sflag:s7] =	ssyncset.done @!p1 $0x0  }
0x9a: {  	s6 =	simm.s32 @!p1 $0x16E80;
	[sflag:s7] =	ssyncadd.s32 @!p1 $0xFFFFFFA8  }
0x9b: {  	[tilespmem:s6], [sflag:$0x2] =	stream.indirect.gather @!p1 [hbm4b:s1+s10], $0x80, s12, s10, $0xb8;
	[tilespmem:$0x1F280] =	vst v63  }
0x9c: {  	_ =	swait.ge [sflag:s23], $0x2C00  }
0x9d: {  	[sflag:s23] =	ssyncset.done $0x0  }
0x9e: {  	s12 =	sadd.s32 s29, s17;
	[sflag:s23] =	ssyncadd.s32 $0xFFFFD400  }
0x9f: {  	[tilespmem:s24], [sflag:$0x5] =	stream.linear.gather [hbm4b:s12+s3], $0x58, $0x38;
	[tilespmem:$0x1F280] =	vst v63  }
0xa0: {  	_ =	swait.ge [sflag:s4], $0x58  }
0xa1: {  	[sflag:s4] =	ssyncset.done $0x0  }
0xa2: {  	[sflag:s4] =	ssyncadd.s32 $0xFFFFFFA8  }
0xa3: {  	[spmem:s2] =	stream.indirect.scatter.add.f32 [tilespmem:s11], [sflag:$0x5], $0x80, s24, s8, $0xb8;
	[tilespmem:$0x1F280] =	vst v63  }
0xa4: {  	_ =	swait.ge [sflag:s4], $0x2C00  }
0xa5: {  	[sflag:s4] =	ssyncset.done $0x0  }
0xa6: {  	s6 =	sadd.s32 @!p1 s29, s21;
	s12 =	simm.s32 @!p1 $0x14100;
	[sflag:s4] =	ssyncadd.s32 $0xFFFFD400  }
0xa7: {  	[tilespmem:s12], [sflag:$0x5] =	stream.linear.gather @!p1 [hbm4b:s6+s31], $0x58, $0x38;
	[tilespmem:$0x1F280] =	vst v63  }
0xa8: {  	_ =	swait.ge @!p1 [sflag:s7], $0x58  }
0xa9: {  	[sflag:s7] =	ssyncset.done @!p1 $0x0  }
0xaa: {  	s6 =	simm.s32 @!p1 $0x19A80;
	[sflag:s7] =	ssyncadd.s32 @!p1 $0xFFFFFFA8  }
0xab: {  	[tilespmem:s6], [sflag:$0x3] =	stream.indirect.gather @!p1 [hbm4b:s1+s10], $0x80, s12, s10, $0xb8;
	[tilespmem:$0x1F280] =	vst v63  }
0xac: {  	_ =	swait.ge [sflag:s26], $0x2C00  }
0xad: {  	[sflag:s26] =	ssyncset.done $0x0  }
0xae: {  	s31 =	sadd.s32 s29, s16;
	[sflag:s26] =	ssyncadd.s32 $0xFFFFD400  }
0xaf: {  	[tilespmem:s24], [sflag:$0x5] =	stream.linear.gather [hbm4b:s31+s3], $0x58, $0x38;
	[tilespmem:$0x1F280] =	vst v63  }
0xb0: {  	_ =	swait.ge [sflag:s4], $0x58  }
0xb1: {  	[sflag:s4] =	ssyncset.done $0x0  }
.Ltmp3:
0xb2: {  	[sflag:s4] =	ssyncadd.s32 $0xFFFFFFA8;
	(pc) =	sbr.rel @p1 .LBB2_6-.Ltmp3, $4  }
0xb3: {  	[spmem:s2] =	stream.indirect.scatter.add.f32 [tilespmem:s14], [sflag:$0x5], $0x80, s24, s8, $0xb8;
	[tilespmem:$0x1F280] =	vst v63  }
0xb4: {  	_ =	swait.ge [sflag:s4], $0x2C00  }
0xb5: {  	[sflag:s4] =	ssyncset.done $0x0  }
0xb6: {  	[sflag:s4] =	ssyncadd.s32 $0xFFFFD400  }
0xb7: {  	s6 =	sadd.s32 s29, s20  }
0xb8: {  	[tilespmem:s13], [sflag:$0x5] =	stream.linear.gather [hbm4b:s6+s3], $0x58, $0x38;
	[tilespmem:$0x1F280] =	vst v63  }
.Ltmp4:
0xb9: {  	_ = 	snop;
	(pc) =	sbr.rel .LBB2_4-.Ltmp4, $4  }
0xba: {  	_ =	swait.ge [sflag:s4], $0x58  }
0xbb: {  	[sflag:s4] =	ssyncset.done $0x0  }
0xbc: {  	s29 =	sadd.s32 $0x2C, s29;
	s30 =	sadd.s32 $0x160, s30;
	[sflag:s4] =	ssyncadd.s32 $0xFFFFFFA8  }
0xbd: {  	[tilespmem:s14], [sflag:$0x4] =	stream.indirect.gather [hbm4b:s1+s8], $0x80, s13, s8, $0xb8;
	[tilespmem:$0x1F280] =	vst v63  }
.LBB2_7:
0xbe: {  	_ =	sfence.sel $0x180000  }
0xbf: {  	[bflag:$0x0] =	sbarrier.arrive $0xFFFF  }
0xc0: {  	_ =	strace $0x90000047  }
0xc1: {  	[bflag:$0x2] =	sbarrier.arrive $0xFFFF  }
0xc2: {  	s0 =	rddreg [dreg:$0x3]  }
0xc3: {  	s0 =	sadd.s32 @!p0 $0x100000, s0  }
0xc4: {  	[sflag:s0] =	ssyncadd.tile.s32 @!p0 $0x1;
	_ =	shalt  }
.Lfunc_end2:
_tile_overlayer_lowered:
.L_overlay_start_2:
0xc5: {  	(tag) =	ssettag $0x2  }
0xc6: {  	s0 =	rddreg [dreg:$0x0];
	s2 =	stileid.u32  }
0xc7: {  	s1 =	rddreg [dreg:$0x1];
	p0 =	sne.s32 s2, $0x0  }
0xc8: {  	s3 =	rddreg [dreg:$0x2];
	[bflag:$0x3] =	sbarrier.arrive $0xFFFF;
	s2 =	simm.s32 @!p0 $0x1C05  }
0xc9: {  	[timem:s3], [sflag:s2] =	dma.local @!p0 [hbm:s0], s1  }
0xca: {  	s0 =	simm.s32 @!p0 $0x5  }
0xcb: {  	_ =	swait.ge @!p0 [sflag:s0], s1  }
0xcc: {  	s1 =	ssub.s32 @!p0 $0x0, s1;
	[sflag:s0] =	ssyncset.done @!p0 $0x0  }
0xcd: {  	[sflag:s0] =	ssyncadd.s32 @!p0 s1  }
0xce: {  	[bflag:$0x3] =	sbarrier.arrive $0xFFFF  }
0xcf: {  	_ =	shalt  }

</sc_bundles>
